<compile_context>
chip_gen: v7x
topology: tpu7x:2x2x1
jax: 0.10.2.dev20260603
libtpu: 0.0.44.dev20260713+nightly
codegen_flags: <defaults>
</compile_context>

<pallas_src>
import functools

import jax
import jax.numpy as jnp
from jax import lax
from jax.experimental import pallas as pl
from jax.experimental.pallas import tpu as pltpu
from jax.experimental.pallas import tpu_sc as plsc

N = 10000
E = 320000
D = 128
DH = D // 2
EPS = 1e-5

NC = 2
NS = 16

_sc_mesh = plsc.VectorSubcoreMesh(core_axis_name="c", subcore_axis_name="s")

CHA = 125
EPT = E // NS
NCHT = EPT // CHA
DEG_G = 8


@functools.partial(
    pl.kernel,
    out_type=jax.ShapeDtypeStruct((NC * N,), jnp.float32),
    mesh=_sc_mesh,
    scratch_types=[
        pltpu.VMEM((NCHT, CHA), jnp.int32),
        pltpu.VMEM((128,), jnp.float32),
        pltpu.VMEM((1000,), jnp.float32),
        pltpu.VMEM((N,), jnp.float32),
        pltpu.VMEM_SHARED((N,), jnp.float32),
        pltpu.SemaphoreType.DMA,
    ],
    compiler_params=pltpu.CompilerParams(use_tc_tiling_on_sc=False),
)
def _deg_kernel(src2, dst2, z1, deg_out, idx_v, ones_v, zv, dv, deg_s, sem):
    c = lax.axis_index("c")
    s = lax.axis_index("s")
    for i in range(128 // 16):
        ones_v[pl.ds(i * 16, 16)] = jnp.ones((16,), jnp.float32)
    ones_r = ones_v.at[pl.ds(0, CHA)]
    @pl.when(c == 0)
    def _():
        pltpu.sync_copy(src2.at[pl.ds(s * NCHT, NCHT)], idx_v)

    @pl.when(c == 1)
    def _():
        pltpu.sync_copy(dst2.at[pl.ds(s * NCHT, NCHT)], idx_v)
    @pl.when(s < 10)
    def _():
        pltpu.sync_copy(z1.at[pl.ds(s * 1000, 1000)], zv)
        pltpu.sync_copy(zv, deg_s.at[pl.ds(s * 1000, 1000)])
    plsc.subcore_barrier()

    @pl.loop(0, NCHT, step=DEG_G)
    def _(jb):
        for g in range(DEG_G):
            pltpu.async_copy(ones_r, deg_s.at[idx_v.at[jb + g]], sem, add=True)
        for g in range(DEG_G):
            pltpu.make_async_copy(ones_r, deg_s.at[idx_v.at[jb + g]], sem).wait()

    plsc.subcore_barrier()

    @pl.when(s == 0)
    def _():
        pltpu.sync_copy(deg_s, dv)
        pltpu.sync_copy(dv, deg_out.at[pl.ds(c * N, N)])


ZT = 10
RPZ = N // ZT
SRW = 200
NBUF = 4
PF = 2
NQ = 1
QCH = NCHT // NQ


@functools.partial(
    pl.kernel,
    out_type=jax.ShapeDtypeStruct((NC * N, DH), jnp.float32),
    mesh=_sc_mesh,
    scratch_types=[
        pltpu.VMEM((QCH, CHA), jnp.int32),
        pltpu.VMEM((QCH, CHA), jnp.int32),
        pltpu.VMEM((NBUF, CHA, DH), jnp.float32),
        pltpu.VMEM((SRW, DH), jnp.float32),
        pltpu.VMEM_SHARED((N, DH), jnp.float32),
    ] + [pltpu.SemaphoreType.DMA] * (2 * NBUF),
    compiler_params=pltpu.CompilerParams(use_tc_tiling_on_sc=False),
)
def _agg_kernel(feat_lo, feat_hi, src2, dst2, zh, part,
                sidx_v, didx_v, rows_v, stage_v, agg_s, *sems):
    gsem = sems[:NBUF]
    ssem = sems[NBUF:]
    c = lax.axis_index("c")
    s = lax.axis_index("s")
    @pl.when(s < ZT)
    def _():
        for r in range(RPZ // SRW):
            off = pl.ds(s * RPZ + r * SRW, SRW)
            pltpu.sync_copy(zh.at[off], stage_v)
            pltpu.sync_copy(stage_v, agg_s.at[off])
    plsc.subcore_barrier()

    def edge_pass(ftab):
        def start_gather(j, b):
            pltpu.async_copy(ftab.at[sidx_v.at[j]], rows_v.at[b], gsem[b])

        def wait_gather(j, b):
            pltpu.make_async_copy(ftab.at[sidx_v.at[j]], rows_v.at[b],
                                  gsem[b]).wait()

        def start_scatter(j, b):
            pltpu.async_copy(rows_v.at[b], agg_s.at[didx_v.at[j]], ssem[b],
                             add=True)

        def wait_scatter(j, b):
            pltpu.make_async_copy(rows_v.at[b], agg_s.at[didx_v.at[j]],
                                  ssem[b]).wait()

        for q in range(NQ):
            qoff = pl.ds(s * NCHT + q * QCH, QCH)
            pltpu.sync_copy(src2.at[qoff], sidx_v)
            pltpu.sync_copy(dst2.at[qoff], didx_v)

            for b in range(PF):
                start_gather(b, b)

            @pl.loop(0, QCH, step=NBUF)
            def _(jb):
                for bb in range(NBUF):
                    j = jb + bb
                    nb = (bb + PF) % NBUF
                    @pl.when(j + PF < QCH)
                    def _(j=j, nb=nb):
                        @pl.when(j + PF - NBUF >= 0)
                        def _():
                            wait_scatter(j + PF - NBUF, nb)
                        start_gather(j + PF, nb)
                    wait_gather(j, bb)
                    start_scatter(j, bb)

            for bb in range(NBUF):
                j = QCH - NBUF + bb
                wait_scatter(j, j % NBUF)

    @pl.when(c == 0)
    def _():
        edge_pass(feat_lo)

    @pl.when(c == 1)
    def _():
        edge_pass(feat_hi)

    plsc.subcore_barrier()

    @pl.when(s < ZT)
    def _():
        for r in range(RPZ // SRW):
            pltpu.sync_copy(agg_s.at[pl.ds(s * RPZ + r * SRW, SRW)], stage_v)
            pltpu.sync_copy(stage_v,
                            part.at[pl.ds(c * N + s * RPZ + r * SRW, SRW)])


def _feat_body(x_ref, dsrc_ref, ddst_ref, flo_ref, fhi_ref, ndst_ref):
    nsrc = lax.rsqrt(jnp.maximum(dsrc_ref[...], 1.0))
    flo_ref[...] = x_ref[:, :DH] * nsrc
    fhi_ref[...] = x_ref[:, DH:] * nsrc
    ndst_ref[...] = lax.rsqrt(jnp.maximum(ddst_ref[...], 1.0))


_feat_call = pl.pallas_call(
    _feat_body,
    out_shape=[
        jax.ShapeDtypeStruct((N, DH), jnp.float32),
        jax.ShapeDtypeStruct((N, DH), jnp.float32),
        jax.ShapeDtypeStruct((N, 1), jnp.float32),
    ],
)


def _final_body(p_ref, w_ref, b_ref, x_ref, ndst_ref, g_ref, be_ref, o_ref):
    rst = (jnp.dot(p_ref[0], w_ref[0], preferred_element_type=jnp.float32)
           + jnp.dot(p_ref[1], w_ref[1], preferred_element_type=jnp.float32))
    rst = rst * ndst_ref[...] + b_ref[...]
    mean = jnp.mean(rst, axis=0, keepdims=True)
    var = jnp.mean(rst * rst, axis=0, keepdims=True) - mean * mean
    o_ref[...] = ((rst - mean) * lax.rsqrt(var + EPS) * g_ref[...]
                  + be_ref[...] + x_ref[...])


_final_call = pl.pallas_call(
    _final_body,
    out_shape=jax.ShapeDtypeStruct((N, D), jnp.float32),
)


def kernel(x, edge_index, W, b, gamma, beta):
    src2 = edge_index[0].reshape(E // CHA, CHA)
    dst2 = edge_index[1].reshape(E // CHA, CHA)
    z1 = jnp.zeros((N,), jnp.float32)
    zh = jnp.zeros((N, DH), jnp.float32)

    deg = _deg_kernel(src2, dst2, z1)
    dsrc = deg[:N].reshape(N, 1)
    ddst = deg[N:].reshape(N, 1)
    flo, fhi, ndst = _feat_call(x, dsrc, ddst)
    part = _agg_kernel(flo, fhi, src2, dst2, zh).reshape(NC, N, DH)
    w2 = W.reshape(2, DH, D)
    return _final_call(part, w2, b.reshape(1, D), x, ndst,
                       gamma.reshape(1, D), beta.reshape(1, D))

# --- scband reference (transcript-rebuilt; emitter-appended) ---
"""Pipeline reference for scband-gcnlayer-35270271435701 (READ-ONLY COPY).

The authoritative reference and input builder live on the scoring server;
editing this copy changes nothing except your own understanding.
"""

import jax, jax.numpy as jnp
import numpy as np

N = 10000
E = 320000
D = 128
EPS = 1e-5

def setup_inputs(seed: int = 0) -> dict:
    key = jax.random.key(seed)
    k1, k2, k3, k4 = jax.random.split(key, 4)
    x = jax.random.normal(k1, (N, D), dtype=jnp.float32)
    edge_index = jax.random.randint(k2, (2, E), 0, N, dtype=jnp.int32)
    # GraphConv weight (Glorot-style) and bias
    W = jax.random.normal(k3, (D, D), dtype=jnp.float32) * (1.0 / np.sqrt(D))
    b = jnp.zeros((D,), dtype=jnp.float32)
    # BatchNorm affine params
    gamma = jnp.ones((D,), dtype=jnp.float32)
    beta = jnp.zeros((D,), dtype=jnp.float32)
    return {"x": x, "edge_index": edge_index, "W": W, "b": b, "gamma": gamma, "beta": beta}


def reference(x, edge_index, W, b, gamma, beta):
    src = edge_index[0]
    dst = edge_index[1]
    # DGL GraphConv with norm='both', allow_zero_in_degree=True
    out_deg = jnp.bincount(src, length=N).astype(jnp.float32)
    in_deg = jnp.bincount(dst, length=N).astype(jnp.float32)
    norm_src = jnp.clip(out_deg, 1.0, None) ** -0.5
    norm_dst = jnp.clip(in_deg, 1.0, None) ** -0.5
    feat = x * norm_src[:, None]
    # in_feats == out_feats -> aggregate first, then matmul
    msg = jnp.take(feat, src, axis=0)
    agg = jnp.zeros((N, D), dtype=jnp.float32).at[dst].add(msg)
    rst = agg @ W
    rst = rst * norm_dst[:, None]
    rst = rst + b
    # BatchNorm1d (training mode: batch statistics)
    mean = jnp.mean(rst, axis=0)
    var = jnp.var(rst, axis=0)
    h = (rst - mean) / jnp.sqrt(var + EPS) * gamma + beta
    # activation=None, residual=True, dropout=0.0
    h = x + h
    return h

if __name__ == "__main__":
    import jax
    _d = setup_inputs()
    print(jax.jit(kernel)(*tuple(_d.values())))

</pallas_src>

<mosaic_0001>
#map = affine_map<(d0, d1) -> (0, 0)>
#map1 = affine_map<(d0, d1) -> (0)>
module attributes {stable_mosaic.version = 14 : i64} {
  func.func @_deg_kernel(%arg0: i32, %arg1: i32, %arg2: memref<2560x125xi32, #tpu.memory_space<hbm>>, %arg3: memref<2560x125xi32, #tpu.memory_space<hbm>>, %arg4: memref<10000xf32, #tpu.memory_space<hbm>>, %arg5: memref<20000xf32, #tpu.memory_space<hbm>>, %arg6: memref<160x125xi32, #tpu.memory_space<vmem>>, %arg7: memref<128xf32, #tpu.memory_space<vmem>>, %arg8: memref<1000xf32, #tpu.memory_space<vmem>>, %arg9: memref<10000xf32, #tpu.memory_space<vmem>>, %arg10: memref<10000xf32, #tpu.memory_space<vmem_shared>>, %arg11: memref<!tpu.dma_semaphore, #tpu.memory_space<semaphore_mem>>) attributes {dimension_semantics = [#tpu.dimension_semantics<core_parallel>, #tpu.dimension_semantics<subcore_parallel>], iteration_bounds = array<i64: 2, 16>, scalar_prefetch = 0 : i64, scratch_operands = 6 : i64, tpu.core_type = #tpu.core_type<sc_vector_subcore>, window_params = [{transform_indices = #map}, {transform_indices = #map}, {transform_indices = #map1}, {transform_indices = #map1}]} {
    %broadcast_in_dim3A = arith.constant 1.000000e+00 : f32
    %broadcast_in_dim3A_0 = vector.broadcast %broadcast_in_dim3A : f32 to vector<16xf32>
    %swap3A = arith.constant 0 : index
    %swap3A_1 = tpu.vector_load %arg7[%swap3A] {strides = array<i32>} : memref<128xf32, #tpu.memory_space<vmem>>, vector<16xf32>,
    %swap3A_2 = vector.shape_cast %swap3A_1 : vector<16xf32> to vector<16xf32>
    %swap3A_3 = vector.shape_cast %broadcast_in_dim3A_0 : vector<16xf32> to vector<16xf32>
    tpu.vector_store %arg7[%swap3A], %swap3A_3 {strides = array<i32>} : memref<128xf32, #tpu.memory_space<vmem>>, vector<16xf32>,
    %broadcast_in_dim3A_4 = arith.constant 1.000000e+00 : f32
    %broadcast_in_dim3A_5 = vector.broadcast %broadcast_in_dim3A_4 : f32 to vector<16xf32>
    %swap3A_6 = arith.constant 16 : index
    %swap3A_7 = tpu.vector_load %arg7[%swap3A_6] {strides = array<i32>} : memref<128xf32, #tpu.memory_space<vmem>>, vector<16xf32>,
    %swap3A_8 = vector.shape_cast %swap3A_7 : vector<16xf32> to vector<16xf32>
    %swap3A_9 = vector.shape_cast %broadcast_in_dim3A_5 : vector<16xf32> to vector<16xf32>
    tpu.vector_store %arg7[%swap3A_6], %swap3A_9 {strides = array<i32>} : memref<128xf32, #tpu.memory_space<vmem>>, vector<16xf32>,
    %broadcast_in_dim3A_10 = arith.constant 1.000000e+00 : f32
    %broadcast_in_dim3A_11 = vector.broadcast %broadcast_in_dim3A_10 : f32 to vector<16xf32>
    %swap3A_12 = arith.constant 32 : index
    %swap3A_13 = tpu.vector_load %arg7[%swap3A_12] {strides = array<i32>} : memref<128xf32, #tpu.memory_space<vmem>>, vector<16xf32>,
    %swap3A_14 = vector.shape_cast %swap3A_13 : vector<16xf32> to vector<16xf32>
    %swap3A_15 = vector.shape_cast %broadcast_in_dim3A_11 : vector<16xf32> to vector<16xf32>
    tpu.vector_store %arg7[%swap3A_12], %swap3A_15 {strides = array<i32>} : memref<128xf32, #tpu.memory_space<vmem>>, vector<16xf32>,
    %broadcast_in_dim3A_16 = arith.constant 1.000000e+00 : f32
    %broadcast_in_dim3A_17 = vector.broadcast %broadcast_in_dim3A_16 : f32 to vector<16xf32>
    %swap3A_18 = arith.constant 48 : index
    %swap3A_19 = tpu.vector_load %arg7[%swap3A_18] {strides = array<i32>} : memref<128xf32, #tpu.memory_space<vmem>>, vector<16xf32>,
    %swap3A_20 = vector.shape_cast %swap3A_19 : vector<16xf32> to vector<16xf32>
    %swap3A_21 = vector.shape_cast %broadcast_in_dim3A_17 : vector<16xf32> to vector<16xf32>
    tpu.vector_store %arg7[%swap3A_18], %swap3A_21 {strides = array<i32>} : memref<128xf32, #tpu.memory_space<vmem>>, vector<16xf32>,
    %broadcast_in_dim3A_22 = arith.constant 1.000000e+00 : f32
    %broadcast_in_dim3A_23 = vector.broadcast %broadcast_in_dim3A_22 : f32 to vector<16xf32>
    %swap3A_24 = arith.constant 64 : index
    %swap3A_25 = tpu.vector_load %arg7[%swap3A_24] {strides = array<i32>} : memref<128xf32, #tpu.memory_space<vmem>>, vector<16xf32>,
    %swap3A_26 = vector.shape_cast %swap3A_25 : vector<16xf32> to vector<16xf32>
    %swap3A_27 = vector.shape_cast %broadcast_in_dim3A_23 : vector<16xf32> to vector<16xf32>
    tpu.vector_store %arg7[%swap3A_24], %swap3A_27 {strides = array<i32>} : memref<128xf32, #tpu.memory_space<vmem>>, vector<16xf32>,
    %broadcast_in_dim3A_28 = arith.constant 1.000000e+00 : f32
    %broadcast_in_dim3A_29 = vector.broadcast %broadcast_in_dim3A_28 : f32 to vector<16xf32>
    %swap3A_30 = arith.constant 80 : index
    %swap3A_31 = tpu.vector_load %arg7[%swap3A_30] {strides = array<i32>} : memref<128xf32, #tpu.memory_space<vmem>>, vector<16xf32>,
    %swap3A_32 = vector.shape_cast %swap3A_31 : vector<16xf32> to vector<16xf32>
    %swap3A_33 = vector.shape_cast %broadcast_in_dim3A_29 : vector<16xf32> to vector<16xf32>
    tpu.vector_store %arg7[%swap3A_30], %swap3A_33 {strides = array<i32>} : memref<128xf32, #tpu.memory_space<vmem>>, vector<16xf32>,
    %broadcast_in_dim3A_34 = arith.constant 1.000000e+00 : f32
    %broadcast_in_dim3A_35 = vector.broadcast %broadcast_in_dim3A_34 : f32 to vector<16xf32>
    %swap3A_36 = arith.constant 96 : index
    %swap3A_37 = tpu.vector_load %arg7[%swap3A_36] {strides = array<i32>} : memref<128xf32, #tpu.memory_space<vmem>>, vector<16xf32>,
    %swap3A_38 = vector.shape_cast %swap3A_37 : vector<16xf32> to vector<16xf32>
    %swap3A_39 = vector.shape_cast %broadcast_in_dim3A_35 : vector<16xf32> to vector<16xf32>
    tpu.vector_store %arg7[%swap3A_36], %swap3A_39 {strides = array<i32>} : memref<128xf32, #tpu.memory_space<vmem>>, vector<16xf32>,
    %broadcast_in_dim3A_40 = arith.constant 1.000000e+00 : f32
    %broadcast_in_dim3A_41 = vector.broadcast %broadcast_in_dim3A_40 : f32 to vector<16xf32>
    %swap3A_42 = arith.constant 112 : index
    %swap3A_43 = tpu.vector_load %arg7[%swap3A_42] {strides = array<i32>} : memref<128xf32, #tpu.memory_space<vmem>>, vector<16xf32>,
    %swap3A_44 = vector.shape_cast %swap3A_43 : vector<16xf32> to vector<16xf32>
    %swap3A_45 = vector.shape_cast %broadcast_in_dim3A_41 : vector<16xf32> to vector<16xf32>
    tpu.vector_store %arg7[%swap3A_42], %swap3A_45 {strides = array<i32>} : memref<128xf32, #tpu.memory_space<vmem>>, vector<16xf32>,
    %eq3A = arith.constant 0 : i32
    %eq3A_46 = arith.cmpi eq, %arg0, %eq3A : i32
    %convert_element_type3A = arith.extui %eq3A_46 : i1 to i32
    %cond3A = arith.constant 0 : i32
    %cond3A_47 = arith.cmpi ne, %convert_element_type3A, %cond3A : i32
    scf.if %cond3A_47 {
      %mul3A = arith.constant 160 : i32
      %mul3A_67 = arith.muli %arg1, %mul3A : i32
      "tpu.region"() ({
        %run_scoped3A = tpu.sem_alloc : memref<!tpu.dma_semaphore, #tpu.memory_space<semaphore_mem>>
        %dma_start3A = arith.constant 0 : i32
        %dma_start3A_68 = tpu.memref_slice %arg2[%mul3A_67, %dma_start3A] : memref<2560x125xi32, #tpu.memory_space<hbm>> -> memref<160x125xi32, #tpu.memory_space<hbm>>
        %dma_start3A_69 = arith.constant 0 : i32
        %dma_start3A_70 = tpu.memref_slice %arg2[%mul3A_67, %dma_start3A_69] : memref<2560x125xi32, #tpu.memory_space<hbm>> -> memref<160x125xi32, #tpu.memory_space<hbm>>
        tpu.enqueue_dma source(%dma_start3A_70 : memref<160x125xi32, #tpu.memory_space<hbm>>) target(%arg6 : memref<160x125xi32, #tpu.memory_space<vmem>>) target_semaphore(%run_scoped3A : memref<!tpu.dma_semaphore, #tpu.memory_space<semaphore_mem>>)
        %dma_wait3A = arith.constant 0 : i32
        %dma_wait3A_71 = tpu.memref_slice %arg2[%mul3A_67, %dma_wait3A] : memref<2560x125xi32, #tpu.memory_space<hbm>> -> memref<160x125xi32, #tpu.memory_space<hbm>>
        %dma_wait3A_72 = arith.constant 0 : i32
        %dma_wait3A_73 = tpu.memref_slice %arg2[%mul3A_67, %dma_wait3A_72] : memref<2560x125xi32, #tpu.memory_space<hbm>> -> memref<160x125xi32, #tpu.memory_space<hbm>>
        tpu.wait_dma2 semaphore(%run_scoped3A : memref<!tpu.dma_semaphore, #tpu.memory_space<semaphore_mem>>) src(%dma_wait3A_73 : memref<160x125xi32, #tpu.memory_space<hbm>>) dst(%arg6 : memref<160x125xi32, #tpu.memory_space<vmem>>)
        tpu.yield
      }) : () -> ()
    } else {
    }
    %eq3A_48 = arith.constant 1 : i32
    %eq3A_49 = arith.cmpi eq, %arg0, %eq3A_48 : i32
    %convert_element_type3A_50 = arith.extui %eq3A_49 : i1 to i32
    %cond3A_51 = arith.constant 0 : i32
    %cond3A_52 = arith.cmpi ne, %convert_element_type3A_50, %cond3A_51 : i32
    scf.if %cond3A_52 {
      %mul3A = arith.constant 160 : i32
      %mul3A_67 = arith.muli %arg1, %mul3A : i32
      "tpu.region"() ({
        %run_scoped3A = tpu.sem_alloc : memref<!tpu.dma_semaphore, #tpu.memory_space<semaphore_mem>>
        %dma_start3A = arith.constant 0 : i32
        %dma_start3A_68 = tpu.memref_slice %arg3[%mul3A_67, %dma_start3A] : memref<2560x125xi32, #tpu.memory_space<hbm>> -> memref<160x125xi32, #tpu.memory_space<hbm>>
        %dma_start3A_69 = arith.constant 0 : i32
        %dma_start3A_70 = tpu.memref_slice %arg3[%mul3A_67, %dma_start3A_69] : memref<2560x125xi32, #tpu.memory_space<hbm>> -> memref<160x125xi32, #tpu.memory_space<hbm>>
        tpu.enqueue_dma source(%dma_start3A_70 : memref<160x125xi32, #tpu.memory_space<hbm>>) target(%arg6 : memref<160x125xi32, #tpu.memory_space<vmem>>) target_semaphore(%run_scoped3A : memref<!tpu.dma_semaphore, #tpu.memory_space<semaphore_mem>>)
        %dma_wait3A = arith.constant 0 : i32
        %dma_wait3A_71 = tpu.memref_slice %arg3[%mul3A_67, %dma_wait3A] : memref<2560x125xi32, #tpu.memory_space<hbm>> -> memref<160x125xi32, #tpu.memory_space<hbm>>
        %dma_wait3A_72 = arith.constant 0 : i32
        %dma_wait3A_73 = tpu.memref_slice %arg3[%mul3A_67, %dma_wait3A_72] : memref<2560x125xi32, #tpu.memory_space<hbm>> -> memref<160x125xi32, #tpu.memory_space<hbm>>
        tpu.wait_dma2 semaphore(%run_scoped3A : memref<!tpu.dma_semaphore, #tpu.memory_space<semaphore_mem>>) src(%dma_wait3A_73 : memref<160x125xi32, #tpu.memory_space<hbm>>) dst(%arg6 : memref<160x125xi32, #tpu.memory_space<vmem>>)
        tpu.yield
      }) : () -> ()
    } else {
    }
    %lt3A = arith.constant 10 : i32
    %lt3A_53 = arith.cmpi slt, %arg1, %lt3A : i32
    %convert_element_type3A_54 = arith.extui %lt3A_53 : i1 to i32
    %cond3A_55 = arith.constant 0 : i32
    %cond3A_56 = arith.cmpi ne, %convert_element_type3A_54, %cond3A_55 : i32
    scf.if %cond3A_56 {
      %mul3A = arith.constant 1000 : i32
      %mul3A_67 = arith.muli %arg1, %mul3A : i32
      "tpu.region"() ({
        %run_scoped3A = tpu.sem_alloc : memref<!tpu.dma_semaphore, #tpu.memory_space<semaphore_mem>>
        %dma_start3A = tpu.memref_slice %arg4[%mul3A_67] : memref<10000xf32, #tpu.memory_space<hbm>> -> memref<1000xf32, #tpu.memory_space<hbm>>
        %dma_start3A_70 = tpu.memref_slice %arg4[%mul3A_67] : memref<10000xf32, #tpu.memory_space<hbm>> -> memref<1000xf32, #tpu.memory_space<hbm>>
        tpu.enqueue_dma source(%dma_start3A_70 : memref<1000xf32, #tpu.memory_space<hbm>>) target(%arg8 : memref<1000xf32, #tpu.memory_space<vmem>>) target_semaphore(%run_scoped3A : memref<!tpu.dma_semaphore, #tpu.memory_space<semaphore_mem>>)
        %dma_wait3A = tpu.memref_slice %arg4[%mul3A_67] : memref<10000xf32, #tpu.memory_space<hbm>> -> memref<1000xf32, #tpu.memory_space<hbm>>
        %dma_wait3A_71 = tpu.memref_slice %arg4[%mul3A_67] : memref<10000xf32, #tpu.memory_space<hbm>> -> memref<1000xf32, #tpu.memory_space<hbm>>
        tpu.wait_dma2 semaphore(%run_scoped3A : memref<!tpu.dma_semaphore, #tpu.memory_space<semaphore_mem>>) src(%dma_wait3A_71 : memref<1000xf32, #tpu.memory_space<hbm>>) dst(%arg8 : memref<1000xf32, #tpu.memory_space<vmem>>)
        tpu.yield
      }) : () -> ()
      %mul3A_68 = arith.constant 1000 : i32
      %mul3A_69 = arith.muli %arg1, %mul3A_68 : i32
      "tpu.region"() ({
        %run_scoped3A = tpu.sem_alloc : memref<!tpu.dma_semaphore, #tpu.memory_space<semaphore_mem>>
        %dma_start3A = tpu.memref_slice %arg10[%mul3A_69] : memref<10000xf32, #tpu.memory_space<vmem_shared>> -> memref<1000xf32, #tpu.memory_space<vmem_shared>>
        %dma_start3A_70 = tpu.memref_slice %arg10[%mul3A_69] : memref<10000xf32, #tpu.memory_space<vmem_shared>> -> memref<1000xf32, #tpu.memory_space<vmem_shared>>
        tpu.enqueue_dma source(%arg8 : memref<1000xf32, #tpu.memory_space<vmem>>) target(%dma_start3A_70 : memref<1000xf32, #tpu.memory_space<vmem_shared>>) target_semaphore(%run_scoped3A : memref<!tpu.dma_semaphore, #tpu.memory_space<semaphore_mem>>)
        %dma_wait3A = tpu.memref_slice %arg10[%mul3A_69] : memref<10000xf32, #tpu.memory_space<vmem_shared>> -> memref<1000xf32, #tpu.memory_space<vmem_shared>>
        %dma_wait3A_71 = tpu.memref_slice %arg10[%mul3A_69] : memref<10000xf32, #tpu.memory_space<vmem_shared>> -> memref<1000xf32, #tpu.memory_space<vmem_shared>>
        tpu.wait_dma2 semaphore(%run_scoped3A : memref<!tpu.dma_semaphore, #tpu.memory_space<semaphore_mem>>) src(%arg8 : memref<1000xf32, #tpu.memory_space<vmem>>) dst(%dma_wait3A_71 : memref<1000xf32, #tpu.memory_space<vmem_shared>>)
        tpu.yield
      }) : () -> ()
    } else {
    }
    %barrier3A = arith.constant 0 : index
    tpu.barrier barrier_id(%barrier3A)
    %scan3A = arith.constant 0 : i32
    %scan3A_57 = arith.constant 20 : i32
    %scan3A_58 = arith.addi %scan3A, %scan3A_57 : i32
    %scan3A_59 = arith.constant 1 : i32
    scf.for %scan3A_67 = %scan3A to %scan3A_58 step %scan3A_59  : i32 {
      %mul3A = arith.constant 8 : i32
      %mul3A_68 = arith.muli %scan3A_67, %mul3A : i32
      %add3A = arith.constant 0 : i32
      %add3A_69 = arith.addi %add3A, %mul3A_68 : i32
      %add3A_70 = arith.constant 0 : i32
      %add3A_71 = arith.addi %add3A_69, %add3A_70 : i32
      %dma_start3A = arith.constant 0 : i32
      %dma_start3A_72 = tpu.memref_slice %arg7[%dma_start3A] : memref<128xf32, #tpu.memory_space<vmem>> -> memref<125xf32, #tpu.memory_space<vmem>>
      %dma_start3A_73 = arith.constant 0 : i32
      %dma_start3A_74 = tpu.memref_slice %arg6[%add3A_71, %dma_start3A_73] : memref<160x125xi32, #tpu.memory_space<vmem>> -> memref<1x125xi32, #tpu.memory_space<vmem>>
      %dma_start3A_75 = tpu.memref_squeeze %dma_start3A_74 : memref<1x125xi32, #tpu.memory_space<vmem>> -> memref<125xi32, #tpu.memory_space<vmem>>
      %dma_start3A_76 = arith.constant 0 : i32
      %dma_start3A_77 = tpu.memref_slice %arg10[%dma_start3A_76] : memref<10000xf32, #tpu.memory_space<vmem_shared>> -> memref<10000xf32, #tpu.memory_space<vmem_shared>>
      tpu.enqueue_indirect_dma source(%dma_start3A_72 : memref<125xf32, #tpu.memory_space<vmem>>) target(%dma_start3A_77 : memref<10000xf32, #tpu.memory_space<vmem_shared>>) offsets(%dma_start3A_75 : memref<125xi32, #tpu.memory_space<vmem>>) semaphore(%arg11 : memref<!tpu.dma_semaphore, #tpu.memory_space<semaphore_mem>>) {add = true}
      %add3A_78 = arith.constant 1 : i32
      %add3A_79 = arith.addi %add3A_69, %add3A_78 : i32
      %dma_start3A_80 = arith.constant 0 : i32
      %dma_start3A_81 = tpu.memref_slice %arg7[%dma_start3A_80] : memref<128xf32, #tpu.memory_space<vmem>> -> memref<125xf32, #tpu.memory_space<vmem>>
      %dma_start3A_82 = arith.constant 0 : i32
      %dma_start3A_83 = tpu.memref_slice %arg6[%add3A_79, %dma_start3A_82] : memref<160x125xi32, #tpu.memory_space<vmem>> -> memref<1x125xi32, #tpu.memory_space<vmem>>
      %dma_start3A_84 = tpu.memref_squeeze %dma_start3A_83 : memref<1x125xi32, #tpu.memory_space<vmem>> -> memref<125xi32, #tpu.memory_space<vmem>>
      %dma_start3A_85 = arith.constant 0 : i32
      %dma_start3A_86 = tpu.memref_slice %arg10[%dma_start3A_85] : memref<10000xf32, #tpu.memory_space<vmem_shared>> -> memref<10000xf32, #tpu.memory_space<vmem_shared>>
      tpu.enqueue_indirect_dma source(%dma_start3A_81 : memref<125xf32, #tpu.memory_space<vmem>>) target(%dma_start3A_86 : memref<10000xf32, #tpu.memory_space<vmem_shared>>) offsets(%dma_start3A_84 : memref<125xi32, #tpu.memory_space<vmem>>) semaphore(%arg11 : memref<!tpu.dma_semaphore, #tpu.memory_space<semaphore_mem>>) {add = true}
      %add3A_87 = arith.constant 2 : i32
      %add3A_88 = arith.addi %add3A_69, %add3A_87 : i32
      %dma_start3A_89 = arith.constant 0 : i32
      %dma_start3A_90 = tpu.memref_slice %arg7[%dma_start3A_89] : memref<128xf32, #tpu.memory_space<vmem>> -> memref<125xf32, #tpu.memory_space<vmem>>
      %dma_start3A_91 = arith.constant 0 : i32
      %dma_start3A_92 = tpu.memref_slice %arg6[%add3A_88, %dma_start3A_91] : memref<160x125xi32, #tpu.memory_space<vmem>> -> memref<1x125xi32, #tpu.memory_space<vmem>>
      %dma_start3A_93 = tpu.memref_squeeze %dma_start3A_92 : memref<1x125xi32, #tpu.memory_space<vmem>> -> memref<125xi32, #tpu.memory_space<vmem>>
      %dma_start3A_94 = arith.constant 0 : i32
      %dma_start3A_95 = tpu.memref_slice %arg10[%dma_start3A_94] : memref<10000xf32, #tpu.memory_space<vmem_shared>> -> memref<10000xf32, #tpu.memory_space<vmem_shared>>
      tpu.enqueue_indirect_dma source(%dma_start3A_90 : memref<125xf32, #tpu.memory_space<vmem>>) target(%dma_start3A_95 : memref<10000xf32, #tpu.memory_space<vmem_shared>>) offsets(%dma_start3A_93 : memref<125xi32, #tpu.memory_space<vmem>>) semaphore(%arg11 : memref<!tpu.dma_semaphore, #tpu.memory_space<semaphore_mem>>) {add = true}
      %add3A_96 = arith.constant 3 : i32
      %add3A_97 = arith.addi %add3A_69, %add3A_96 : i32
      %dma_start3A_98 = arith.constant 0 : i32
      %dma_start3A_99 = tpu.memref_slice %arg7[%dma_start3A_98] : memref<128xf32, #tpu.memory_space<vmem>> -> memref<125xf32, #tpu.memory_space<vmem>>
      %dma_start3A_100 = arith.constant 0 : i32
      %dma_start3A_101 = tpu.memref_slice %arg6[%add3A_97, %dma_start3A_100] : memref<160x125xi32, #tpu.memory_space<vmem>> -> memref<1x125xi32, #tpu.memory_space<vmem>>
      %dma_start3A_102 = tpu.memref_squeeze %dma_start3A_101 : memref<1x125xi32, #tpu.memory_space<vmem>> -> memref<125xi32, #tpu.memory_space<vmem>>
      %dma_start3A_103 = arith.constant 0 : i32
      %dma_start3A_104 = tpu.memref_slice %arg10[%dma_start3A_103] : memref<10000xf32, #tpu.memory_space<vmem_shared>> -> memref<10000xf32, #tpu.memory_space<vmem_shared>>
      tpu.enqueue_indirect_dma source(%dma_start3A_99 : memref<125xf32, #tpu.memory_space<vmem>>) target(%dma_start3A_104 : memref<10000xf32, #tpu.memory_space<vmem_shared>>) offsets(%dma_start3A_102 : memref<125xi32, #tpu.memory_space<vmem>>) semaphore(%arg11 : memref<!tpu.dma_semaphore, #tpu.memory_space<semaphore_mem>>) {add = true}
      %add3A_105 = arith.constant 4 : i32
      %add3A_106 = arith.addi %add3A_69, %add3A_105 : i32
      %dma_start3A_107 = arith.constant 0 : i32
      %dma_start3A_108 = tpu.memref_slice %arg7[%dma_start3A_107] : memref<128xf32, #tpu.memory_space<vmem>> -> memref<125xf32, #tpu.memory_space<vmem>>
      %dma_start3A_109 = arith.constant 0 : i32
      %dma_start3A_110 = tpu.memref_slice %arg6[%add3A_106, %dma_start3A_109] : memref<160x125xi32, #tpu.memory_space<vmem>> -> memref<1x125xi32, #tpu.memory_space<vmem>>
      %dma_start3A_111 = tpu.memref_squeeze %dma_start3A_110 : memref<1x125xi32, #tpu.memory_space<vmem>> -> memref<125xi32, #tpu.memory_space<vmem>>
      %dma_start3A_112 = arith.constant 0 : i32
      %dma_start3A_113 = tpu.memref_slice %arg10[%dma_start3A_112] : memref<10000xf32, #tpu.memory_space<vmem_shared>> -> memref<10000xf32, #tpu.memory_space<vmem_shared>>
      tpu.enqueue_indirect_dma source(%dma_start3A_108 : memref<125xf32, #tpu.memory_space<vmem>>) target(%dma_start3A_113 : memref<10000xf32, #tpu.memory_space<vmem_shared>>) offsets(%dma_start3A_111 : memref<125xi32, #tpu.memory_space<vmem>>) semaphore(%arg11 : memref<!tpu.dma_semaphore, #tpu.memory_space<semaphore_mem>>) {add = true}
      %add3A_114 = arith.constant 5 : i32
      %add3A_115 = arith.addi %add3A_69, %add3A_114 : i32
      %dma_start3A_116 = arith.constant 0 : i32
      %dma_start3A_117 = tpu.memref_slice %arg7[%dma_start3A_116] : memref<128xf32, #tpu.memory_space<vmem>> -> memref<125xf32, #tpu.memory_space<vmem>>
      %dma_start3A_118 = arith.constant 0 : i32
      %dma_start3A_119 = tpu.memref_slice %arg6[%add3A_115, %dma_start3A_118] : memref<160x125xi32, #tpu.memory_space<vmem>> -> memref<1x125xi32, #tpu.memory_space<vmem>>
      %dma_start3A_120 = tpu.memref_squeeze %dma_start3A_119 : memref<1x125xi32, #tpu.memory_space<vmem>> -> memref<125xi32, #tpu.memory_space<vmem>>
      %dma_start3A_121 = arith.constant 0 : i32
      %dma_start3A_122 = tpu.memref_slice %arg10[%dma_start3A_121] : memref<10000xf32, #tpu.memory_space<vmem_shared>> -> memref<10000xf32, #tpu.memory_space<vmem_shared>>
      tpu.enqueue_indirect_dma source(%dma_start3A_117 : memref<125xf32, #tpu.memory_space<vmem>>) target(%dma_start3A_122 : memref<10000xf32, #tpu.memory_space<vmem_shared>>) offsets(%dma_start3A_120 : memref<125xi32, #tpu.memory_space<vmem>>) semaphore(%arg11 : memref<!tpu.dma_semaphore, #tpu.memory_space<semaphore_mem>>) {add = true}
      %add3A_123 = arith.constant 6 : i32
      %add3A_124 = arith.addi %add3A_69, %add3A_123 : i32
      %dma_start3A_125 = arith.constant 0 : i32
      %dma_start3A_126 = tpu.memref_slice %arg7[%dma_start3A_125] : memref<128xf32, #tpu.memory_space<vmem>> -> memref<125xf32, #tpu.memory_space<vmem>>
      %dma_start3A_127 = arith.constant 0 : i32
      %dma_start3A_128 = tpu.memref_slice %arg6[%add3A_124, %dma_start3A_127] : memref<160x125xi32, #tpu.memory_space<vmem>> -> memref<1x125xi32, #tpu.memory_space<vmem>>
      %dma_start3A_129 = tpu.memref_squeeze %dma_start3A_128 : memref<1x125xi32, #tpu.memory_space<vmem>> -> memref<125xi32, #tpu.memory_space<vmem>>
      %dma_start3A_130 = arith.constant 0 : i32
      %dma_start3A_131 = tpu.memref_slice %arg10[%dma_start3A_130] : memref<10000xf32, #tpu.memory_space<vmem_shared>> -> memref<10000xf32, #tpu.memory_space<vmem_shared>>
      tpu.enqueue_indirect_dma source(%dma_start3A_126 : memref<125xf32, #tpu.memory_space<vmem>>) target(%dma_start3A_131 : memref<10000xf32, #tpu.memory_space<vmem_shared>>) offsets(%dma_start3A_129 : memref<125xi32, #tpu.memory_space<vmem>>) semaphore(%arg11 : memref<!tpu.dma_semaphore, #tpu.memory_space<semaphore_mem>>) {add = true}
      %add3A_132 = arith.constant 7 : i32
      %add3A_133 = arith.addi %add3A_69, %add3A_132 : i32
      %dma_start3A_134 = arith.constant 0 : i32
      %dma_start3A_135 = tpu.memref_slice %arg7[%dma_start3A_134] : memref<128xf32, #tpu.memory_space<vmem>> -> memref<125xf32, #tpu.memory_space<vmem>>
      %dma_start3A_136 = arith.constant 0 : i32
      %dma_start3A_137 = tpu.memref_slice %arg6[%add3A_133, %dma_start3A_136] : memref<160x125xi32, #tpu.memory_space<vmem>> -> memref<1x125xi32, #tpu.memory_space<vmem>>
      %dma_start3A_138 = tpu.memref_squeeze %dma_start3A_137 : memref<1x125xi32, #tpu.memory_space<vmem>> -> memref<125xi32, #tpu.memory_space<vmem>>
      %dma_start3A_139 = arith.constant 0 : i32
      %dma_start3A_140 = tpu.memref_slice %arg10[%dma_start3A_139] : memref<10000xf32, #tpu.memory_space<vmem_shared>> -> memref<10000xf32, #tpu.memory_space<vmem_shared>>
      tpu.enqueue_indirect_dma source(%dma_start3A_135 : memref<125xf32, #tpu.memory_space<vmem>>) target(%dma_start3A_140 : memref<10000xf32, #tpu.memory_space<vmem_shared>>) offsets(%dma_start3A_138 : memref<125xi32, #tpu.memory_space<vmem>>) semaphore(%arg11 : memref<!tpu.dma_semaphore, #tpu.memory_space<semaphore_mem>>) {add = true}
      %add3A_141 = arith.constant 0 : i32
      %add3A_142 = arith.addi %add3A_69, %add3A_141 : i32
      %dma_wait3A = arith.constant 0 : i32
      %dma_wait3A_143 = tpu.memref_slice %arg7[%dma_wait3A] : memref<128xf32, #tpu.memory_space<vmem>> -> memref<125xf32, #tpu.memory_space<vmem>>
      %dma_wait3A_144 = arith.constant 0 : i32
      %dma_wait3A_145 = tpu.memref_slice %arg6[%add3A_142, %dma_wait3A_144] : memref<160x125xi32, #tpu.memory_space<vmem>> -> memref<1x125xi32, #tpu.memory_space<vmem>>
      %dma_wait3A_146 = tpu.memref_squeeze %dma_wait3A_145 : memref<1x125xi32, #tpu.memory_space<vmem>> -> memref<125xi32, #tpu.memory_space<vmem>>
      %dma_wait3A_147 = arith.constant 0 : i32
      %dma_wait3A_148 = tpu.memref_slice %arg10[%dma_wait3A_147] : memref<10000xf32, #tpu.memory_space<vmem_shared>> -> memref<10000xf32, #tpu.memory_space<vmem_shared>>
      tpu.wait_indirect_dma semaphore(%arg11 : memref<!tpu.dma_semaphore, #tpu.memory_space<semaphore_mem>>) src(%dma_wait3A_143 : memref<125xf32, #tpu.memory_space<vmem>>) dst(%dma_wait3A_148 : memref<10000xf32, #tpu.memory_space<vmem_shared>>)
      %add3A_149 = arith.constant 1 : i32
      %add3A_150 = arith.addi %add3A_69, %add3A_149 : i32
      %dma_wait3A_151 = arith.constant 0 : i32
      %dma_wait3A_152 = tpu.memref_slice %arg7[%dma_wait3A_151] : memref<128xf32, #tpu.memory_space<vmem>> -> memref<125xf32, #tpu.memory_space<vmem>>
      %dma_wait3A_153 = arith.constant 0 : i32
      %dma_wait3A_154 = tpu.memref_slice %arg6[%add3A_150, %dma_wait3A_153] : memref<160x125xi32, #tpu.memory_space<vmem>> -> memref<1x125xi32, #tpu.memory_space<vmem>>
      %dma_wait3A_155 = tpu.memref_squeeze %dma_wait3A_154 : memref<1x125xi32, #tpu.memory_space<vmem>> -> memref<125xi32, #tpu.memory_space<vmem>>
      %dma_wait3A_156 = arith.constant 0 : i32
      %dma_wait3A_157 = tpu.memref_slice %arg10[%dma_wait3A_156] : memref<10000xf32, #tpu.memory_space<vmem_shared>> -> memref<10000xf32, #tpu.memory_space<vmem_shared>>
      tpu.wait_indirect_dma semaphore(%arg11 : memref<!tpu.dma_semaphore, #tpu.memory_space<semaphore_mem>>) src(%dma_wait3A_152 : memref<125xf32, #tpu.memory_space<vmem>>) dst(%dma_wait3A_157 : memref<10000xf32, #tpu.memory_space<vmem_shared>>)
      %add3A_158 = arith.constant 2 : i32
      %add3A_159 = arith.addi %add3A_69, %add3A_158 : i32
      %dma_wait3A_160 = arith.constant 0 : i32
      %dma_wait3A_161 = tpu.memref_slice %arg7[%dma_wait3A_160] : memref<128xf32, #tpu.memory_space<vmem>> -> memref<125xf32, #tpu.memory_space<vmem>>
      %dma_wait3A_162 = arith.constant 0 : i32
      %dma_wait3A_163 = tpu.memref_slice %arg6[%add3A_159, %dma_wait3A_162] : memref<160x125xi32, #tpu.memory_space<vmem>> -> memref<1x125xi32, #tpu.memory_space<vmem>>
      %dma_wait3A_164 = tpu.memref_squeeze %dma_wait3A_163 : memref<1x125xi32, #tpu.memory_space<vmem>> -> memref<125xi32, #tpu.memory_space<vmem>>
      %dma_wait3A_165 = arith.constant 0 : i32
      %dma_wait3A_166 = tpu.memref_slice %arg10[%dma_wait3A_165] : memref<10000xf32, #tpu.memory_space<vmem_shared>> -> memref<10000xf32, #tpu.memory_space<vmem_shared>>
      tpu.wait_indirect_dma semaphore(%arg11 : memref<!tpu.dma_semaphore, #tpu.memory_space<semaphore_mem>>) src(%dma_wait3A_161 : memref<125xf32, #tpu.memory_space<vmem>>) dst(%dma_wait3A_166 : memref<10000xf32, #tpu.memory_space<vmem_shared>>)
      %add3A_167 = arith.constant 3 : i32
      %add3A_168 = arith.addi %add3A_69, %add3A_167 : i32
      %dma_wait3A_169 = arith.constant 0 : i32
      %dma_wait3A_170 = tpu.memref_slice %arg7[%dma_wait3A_169] : memref<128xf32, #tpu.memory_space<vmem>> -> memref<125xf32, #tpu.memory_space<vmem>>
      %dma_wait3A_171 = arith.constant 0 : i32
      %dma_wait3A_172 = tpu.memref_slice %arg6[%add3A_168, %dma_wait3A_171] : memref<160x125xi32, #tpu.memory_space<vmem>> -> memref<1x125xi32, #tpu.memory_space<vmem>>
      %dma_wait3A_173 = tpu.memref_squeeze %dma_wait3A_172 : memref<1x125xi32, #tpu.memory_space<vmem>> -> memref<125xi32, #tpu.memory_space<vmem>>
      %dma_wait3A_174 = arith.constant 0 : i32
      %dma_wait3A_175 = tpu.memref_slice %arg10[%dma_wait3A_174] : memref<10000xf32, #tpu.memory_space<vmem_shared>> -> memref<10000xf32, #tpu.memory_space<vmem_shared>>
      tpu.wait_indirect_dma semaphore(%arg11 : memref<!tpu.dma_semaphore, #tpu.memory_space<semaphore_mem>>) src(%dma_wait3A_170 : memref<125xf32, #tpu.memory_space<vmem>>) dst(%dma_wait3A_175 : memref<10000xf32, #tpu.memory_space<vmem_shared>>)
      %add3A_176 = arith.constant 4 : i32
      %add3A_177 = arith.addi %add3A_69, %add3A_176 : i32
      %dma_wait3A_178 = arith.constant 0 : i32
      %dma_wait3A_179 = tpu.memref_slice %arg7[%dma_wait3A_178] : memref<128xf32, #tpu.memory_space<vmem>> -> memref<125xf32, #tpu.memory_space<vmem>>
      %dma_wait3A_180 = arith.constant 0 : i32
      %dma_wait3A_181 = tpu.memref_slice %arg6[%add3A_177, %dma_wait3A_180] : memref<160x125xi32, #tpu.memory_space<vmem>> -> memref<1x125xi32, #tpu.memory_space<vmem>>
      %dma_wait3A_182 = tpu.memref_squeeze %dma_wait3A_181 : memref<1x125xi32, #tpu.memory_space<vmem>> -> memref<125xi32, #tpu.memory_space<vmem>>
      %dma_wait3A_183 = arith.constant 0 : i32
      %dma_wait3A_184 = tpu.memref_slice %arg10[%dma_wait3A_183] : memref<10000xf32, #tpu.memory_space<vmem_shared>> -> memref<10000xf32, #tpu.memory_space<vmem_shared>>
      tpu.wait_indirect_dma semaphore(%arg11 : memref<!tpu.dma_semaphore, #tpu.memory_space<semaphore_mem>>) src(%dma_wait3A_179 : memref<125xf32, #tpu.memory_space<vmem>>) dst(%dma_wait3A_184 : memref<10000xf32, #tpu.memory_space<vmem_shared>>)
      %add3A_185 = arith.constant 5 : i32
      %add3A_186 = arith.addi %add3A_69, %add3A_185 : i32
      %dma_wait3A_187 = arith.constant 0 : i32
      %dma_wait3A_188 = tpu.memref_slice %arg7[%dma_wait3A_187] : memref<128xf32, #tpu.memory_space<vmem>> -> memref<125xf32, #tpu.memory_space<vmem>>
      %dma_wait3A_189 = arith.constant 0 : i32
      %dma_wait3A_190 = tpu.memref_slice %arg6[%add3A_186, %dma_wait3A_189] : memref<160x125xi32, #tpu.memory_space<vmem>> -> memref<1x125xi32, #tpu.memory_space<vmem>>
      %dma_wait3A_191 = tpu.memref_squeeze %dma_wait3A_190 : memref<1x125xi32, #tpu.memory_space<vmem>> -> memref<125xi32, #tpu.memory_space<vmem>>
      %dma_wait3A_192 = arith.constant 0 : i32
      %dma_wait3A_193 = tpu.memref_slice %arg10[%dma_wait3A_192] : memref<10000xf32, #tpu.memory_space<vmem_shared>> -> memref<10000xf32, #tpu.memory_space<vmem_shared>>
      tpu.wait_indirect_dma semaphore(%arg11 : memref<!tpu.dma_semaphore, #tpu.memory_space<semaphore_mem>>) src(%dma_wait3A_188 : memref<125xf32, #tpu.memory_space<vmem>>) dst(%dma_wait3A_193 : memref<10000xf32, #tpu.memory_space<vmem_shared>>)
      %add3A_194 = arith.constant 6 : i32
      %add3A_195 = arith.addi %add3A_69, %add3A_194 : i32
      %dma_wait3A_196 = arith.constant 0 : i32
      %dma_wait3A_197 = tpu.memref_slice %arg7[%dma_wait3A_196] : memref<128xf32, #tpu.memory_space<vmem>> -> memref<125xf32, #tpu.memory_space<vmem>>
      %dma_wait3A_198 = arith.constant 0 : i32
      %dma_wait3A_199 = tpu.memref_slice %arg6[%add3A_195, %dma_wait3A_198] : memref<160x125xi32, #tpu.memory_space<vmem>> -> memref<1x125xi32, #tpu.memory_space<vmem>>
      %dma_wait3A_200 = tpu.memref_squeeze %dma_wait3A_199 : memref<1x125xi32, #tpu.memory_space<vmem>> -> memref<125xi32, #tpu.memory_space<vmem>>
      %dma_wait3A_201 = arith.constant 0 : i32
      %dma_wait3A_202 = tpu.memref_slice %arg10[%dma_wait3A_201] : memref<10000xf32, #tpu.memory_space<vmem_shared>> -> memref<10000xf32, #tpu.memory_space<vmem_shared>>
      tpu.wait_indirect_dma semaphore(%arg11 : memref<!tpu.dma_semaphore, #tpu.memory_space<semaphore_mem>>) src(%dma_wait3A_197 : memref<125xf32, #tpu.memory_space<vmem>>) dst(%dma_wait3A_202 : memref<10000xf32, #tpu.memory_space<vmem_shared>>)
      %add3A_203 = arith.constant 7 : i32
      %add3A_204 = arith.addi %add3A_69, %add3A_203 : i32
      %dma_wait3A_205 = arith.constant 0 : i32
      %dma_wait3A_206 = tpu.memref_slice %arg7[%dma_wait3A_205] : memref<128xf32, #tpu.memory_space<vmem>> -> memref<125xf32, #tpu.memory_space<vmem>>
      %dma_wait3A_207 = arith.constant 0 : i32
      %dma_wait3A_208 = tpu.memref_slice %arg6[%add3A_204, %dma_wait3A_207] : memref<160x125xi32, #tpu.memory_space<vmem>> -> memref<1x125xi32, #tpu.memory_space<vmem>>
      %dma_wait3A_209 = tpu.memref_squeeze %dma_wait3A_208 : memref<1x125xi32, #tpu.memory_space<vmem>> -> memref<125xi32, #tpu.memory_space<vmem>>
      %dma_wait3A_210 = arith.constant 0 : i32
      %dma_wait3A_211 = tpu.memref_slice %arg10[%dma_wait3A_210] : memref<10000xf32, #tpu.memory_space<vmem_shared>> -> memref<10000xf32, #tpu.memory_space<vmem_shared>>
      tpu.wait_indirect_dma semaphore(%arg11 : memref<!tpu.dma_semaphore, #tpu.memory_space<semaphore_mem>>) src(%dma_wait3A_206 : memref<125xf32, #tpu.memory_space<vmem>>) dst(%dma_wait3A_211 : memref<10000xf32, #tpu.memory_space<vmem_shared>>)
    }
    %scan3A_60 = arith.constant 20 : i32
    %barrier3A_61 = arith.constant 0 : index
    tpu.barrier barrier_id(%barrier3A_61)
    %eq3A_62 = arith.constant 0 : i32
    %eq3A_63 = arith.cmpi eq, %arg1, %eq3A_62 : i32
    %convert_element_type3A_64 = arith.extui %eq3A_63 : i1 to i32
    %cond3A_65 = arith.constant 0 : i32
    %cond3A_66 = arith.cmpi ne, %convert_element_type3A_64, %cond3A_65 : i32
    scf.if %cond3A_66 {
      "tpu.region"() ({
        %run_scoped3A = tpu.sem_alloc : memref<!tpu.dma_semaphore, #tpu.memory_space<semaphore_mem>>
        tpu.enqueue_dma source(%arg10 : memref<10000xf32, #tpu.memory_space<vmem_shared>>) target(%arg9 : memref<10000xf32, #tpu.memory_space<vmem>>) target_semaphore(%run_scoped3A : memref<!tpu.dma_semaphore, #tpu.memory_space<semaphore_mem>>)
        tpu.wait_dma2 semaphore(%run_scoped3A : memref<!tpu.dma_semaphore, #tpu.memory_space<semaphore_mem>>) src(%arg10 : memref<10000xf32, #tpu.memory_space<vmem_shared>>) dst(%arg9 : memref<10000xf32, #tpu.memory_space<vmem>>)
        tpu.yield
      }) : () -> ()
      %mul3A = arith.constant 10000 : i32
      %mul3A_67 = arith.muli %arg0, %mul3A : i32
      "tpu.region"() ({
        %run_scoped3A = tpu.sem_alloc : memref<!tpu.dma_semaphore, #tpu.memory_space<semaphore_mem>>
        %dma_start3A = tpu.memref_slice %arg5[%mul3A_67] : memref<20000xf32, #tpu.memory_space<hbm>> -> memref<10000xf32, #tpu.memory_space<hbm>>
        %dma_start3A_68 = tpu.memref_slice %arg5[%mul3A_67] : memref<20000xf32, #tpu.memory_space<hbm>> -> memref<10000xf32, #tpu.memory_space<hbm>>
        tpu.enqueue_dma source(%arg9 : memref<10000xf32, #tpu.memory_space<vmem>>) target(%dma_start3A_68 : memref<10000xf32, #tpu.memory_space<hbm>>) target_semaphore(%run_scoped3A : memref<!tpu.dma_semaphore, #tpu.memory_space<semaphore_mem>>)
        %dma_wait3A = tpu.memref_slice %arg5[%mul3A_67] : memref<20000xf32, #tpu.memory_space<hbm>> -> memref<10000xf32, #tpu.memory_space<hbm>>
        %dma_wait3A_69 = tpu.memref_slice %arg5[%mul3A_67] : memref<20000xf32, #tpu.memory_space<hbm>> -> memref<10000xf32, #tpu.memory_space<hbm>>
        tpu.wait_dma2 semaphore(%run_scoped3A : memref<!tpu.dma_semaphore, #tpu.memory_space<semaphore_mem>>) src(%arg9 : memref<10000xf32, #tpu.memory_space<vmem>>) dst(%dma_wait3A_69 : memref<10000xf32, #tpu.memory_space<hbm>>)
        tpu.yield
      }) : () -> ()
    } else {
    }
    return
  }
}

#map = affine_map<(d0, d1) -> (0, 0)>
module attributes {stable_mosaic.version = 14 : i64} {
  func.func @_agg_kernel(%arg0: i32, %arg1: i32, %arg2: memref<10000x64xf32, #tpu.memory_space<hbm>>, %arg3: memref<10000x64xf32, #tpu.memory_space<hbm>>, %arg4: memref<2560x125xi32, #tpu.memory_space<hbm>>, %arg5: memref<2560x125xi32, #tpu.memory_space<hbm>>, %arg6: memref<10000x64xf32, #tpu.memory_space<hbm>>, %arg7: memref<20000x64xf32, #tpu.memory_space<hbm>>, %arg8: memref<160x125xi32, #tpu.memory_space<vmem>>, %arg9: memref<160x125xi32, #tpu.memory_space<vmem>>, %arg10: memref<4x125x64xf32, #tpu.memory_space<vmem>>, %arg11: memref<200x64xf32, #tpu.memory_space<vmem>>, %arg12: memref<10000x64xf32, #tpu.memory_space<vmem_shared>>, %arg13: memref<!tpu.dma_semaphore, #tpu.memory_space<semaphore_mem>>, %arg14: memref<!tpu.dma_semaphore, #tpu.memory_space<semaphore_mem>>, %arg15: memref<!tpu.dma_semaphore, #tpu.memory_space<semaphore_mem>>, %arg16: memref<!tpu.dma_semaphore, #tpu.memory_space<semaphore_mem>>, %arg17: memref<!tpu.dma_semaphore, #tpu.memory_space<semaphore_mem>>, %arg18: memref<!tpu.dma_semaphore, #tpu.memory_space<semaphore_mem>>, %arg19: memref<!tpu.dma_semaphore, #tpu.memory_space<semaphore_mem>>, %arg20: memref<!tpu.dma_semaphore, #tpu.memory_space<semaphore_mem>>) attributes {dimension_semantics = [#tpu.dimension_semantics<core_parallel>, #tpu.dimension_semantics<subcore_parallel>], iteration_bounds = array<i64: 2, 16>, scalar_prefetch = 0 : i64, scratch_operands = 13 : i64, tpu.core_type = #tpu.core_type<sc_vector_subcore>, window_params = [{transform_indices = #map}, {transform_indices = #map}, {transform_indices = #map}, {transform_indices = #map}, {transform_indices = #map}, {transform_indices = #map}]} {
    %lt3A = arith.constant 10 : i32
    %lt3A_0 = arith.cmpi slt, %arg1, %lt3A : i32
    %convert_element_type3A = arith.extui %lt3A_0 : i1 to i32
    %cond3A = arith.constant 0 : i32
    %cond3A_1 = arith.cmpi ne, %convert_element_type3A, %cond3A : i32
    scf.if %cond3A_1 {
      %mul3A = arith.constant 1000 : i32
      %mul3A_17 = arith.muli %arg1, %mul3A : i32
      %add3A = arith.constant 0 : i32
      %add3A_18 = arith.addi %mul3A_17, %add3A : i32
      "tpu.region"() ({
        %run_scoped3A = tpu.sem_alloc : memref<!tpu.dma_semaphore, #tpu.memory_space<semaphore_mem>>
        %dma_start3A = arith.constant 0 : i32
        %dma_start3A_35 = tpu.memref_slice %arg6[%add3A_18, %dma_start3A] : memref<10000x64xf32, #tpu.memory_space<hbm>> -> memref<200x64xf32, #tpu.memory_space<hbm>>
        %dma_start3A_36 = arith.constant 0 : i32
        %dma_start3A_37 = tpu.memref_slice %arg6[%add3A_18, %dma_start3A_36] : memref<10000x64xf32, #tpu.memory_space<hbm>> -> memref<200x64xf32, #tpu.memory_space<hbm>>
        tpu.enqueue_dma source(%dma_start3A_37 : memref<200x64xf32, #tpu.memory_space<hbm>>) target(%arg11 : memref<200x64xf32, #tpu.memory_space<vmem>>) target_semaphore(%run_scoped3A : memref<!tpu.dma_semaphore, #tpu.memory_space<semaphore_mem>>)
        %dma_wait3A = arith.constant 0 : i32
        %dma_wait3A_38 = tpu.memref_slice %arg6[%add3A_18, %dma_wait3A] : memref<10000x64xf32, #tpu.memory_space<hbm>> -> memref<200x64xf32, #tpu.memory_space<hbm>>
        %dma_wait3A_39 = arith.constant 0 : i32
        %dma_wait3A_40 = tpu.memref_slice %arg6[%add3A_18, %dma_wait3A_39] : memref<10000x64xf32, #tpu.memory_space<hbm>> -> memref<200x64xf32, #tpu.memory_space<hbm>>
        tpu.wait_dma2 semaphore(%run_scoped3A : memref<!tpu.dma_semaphore, #tpu.memory_space<semaphore_mem>>) src(%dma_wait3A_40 : memref<200x64xf32, #tpu.memory_space<hbm>>) dst(%arg11 : memref<200x64xf32, #tpu.memory_space<vmem>>)
        tpu.yield
      }) : () -> ()
      "tpu.region"() ({
        %run_scoped3A = tpu.sem_alloc : memref<!tpu.dma_semaphore, #tpu.memory_space<semaphore_mem>>
        %dma_start3A = arith.constant 0 : i32
        %dma_start3A_35 = tpu.memref_slice %arg12[%add3A_18, %dma_start3A] : memref<10000x64xf32, #tpu.memory_space<vmem_shared>> -> memref<200x64xf32, #tpu.memory_space<vmem_shared>>
        %dma_start3A_36 = arith.constant 0 : i32
        %dma_start3A_37 = tpu.memref_slice %arg12[%add3A_18, %dma_start3A_36] : memref<10000x64xf32, #tpu.memory_space<vmem_shared>> -> memref<200x64xf32, #tpu.memory_space<vmem_shared>>
        tpu.enqueue_dma source(%arg11 : memref<200x64xf32, #tpu.memory_space<vmem>>) target(%dma_start3A_37 : memref<200x64xf32, #tpu.memory_space<vmem_shared>>) target_semaphore(%run_scoped3A : memref<!tpu.dma_semaphore, #tpu.memory_space<semaphore_mem>>)
        %dma_wait3A = arith.constant 0 : i32
        %dma_wait3A_38 = tpu.memref_slice %arg12[%add3A_18, %dma_wait3A] : memref<10000x64xf32, #tpu.memory_space<vmem_shared>> -> memref<200x64xf32, #tpu.memory_space<vmem_shared>>
        %dma_wait3A_39 = arith.constant 0 : i32
        %dma_wait3A_40 = tpu.memref_slice %arg12[%add3A_18, %dma_wait3A_39] : memref<10000x64xf32, #tpu.memory_space<vmem_shared>> -> memref<200x64xf32, #tpu.memory_space<vmem_shared>>
        tpu.wait_dma2 semaphore(%run_scoped3A : memref<!tpu.dma_semaphore, #tpu.memory_space<semaphore_mem>>) src(%arg11 : memref<200x64xf32, #tpu.memory_space<vmem>>) dst(%dma_wait3A_40 : memref<200x64xf32, #tpu.memory_space<vmem_shared>>)
        tpu.yield
      }) : () -> ()
      %mul3A_19 = arith.constant 1000 : i32
      %mul3A_20 = arith.muli %arg1, %mul3A_19 : i32
      %add3A_21 = arith.constant 200 : i32
      %add3A_22 = arith.addi %mul3A_20, %add3A_21 : i32
      "tpu.region"() ({
        %run_scoped3A = tpu.sem_alloc : memref<!tpu.dma_semaphore, #tpu.memory_space<semaphore_mem>>
        %dma_start3A = arith.constant 0 : i32
        %dma_start3A_35 = tpu.memref_slice %arg6[%add3A_22, %dma_start3A] : memref<10000x64xf32, #tpu.memory_space<hbm>> -> memref<200x64xf32, #tpu.memory_space<hbm>>
        %dma_start3A_36 = arith.constant 0 : i32
        %dma_start3A_37 = tpu.memref_slice %arg6[%add3A_22, %dma_start3A_36] : memref<10000x64xf32, #tpu.memory_space<hbm>> -> memref<200x64xf32, #tpu.memory_space<hbm>>
        tpu.enqueue_dma source(%dma_start3A_37 : memref<200x64xf32, #tpu.memory_space<hbm>>) target(%arg11 : memref<200x64xf32, #tpu.memory_space<vmem>>) target_semaphore(%run_scoped3A : memref<!tpu.dma_semaphore, #tpu.memory_space<semaphore_mem>>)
        %dma_wait3A = arith.constant 0 : i32
        %dma_wait3A_38 = tpu.memref_slice %arg6[%add3A_22, %dma_wait3A] : memref<10000x64xf32, #tpu.memory_space<hbm>> -> memref<200x64xf32, #tpu.memory_space<hbm>>
        %dma_wait3A_39 = arith.constant 0 : i32
        %dma_wait3A_40 = tpu.memref_slice %arg6[%add3A_22, %dma_wait3A_39] : memref<10000x64xf32, #tpu.memory_space<hbm>> -> memref<200x64xf32, #tpu.memory_space<hbm>>
        tpu.wait_dma2 semaphore(%run_scoped3A : memref<!tpu.dma_semaphore, #tpu.memory_space<semaphore_mem>>) src(%dma_wait3A_40 : memref<200x64xf32, #tpu.memory_space<hbm>>) dst(%arg11 : memref<200x64xf32, #tpu.memory_space<vmem>>)
        tpu.yield
      }) : () -> ()
      "tpu.region"() ({
        %run_scoped3A = tpu.sem_alloc : memref<!tpu.dma_semaphore, #tpu.memory_space<semaphore_mem>>
        %dma_start3A = arith.constant 0 : i32
        %dma_start3A_35 = tpu.memref_slice %arg12[%add3A_22, %dma_start3A] : memref<10000x64xf32, #tpu.memory_space<vmem_shared>> -> memref<200x64xf32, #tpu.memory_space<vmem_shared>>
        %dma_start3A_36 = arith.constant 0 : i32
        %dma_start3A_37 = tpu.memref_slice %arg12[%add3A_22, %dma_start3A_36] : memref<10000x64xf32, #tpu.memory_space<vmem_shared>> -> memref<200x64xf32, #tpu.memory_space<vmem_shared>>
        tpu.enqueue_dma source(%arg11 : memref<200x64xf32, #tpu.memory_space<vmem>>) target(%dma_start3A_37 : memref<200x64xf32, #tpu.memory_space<vmem_shared>>) target_semaphore(%run_scoped3A : memref<!tpu.dma_semaphore, #tpu.memory_space<semaphore_mem>>)
        %dma_wait3A = arith.constant 0 : i32
        %dma_wait3A_38 = tpu.memref_slice %arg12[%add3A_22, %dma_wait3A] : memref<10000x64xf32, #tpu.memory_space<vmem_shared>> -> memref<200x64xf32, #tpu.memory_space<vmem_shared>>
        %dma_wait3A_39 = arith.constant 0 : i32
        %dma_wait3A_40 = tpu.memref_slice %arg12[%add3A_22, %dma_wait3A_39] : memref<10000x64xf32, #tpu.memory_space<vmem_shared>> -> memref<200x64xf32, #tpu.memory_space<vmem_shared>>
        tpu.wait_dma2 semaphore(%run_scoped3A : memref<!tpu.dma_semaphore, #tpu.memory_space<semaphore_mem>>) src(%arg11 : memref<200x64xf32, #tpu.memory_space<vmem>>) dst(%dma_wait3A_40 : memref<200x64xf32, #tpu.memory_space<vmem_shared>>)
        tpu.yield
      }) : () -> ()
      %mul3A_23 = arith.constant 1000 : i32
      %mul3A_24 = arith.muli %arg1, %mul3A_23 : i32
      %add3A_25 = arith.constant 400 : i32
      %add3A_26 = arith.addi %mul3A_24, %add3A_25 : i32
      "tpu.region"() ({
        %run_scoped3A = tpu.sem_alloc : memref<!tpu.dma_semaphore, #tpu.memory_space<semaphore_mem>>
        %dma_start3A = arith.constant 0 : i32
        %dma_start3A_35 = tpu.memref_slice %arg6[%add3A_26, %dma_start3A] : memref<10000x64xf32, #tpu.memory_space<hbm>> -> memref<200x64xf32, #tpu.memory_space<hbm>>
        %dma_start3A_36 = arith.constant 0 : i32
        %dma_start3A_37 = tpu.memref_slice %arg6[%add3A_26, %dma_start3A_36] : memref<10000x64xf32, #tpu.memory_space<hbm>> -> memref<200x64xf32, #tpu.memory_space<hbm>>
        tpu.enqueue_dma source(%dma_start3A_37 : memref<200x64xf32, #tpu.memory_space<hbm>>) target(%arg11 : memref<200x64xf32, #tpu.memory_space<vmem>>) target_semaphore(%run_scoped3A : memref<!tpu.dma_semaphore, #tpu.memory_space<semaphore_mem>>)
        %dma_wait3A = arith.constant 0 : i32
        %dma_wait3A_38 = tpu.memref_slice %arg6[%add3A_26, %dma_wait3A] : memref<10000x64xf32, #tpu.memory_space<hbm>> -> memref<200x64xf32, #tpu.memory_space<hbm>>
        %dma_wait3A_39 = arith.constant 0 : i32
        %dma_wait3A_40 = tpu.memref_slice %arg6[%add3A_26, %dma_wait3A_39] : memref<10000x64xf32, #tpu.memory_space<hbm>> -> memref<200x64xf32, #tpu.memory_space<hbm>>
        tpu.wait_dma2 semaphore(%run_scoped3A : memref<!tpu.dma_semaphore, #tpu.memory_space<semaphore_mem>>) src(%dma_wait3A_40 : memref<200x64xf32, #tpu.memory_space<hbm>>) dst(%arg11 : memref<200x64xf32, #tpu.memory_space<vmem>>)
        tpu.yield
      }) : () -> ()
      "tpu.region"() ({
        %run_scoped3A = tpu.sem_alloc : memref<!tpu.dma_semaphore, #tpu.memory_space<semaphore_mem>>
        %dma_start3A = arith.constant 0 : i32
        %dma_start3A_35 = tpu.memref_slice %arg12[%add3A_26, %dma_start3A] : memref<10000x64xf32, #tpu.memory_space<vmem_shared>> -> memref<200x64xf32, #tpu.memory_space<vmem_shared>>
        %dma_start3A_36 = arith.constant 0 : i32
        %dma_start3A_37 = tpu.memref_slice %arg12[%add3A_26, %dma_start3A_36] : memref<10000x64xf32, #tpu.memory_space<vmem_shared>> -> memref<200x64xf32, #tpu.memory_space<vmem_shared>>
        tpu.enqueue_dma source(%arg11 : memref<200x64xf32, #tpu.memory_space<vmem>>) target(%dma_start3A_37 : memref<200x64xf32, #tpu.memory_space<vmem_shared>>) target_semaphore(%run_scoped3A : memref<!tpu.dma_semaphore, #tpu.memory_space<semaphore_mem>>)
        %dma_wait3A = arith.constant 0 : i32
        %dma_wait3A_38 = tpu.memref_slice %arg12[%add3A_26, %dma_wait3A] : memref<10000x64xf32, #tpu.memory_space<vmem_shared>> -> memref<200x64xf32, #tpu.memory_space<vmem_shared>>
        %dma_wait3A_39 = arith.constant 0 : i32
        %dma_wait3A_40 = tpu.memref_slice %arg12[%add3A_26, %dma_wait3A_39] : memref<10000x64xf32, #tpu.memory_space<vmem_shared>> -> memref<200x64xf32, #tpu.memory_space<vmem_shared>>
        tpu.wait_dma2 semaphore(%run_scoped3A : memref<!tpu.dma_semaphore, #tpu.memory_space<semaphore_mem>>) src(%arg11 : memref<200x64xf32, #tpu.memory_space<vmem>>) dst(%dma_wait3A_40 : memref<200x64xf32, #tpu.memory_space<vmem_shared>>)
        tpu.yield
      }) : () -> ()
      %mul3A_27 = arith.constant 1000 : i32
      %mul3A_28 = arith.muli %arg1, %mul3A_27 : i32
      %add3A_29 = arith.constant 600 : i32
      %add3A_30 = arith.addi %mul3A_28, %add3A_29 : i32
      "tpu.region"() ({
        %run_scoped3A = tpu.sem_alloc : memref<!tpu.dma_semaphore, #tpu.memory_space<semaphore_mem>>
        %dma_start3A = arith.constant 0 : i32
        %dma_start3A_35 = tpu.memref_slice %arg6[%add3A_30, %dma_start3A] : memref<10000x64xf32, #tpu.memory_space<hbm>> -> memref<200x64xf32, #tpu.memory_space<hbm>>
        %dma_start3A_36 = arith.constant 0 : i32
        %dma_start3A_37 = tpu.memref_slice %arg6[%add3A_30, %dma_start3A_36] : memref<10000x64xf32, #tpu.memory_space<hbm>> -> memref<200x64xf32, #tpu.memory_space<hbm>>
        tpu.enqueue_dma source(%dma_start3A_37 : memref<200x64xf32, #tpu.memory_space<hbm>>) target(%arg11 : memref<200x64xf32, #tpu.memory_space<vmem>>) target_semaphore(%run_scoped3A : memref<!tpu.dma_semaphore, #tpu.memory_space<semaphore_mem>>)
        %dma_wait3A = arith.constant 0 : i32
        %dma_wait3A_38 = tpu.memref_slice %arg6[%add3A_30, %dma_wait3A] : memref<10000x64xf32, #tpu.memory_space<hbm>> -> memref<200x64xf32, #tpu.memory_space<hbm>>
        %dma_wait3A_39 = arith.constant 0 : i32
        %dma_wait3A_40 = tpu.memref_slice %arg6[%add3A_30, %dma_wait3A_39] : memref<10000x64xf32, #tpu.memory_space<hbm>> -> memref<200x64xf32, #tpu.memory_space<hbm>>
        tpu.wait_dma2 semaphore(%run_scoped3A : memref<!tpu.dma_semaphore, #tpu.memory_space<semaphore_mem>>) src(%dma_wait3A_40 : memref<200x64xf32, #tpu.memory_space<hbm>>) dst(%arg11 : memref<200x64xf32, #tpu.memory_space<vmem>>)
        tpu.yield
      }) : () -> ()
      "tpu.region"() ({
        %run_scoped3A = tpu.sem_alloc : memref<!tpu.dma_semaphore, #tpu.memory_space<semaphore_mem>>
        %dma_start3A = arith.constant 0 : i32
        %dma_start3A_35 = tpu.memref_slice %arg12[%add3A_30, %dma_start3A] : memref<10000x64xf32, #tpu.memory_space<vmem_shared>> -> memref<200x64xf32, #tpu.memory_space<vmem_shared>>
        %dma_start3A_36 = arith.constant 0 : i32
        %dma_start3A_37 = tpu.memref_slice %arg12[%add3A_30, %dma_start3A_36] : memref<10000x64xf32, #tpu.memory_space<vmem_shared>> -> memref<200x64xf32, #tpu.memory_space<vmem_shared>>
        tpu.enqueue_dma source(%arg11 : memref<200x64xf32, #tpu.memory_space<vmem>>) target(%dma_start3A_37 : memref<200x64xf32, #tpu.memory_space<vmem_shared>>) target_semaphore(%run_scoped3A : memref<!tpu.dma_semaphore, #tpu.memory_space<semaphore_mem>>)
        %dma_wait3A = arith.constant 0 : i32
        %dma_wait3A_38 = tpu.memref_slice %arg12[%add3A_30, %dma_wait3A] : memref<10000x64xf32, #tpu.memory_space<vmem_shared>> -> memref<200x64xf32, #tpu.memory_space<vmem_shared>>
        %dma_wait3A_39 = arith.constant 0 : i32
        %dma_wait3A_40 = tpu.memref_slice %arg12[%add3A_30, %dma_wait3A_39] : memref<10000x64xf32, #tpu.memory_space<vmem_shared>> -> memref<200x64xf32, #tpu.memory_space<vmem_shared>>
        tpu.wait_dma2 semaphore(%run_scoped3A : memref<!tpu.dma_semaphore, #tpu.memory_space<semaphore_mem>>) src(%arg11 : memref<200x64xf32, #tpu.memory_space<vmem>>) dst(%dma_wait3A_40 : memref<200x64xf32, #tpu.memory_space<vmem_shared>>)
        tpu.yield
      }) : () -> ()
      %mul3A_31 = arith.constant 1000 : i32
      %mul3A_32 = arith.muli %arg1, %mul3A_31 : i32
      %add3A_33 = arith.constant 800 : i32
      %add3A_34 = arith.addi %mul3A_32, %add3A_33 : i32
      "tpu.region"() ({
        %run_scoped3A = tpu.sem_alloc : memref<!tpu.dma_semaphore, #tpu.memory_space<semaphore_mem>>
        %dma_start3A = arith.constant 0 : i32
        %dma_start3A_35 = tpu.memref_slice %arg6[%add3A_34, %dma_start3A] : memref<10000x64xf32, #tpu.memory_space<hbm>> -> memref<200x64xf32, #tpu.memory_space<hbm>>
        %dma_start3A_36 = arith.constant 0 : i32
        %dma_start3A_37 = tpu.memref_slice %arg6[%add3A_34, %dma_start3A_36] : memref<10000x64xf32, #tpu.memory_space<hbm>> -> memref<200x64xf32, #tpu.memory_space<hbm>>
        tpu.enqueue_dma source(%dma_start3A_37 : memref<200x64xf32, #tpu.memory_space<hbm>>) target(%arg11 : memref<200x64xf32, #tpu.memory_space<vmem>>) target_semaphore(%run_scoped3A : memref<!tpu.dma_semaphore, #tpu.memory_space<semaphore_mem>>)
        %dma_wait3A = arith.constant 0 : i32
        %dma_wait3A_38 = tpu.memref_slice %arg6[%add3A_34, %dma_wait3A] : memref<10000x64xf32, #tpu.memory_space<hbm>> -> memref<200x64xf32, #tpu.memory_space<hbm>>
        %dma_wait3A_39 = arith.constant 0 : i32
        %dma_wait3A_40 = tpu.memref_slice %arg6[%add3A_34, %dma_wait3A_39] : memref<10000x64xf32, #tpu.memory_space<hbm>> -> memref<200x64xf32, #tpu.memory_space<hbm>>
        tpu.wait_dma2 semaphore(%run_scoped3A : memref<!tpu.dma_semaphore, #tpu.memory_space<semaphore_mem>>) src(%dma_wait3A_40 : memref<200x64xf32, #tpu.memory_space<hbm>>) dst(%arg11 : memref<200x64xf32, #tpu.memory_space<vmem>>)
        tpu.yield
      }) : () -> ()
      "tpu.region"() ({
        %run_scoped3A = tpu.sem_alloc : memref<!tpu.dma_semaphore, #tpu.memory_space<semaphore_mem>>
        %dma_start3A = arith.constant 0 : i32
        %dma_start3A_35 = tpu.memref_slice %arg12[%add3A_34, %dma_start3A] : memref<10000x64xf32, #tpu.memory_space<vmem_shared>> -> memref<200x64xf32, #tpu.memory_space<vmem_shared>>
        %dma_start3A_36 = arith.constant 0 : i32
        %dma_start3A_37 = tpu.memref_slice %arg12[%add3A_34, %dma_start3A_36] : memref<10000x64xf32, #tpu.memory_space<vmem_shared>> -> memref<200x64xf32, #tpu.memory_space<vmem_shared>>
        tpu.enqueue_dma source(%arg11 : memref<200x64xf32, #tpu.memory_space<vmem>>) target(%dma_start3A_37 : memref<200x64xf32, #tpu.memory_space<vmem_shared>>) target_semaphore(%run_scoped3A : memref<!tpu.dma_semaphore, #tpu.memory_space<semaphore_mem>>)
        %dma_wait3A = arith.constant 0 : i32
        %dma_wait3A_38 = tpu.memref_slice %arg12[%add3A_34, %dma_wait3A] : memref<10000x64xf32, #tpu.memory_space<vmem_shared>> -> memref<200x64xf32, #tpu.memory_space<vmem_shared>>
        %dma_wait3A_39 = arith.constant 0 : i32
        %dma_wait3A_40 = tpu.memref_slice %arg12[%add3A_34, %dma_wait3A_39] : memref<10000x64xf32, #tpu.memory_space<vmem_shared>> -> memref<200x64xf32, #tpu.memory_space<vmem_shared>>
        tpu.wait_dma2 semaphore(%run_scoped3A : memref<!tpu.dma_semaphore, #tpu.memory_space<semaphore_mem>>) src(%arg11 : memref<200x64xf32, #tpu.memory_space<vmem>>) dst(%dma_wait3A_40 : memref<200x64xf32, #tpu.memory_space<vmem_shared>>)
        tpu.yield
      }) : () -> ()
    } else {
    }
    %barrier3A = arith.constant 0 : index
    tpu.barrier barrier_id(%barrier3A)
    %eq3A = arith.constant 0 : i32
    %eq3A_2 = arith.cmpi eq, %arg0, %eq3A : i32
    %convert_element_type3A_3 = arith.extui %eq3A_2 : i1 to i32
    %cond3A_4 = arith.constant 0 : i32
    %cond3A_5 = arith.cmpi ne, %convert_element_type3A_3, %cond3A_4 : i32
    scf.if %cond3A_5 {
      %mul3A = arith.constant 160 : i32
      %mul3A_17 = arith.muli %arg1, %mul3A : i32
      %add3A = arith.constant 0 : i32
      %add3A_18 = arith.addi %mul3A_17, %add3A : i32
      "tpu.region"() ({
        %run_scoped3A = tpu.sem_alloc : memref<!tpu.dma_semaphore, #tpu.memory_space<semaphore_mem>>
        %dma_start3A_93 = arith.constant 0 : i32
        %dma_start3A_94 = tpu.memref_slice %arg4[%add3A_18, %dma_start3A_93] : memref<2560x125xi32, #tpu.memory_space<hbm>> -> memref<160x125xi32, #tpu.memory_space<hbm>>
        %dma_start3A_95 = arith.constant 0 : i32
        %dma_start3A_96 = tpu.memref_slice %arg4[%add3A_18, %dma_start3A_95] : memref<2560x125xi32, #tpu.memory_space<hbm>> -> memref<160x125xi32, #tpu.memory_space<hbm>>
        tpu.enqueue_dma source(%dma_start3A_96 : memref<160x125xi32, #tpu.memory_space<hbm>>) target(%arg8 : memref<160x125xi32, #tpu.memory_space<vmem>>) target_semaphore(%run_scoped3A : memref<!tpu.dma_semaphore, #tpu.memory_space<semaphore_mem>>)
        %dma_wait3A_97 = arith.constant 0 : i32
        %dma_wait3A_98 = tpu.memref_slice %arg4[%add3A_18, %dma_wait3A_97] : memref<2560x125xi32, #tpu.memory_space<hbm>> -> memref<160x125xi32, #tpu.memory_space<hbm>>
        %dma_wait3A_99 = arith.constant 0 : i32
        %dma_wait3A_100 = tpu.memref_slice %arg4[%add3A_18, %dma_wait3A_99] : memref<2560x125xi32, #tpu.memory_space<hbm>> -> memref<160x125xi32, #tpu.memory_space<hbm>>
        tpu.wait_dma2 semaphore(%run_scoped3A : memref<!tpu.dma_semaphore, #tpu.memory_space<semaphore_mem>>) src(%dma_wait3A_100 : memref<160x125xi32, #tpu.memory_space<hbm>>) dst(%arg8 : memref<160x125xi32, #tpu.memory_space<vmem>>)
        tpu.yield
      }) : () -> ()
      "tpu.region"() ({
        %run_scoped3A = tpu.sem_alloc : memref<!tpu.dma_semaphore, #tpu.memory_space<semaphore_mem>>
        %dma_start3A_93 = arith.constant 0 : i32
        %dma_start3A_94 = tpu.memref_slice %arg5[%add3A_18, %dma_start3A_93] : memref<2560x125xi32, #tpu.memory_space<hbm>> -> memref<160x125xi32, #tpu.memory_space<hbm>>
        %dma_start3A_95 = arith.constant 0 : i32
        %dma_start3A_96 = tpu.memref_slice %arg5[%add3A_18, %dma_start3A_95] : memref<2560x125xi32, #tpu.memory_space<hbm>> -> memref<160x125xi32, #tpu.memory_space<hbm>>
        tpu.enqueue_dma source(%dma_start3A_96 : memref<160x125xi32, #tpu.memory_space<hbm>>) target(%arg9 : memref<160x125xi32, #tpu.memory_space<vmem>>) target_semaphore(%run_scoped3A : memref<!tpu.dma_semaphore, #tpu.memory_space<semaphore_mem>>)
        %dma_wait3A_97 = arith.constant 0 : i32
        %dma_wait3A_98 = tpu.memref_slice %arg5[%add3A_18, %dma_wait3A_97] : memref<2560x125xi32, #tpu.memory_space<hbm>> -> memref<160x125xi32, #tpu.memory_space<hbm>>
        %dma_wait3A_99 = arith.constant 0 : i32
        %dma_wait3A_100 = tpu.memref_slice %arg5[%add3A_18, %dma_wait3A_99] : memref<2560x125xi32, #tpu.memory_space<hbm>> -> memref<160x125xi32, #tpu.memory_space<hbm>>
        tpu.wait_dma2 semaphore(%run_scoped3A : memref<!tpu.dma_semaphore, #tpu.memory_space<semaphore_mem>>) src(%dma_wait3A_100 : memref<160x125xi32, #tpu.memory_space<hbm>>) dst(%arg9 : memref<160x125xi32, #tpu.memory_space<vmem>>)
        tpu.yield
      }) : () -> ()
      %dma_start3A = arith.constant 0 : i32
      %dma_start3A_19 = arith.constant 0 : i32
      %dma_start3A_20 = arith.constant 0 : i32
      %dma_start3A_21 = arith.constant 0 : i32
      %dma_start3A_22 = tpu.memref_slice %arg10[%dma_start3A_19, %dma_start3A_20, %dma_start3A_21] : memref<4x125x64xf32, #tpu.memory_space<vmem>> -> memref<1x125x64xf32, #tpu.memory_space<vmem>>
      %dma_start3A_23 = tpu.memref_squeeze %dma_start3A_22 : memref<1x125x64xf32, #tpu.memory_space<vmem>> -> memref<125x64xf32, #tpu.memory_space<vmem>>
      %dma_start3A_24 = arith.constant 0 : i32
      %dma_start3A_25 = tpu.memref_slice %arg8[%dma_start3A, %dma_start3A_24] : memref<160x125xi32, #tpu.memory_space<vmem>> -> memref<1x125xi32, #tpu.memory_space<vmem>>
      %dma_start3A_26 = tpu.memref_squeeze %dma_start3A_25 : memref<1x125xi32, #tpu.memory_space<vmem>> -> memref<125xi32, #tpu.memory_space<vmem>>
      %dma_start3A_27 = arith.constant 0 : i32
      %dma_start3A_28 = arith.constant 0 : i32
      %dma_start3A_29 = tpu.memref_slice %arg2[%dma_start3A_27, %dma_start3A_28] : memref<10000x64xf32, #tpu.memory_space<hbm>> -> memref<10000x64xf32, #tpu.memory_space<hbm>>
      tpu.enqueue_indirect_dma source(%dma_start3A_29 : memref<10000x64xf32, #tpu.memory_space<hbm>>) target(%dma_start3A_23 : memref<125x64xf32, #tpu.memory_space<vmem>>) offsets(%dma_start3A_26 : memref<125xi32, #tpu.memory_space<vmem>>) semaphore(%arg13 : memref<!tpu.dma_semaphore, #tpu.memory_space<semaphore_mem>>)
      %dma_start3A_30 = arith.constant 1 : i32
      %dma_start3A_31 = arith.constant 1 : i32
      %dma_start3A_32 = arith.constant 0 : i32
      %dma_start3A_33 = arith.constant 0 : i32
      %dma_start3A_34 = tpu.memref_slice %arg10[%dma_start3A_31, %dma_start3A_32, %dma_start3A_33] : memref<4x125x64xf32, #tpu.memory_space<vmem>> -> memref<1x125x64xf32, #tpu.memory_space<vmem>>
      %dma_start3A_35 = tpu.memref_squeeze %dma_start3A_34 : memref<1x125x64xf32, #tpu.memory_space<vmem>> -> memref<125x64xf32, #tpu.memory_space<vmem>>
      %dma_start3A_36 = arith.constant 0 : i32
      %dma_start3A_37 = tpu.memref_slice %arg8[%dma_start3A_30, %dma_start3A_36] : memref<160x125xi32, #tpu.memory_space<vmem>> -> memref<1x125xi32, #tpu.memory_space<vmem>>
      %dma_start3A_38 = tpu.memref_squeeze %dma_start3A_37 : memref<1x125xi32, #tpu.memory_space<vmem>> -> memref<125xi32, #tpu.memory_space<vmem>>
      %dma_start3A_39 = arith.constant 0 : i32
      %dma_start3A_40 = arith.constant 0 : i32
      %dma_start3A_41 = tpu.memref_slice %arg2[%dma_start3A_39, %dma_start3A_40] : memref<10000x64xf32, #tpu.memory_space<hbm>> -> memref<10000x64xf32, #tpu.memory_space<hbm>>
      tpu.enqueue_indirect_dma source(%dma_start3A_41 : memref<10000x64xf32, #tpu.memory_space<hbm>>) target(%dma_start3A_35 : memref<125x64xf32, #tpu.memory_space<vmem>>) offsets(%dma_start3A_38 : memref<125xi32, #tpu.memory_space<vmem>>) semaphore(%arg14 : memref<!tpu.dma_semaphore, #tpu.memory_space<semaphore_mem>>)
      %scan3A = arith.constant 0 : i32
      %scan3A_42 = arith.constant 40 : i32
      %scan3A_43 = arith.addi %scan3A, %scan3A_42 : i32
      %scan3A_44 = arith.constant 1 : i32
      scf.for %scan3A_93 = %scan3A to %scan3A_43 step %scan3A_44  : i32 {
        %mul3A_94 = arith.constant 4 : i32
        %mul3A_95 = arith.muli %scan3A_93, %mul3A_94 : i32
        %add3A_96 = arith.constant 0 : i32
        %add3A_97 = arith.addi %add3A_96, %mul3A_95 : i32
        %add3A_98 = arith.constant 0 : i32
        %add3A_99 = arith.addi %add3A_97, %add3A_98 : i32
        %add3A_100 = arith.constant 2 : i32
        %add3A_101 = arith.addi %add3A_99, %add3A_100 : i32
        %lt3A_102 = arith.constant 160 : i32
        %lt3A_103 = arith.cmpi slt, %add3A_101, %lt3A_102 : i32
        %convert_element_type3A_104 = arith.extui %lt3A_103 : i1 to i32
        %cond3A_105 = arith.constant 0 : i32
        %cond3A_106 = arith.cmpi ne, %convert_element_type3A_104, %cond3A_105 : i32
        scf.if %cond3A_106 {
          %add3A_222 = arith.constant 2 : i32
          %add3A_223 = arith.addi %add3A_99, %add3A_222 : i32
          %sub3A = arith.constant 4 : i32
          %sub3A_224 = arith.subi %add3A_223, %sub3A : i32
          %ge3A = arith.constant 0 : i32
          %ge3A_225 = arith.cmpi sge, %sub3A_224, %ge3A : i32
          %convert_element_type3A_226 = arith.extui %ge3A_225 : i1 to i32
          %cond3A_227 = arith.constant 0 : i32
          %cond3A_228 = arith.cmpi ne, %convert_element_type3A_226, %cond3A_227 : i32
          scf.if %cond3A_228 {
            %add3A_242 = arith.constant 2 : i32
            %add3A_243 = arith.addi %add3A_99, %add3A_242 : i32
            %sub3A_244 = arith.constant 4 : i32
            %sub3A_245 = arith.subi %add3A_243, %sub3A_244 : i32
            %dma_wait3A_246 = arith.constant 2 : i32
            %dma_wait3A_247 = arith.constant 0 : i32
            %dma_wait3A_248 = arith.constant 0 : i32
            %dma_wait3A_249 = tpu.memref_slice %arg10[%dma_wait3A_246, %dma_wait3A_247, %dma_wait3A_248] : memref<4x125x64xf32, #tpu.memory_space<vmem>> -> memref<1x125x64xf32, #tpu.memory_space<vmem>>
            %dma_wait3A_250 = tpu.memref_squeeze %dma_wait3A_249 : memref<1x125x64xf32, #tpu.memory_space<vmem>> -> memref<125x64xf32, #tpu.memory_space<vmem>>
            %dma_wait3A_251 = arith.constant 0 : i32
            %dma_wait3A_252 = tpu.memref_slice %arg9[%sub3A_245, %dma_wait3A_251] : memref<160x125xi32, #tpu.memory_space<vmem>> -> memref<1x125xi32, #tpu.memory_space<vmem>>
            %dma_wait3A_253 = tpu.memref_squeeze %dma_wait3A_252 : memref<1x125xi32, #tpu.memory_space<vmem>> -> memref<125xi32, #tpu.memory_space<vmem>>
            %dma_wait3A_254 = arith.constant 0 : i32
            %dma_wait3A_255 = arith.constant 0 : i32
            %dma_wait3A_256 = tpu.memref_slice %arg12[%dma_wait3A_254, %dma_wait3A_255] : memref<10000x64xf32, #tpu.memory_space<vmem_shared>> -> memref<10000x64xf32, #tpu.memory_space<vmem_shared>>
            tpu.wait_indirect_dma semaphore(%arg19 : memref<!tpu.dma_semaphore, #tpu.memory_space<semaphore_mem>>) src(%dma_wait3A_250 : memref<125x64xf32, #tpu.memory_space<vmem>>) dst(%dma_wait3A_256 : memref<10000x64xf32, #tpu.memory_space<vmem_shared>>)
          } else {
          }
          %add3A_229 = arith.constant 2 : i32
          %add3A_230 = arith.addi %add3A_99, %add3A_229 : i32
          %dma_start3A_231 = arith.constant 2 : i32
          %dma_start3A_232 = arith.constant 0 : i32
          %dma_start3A_233 = arith.constant 0 : i32
          %dma_start3A_234 = tpu.memref_slice %arg10[%dma_start3A_231, %dma_start3A_232, %dma_start3A_233] : memref<4x125x64xf32, #tpu.memory_space<vmem>> -> memref<1x125x64xf32, #tpu.memory_space<vmem>>
          %dma_start3A_235 = tpu.memref_squeeze %dma_start3A_234 : memref<1x125x64xf32, #tpu.memory_space<vmem>> -> memref<125x64xf32, #tpu.memory_space<vmem>>
          %dma_start3A_236 = arith.constant 0 : i32
          %dma_start3A_237 = tpu.memref_slice %arg8[%add3A_230, %dma_start3A_236] : memref<160x125xi32, #tpu.memory_space<vmem>> -> memref<1x125xi32, #tpu.memory_space<vmem>>
          %dma_start3A_238 = tpu.memref_squeeze %dma_start3A_237 : memref<1x125xi32, #tpu.memory_space<vmem>> -> memref<125xi32, #tpu.memory_space<vmem>>
          %dma_start3A_239 = arith.constant 0 : i32
          %dma_start3A_240 = arith.constant 0 : i32
          %dma_start3A_241 = tpu.memref_slice %arg2[%dma_start3A_239, %dma_start3A_240] : memref<10000x64xf32, #tpu.memory_space<hbm>> -> memref<10000x64xf32, #tpu.memory_space<hbm>>
          tpu.enqueue_indirect_dma source(%dma_start3A_241 : memref<10000x64xf32, #tpu.memory_space<hbm>>) target(%dma_start3A_235 : memref<125x64xf32, #tpu.memory_space<vmem>>) offsets(%dma_start3A_238 : memref<125xi32, #tpu.memory_space<vmem>>) semaphore(%arg15 : memref<!tpu.dma_semaphore, #tpu.memory_space<semaphore_mem>>)
        } else {
        }
        %dma_wait3A_107 = arith.constant 0 : i32
        %dma_wait3A_108 = arith.constant 0 : i32
        %dma_wait3A_109 = arith.constant 0 : i32
        %dma_wait3A_110 = tpu.memref_slice %arg10[%dma_wait3A_107, %dma_wait3A_108, %dma_wait3A_109] : memref<4x125x64xf32, #tpu.memory_space<vmem>> -> memref<1x125x64xf32, #tpu.memory_space<vmem>>
        %dma_wait3A_111 = tpu.memref_squeeze %dma_wait3A_110 : memref<1x125x64xf32, #tpu.memory_space<vmem>> -> memref<125x64xf32, #tpu.memory_space<vmem>>
        %dma_wait3A_112 = arith.constant 0 : i32
        %dma_wait3A_113 = tpu.memref_slice %arg8[%add3A_99, %dma_wait3A_112] : memref<160x125xi32, #tpu.memory_space<vmem>> -> memref<1x125xi32, #tpu.memory_space<vmem>>
        %dma_wait3A_114 = tpu.memref_squeeze %dma_wait3A_113 : memref<1x125xi32, #tpu.memory_space<vmem>> -> memref<125xi32, #tpu.memory_space<vmem>>
        %dma_wait3A_115 = arith.constant 0 : i32
        %dma_wait3A_116 = arith.constant 0 : i32
        %dma_wait3A_117 = tpu.memref_slice %arg2[%dma_wait3A_115, %dma_wait3A_116] : memref<10000x64xf32, #tpu.memory_space<hbm>> -> memref<10000x64xf32, #tpu.memory_space<hbm>>
        tpu.wait_indirect_dma semaphore(%arg13 : memref<!tpu.dma_semaphore, #tpu.memory_space<semaphore_mem>>) src(%dma_wait3A_117 : memref<10000x64xf32, #tpu.memory_space<hbm>>) dst(%dma_wait3A_111 : memref<125x64xf32, #tpu.memory_space<vmem>>)
        %dma_start3A_118 = arith.constant 0 : i32
        %dma_start3A_119 = arith.constant 0 : i32
        %dma_start3A_120 = arith.constant 0 : i32
        %dma_start3A_121 = tpu.memref_slice %arg10[%dma_start3A_118, %dma_start3A_119, %dma_start3A_120] : memref<4x125x64xf32, #tpu.memory_space<vmem>> -> memref<1x125x64xf32, #tpu.memory_space<vmem>>
        %dma_start3A_122 = tpu.memref_squeeze %dma_start3A_121 : memref<1x125x64xf32, #tpu.memory_space<vmem>> -> memref<125x64xf32, #tpu.memory_space<vmem>>
        %dma_start3A_123 = arith.constant 0 : i32
        %dma_start3A_124 = tpu.memref_slice %arg9[%add3A_99, %dma_start3A_123] : memref<160x125xi32, #tpu.memory_space<vmem>> -> memref<1x125xi32, #tpu.memory_space<vmem>>
        %dma_start3A_125 = tpu.memref_squeeze %dma_start3A_124 : memref<1x125xi32, #tpu.memory_space<vmem>> -> memref<125xi32, #tpu.memory_space<vmem>>
        %dma_start3A_126 = arith.constant 0 : i32
        %dma_start3A_127 = arith.constant 0 : i32
        %dma_start3A_128 = tpu.memref_slice %arg12[%dma_start3A_126, %dma_start3A_127] : memref<10000x64xf32, #tpu.memory_space<vmem_shared>> -> memref<10000x64xf32, #tpu.memory_space<vmem_shared>>
        tpu.enqueue_indirect_dma source(%dma_start3A_122 : memref<125x64xf32, #tpu.memory_space<vmem>>) target(%dma_start3A_128 : memref<10000x64xf32, #tpu.memory_space<vmem_shared>>) offsets(%dma_start3A_125 : memref<125xi32, #tpu.memory_space<vmem>>) semaphore(%arg17 : memref<!tpu.dma_semaphore, #tpu.memory_space<semaphore_mem>>) {add = true}
        %add3A_129 = arith.constant 1 : i32
        %add3A_130 = arith.addi %add3A_97, %add3A_129 : i32
        %add3A_131 = arith.constant 2 : i32
        %add3A_132 = arith.addi %add3A_130, %add3A_131 : i32
        %lt3A_133 = arith.constant 160 : i32
        %lt3A_134 = arith.cmpi slt, %add3A_132, %lt3A_133 : i32
        %convert_element_type3A_135 = arith.extui %lt3A_134 : i1 to i32
        %cond3A_136 = arith.constant 0 : i32
        %cond3A_137 = arith.cmpi ne, %convert_element_type3A_135, %cond3A_136 : i32
        scf.if %cond3A_137 {
          %add3A_222 = arith.constant 2 : i32
          %add3A_223 = arith.addi %add3A_130, %add3A_222 : i32
          %sub3A = arith.constant 4 : i32
          %sub3A_224 = arith.subi %add3A_223, %sub3A : i32
          %ge3A = arith.constant 0 : i32
          %ge3A_225 = arith.cmpi sge, %sub3A_224, %ge3A : i32
          %convert_element_type3A_226 = arith.extui %ge3A_225 : i1 to i32
          %cond3A_227 = arith.constant 0 : i32
          %cond3A_228 = arith.cmpi ne, %convert_element_type3A_226, %cond3A_227 : i32
          scf.if %cond3A_228 {
            %add3A_242 = arith.constant 2 : i32
            %add3A_243 = arith.addi %add3A_130, %add3A_242 : i32
            %sub3A_244 = arith.constant 4 : i32
            %sub3A_245 = arith.subi %add3A_243, %sub3A_244 : i32
            %dma_wait3A_246 = arith.constant 3 : i32
            %dma_wait3A_247 = arith.constant 0 : i32
            %dma_wait3A_248 = arith.constant 0 : i32
            %dma_wait3A_249 = tpu.memref_slice %arg10[%dma_wait3A_246, %dma_wait3A_247, %dma_wait3A_248] : memref<4x125x64xf32, #tpu.memory_space<vmem>> -> memref<1x125x64xf32, #tpu.memory_space<vmem>>
            %dma_wait3A_250 = tpu.memref_squeeze %dma_wait3A_249 : memref<1x125x64xf32, #tpu.memory_space<vmem>> -> memref<125x64xf32, #tpu.memory_space<vmem>>
            %dma_wait3A_251 = arith.constant 0 : i32
            %dma_wait3A_252 = tpu.memref_slice %arg9[%sub3A_245, %dma_wait3A_251] : memref<160x125xi32, #tpu.memory_space<vmem>> -> memref<1x125xi32, #tpu.memory_space<vmem>>
            %dma_wait3A_253 = tpu.memref_squeeze %dma_wait3A_252 : memref<1x125xi32, #tpu.memory_space<vmem>> -> memref<125xi32, #tpu.memory_space<vmem>>
            %dma_wait3A_254 = arith.constant 0 : i32
            %dma_wait3A_255 = arith.constant 0 : i32
            %dma_wait3A_256 = tpu.memref_slice %arg12[%dma_wait3A_254, %dma_wait3A_255] : memref<10000x64xf32, #tpu.memory_space<vmem_shared>> -> memref<10000x64xf32, #tpu.memory_space<vmem_shared>>
            tpu.wait_indirect_dma semaphore(%arg20 : memref<!tpu.dma_semaphore, #tpu.memory_space<semaphore_mem>>) src(%dma_wait3A_250 : memref<125x64xf32, #tpu.memory_space<vmem>>) dst(%dma_wait3A_256 : memref<10000x64xf32, #tpu.memory_space<vmem_shared>>)
          } else {
          }
          %add3A_229 = arith.constant 2 : i32
          %add3A_230 = arith.addi %add3A_130, %add3A_229 : i32
          %dma_start3A_231 = arith.constant 3 : i32
          %dma_start3A_232 = arith.constant 0 : i32
          %dma_start3A_233 = arith.constant 0 : i32
          %dma_start3A_234 = tpu.memref_slice %arg10[%dma_start3A_231, %dma_start3A_232, %dma_start3A_233] : memref<4x125x64xf32, #tpu.memory_space<vmem>> -> memref<1x125x64xf32, #tpu.memory_space<vmem>>
          %dma_start3A_235 = tpu.memref_squeeze %dma_start3A_234 : memref<1x125x64xf32, #tpu.memory_space<vmem>> -> memref<125x64xf32, #tpu.memory_space<vmem>>
          %dma_start3A_236 = arith.constant 0 : i32
          %dma_start3A_237 = tpu.memref_slice %arg8[%add3A_230, %dma_start3A_236] : memref<160x125xi32, #tpu.memory_space<vmem>> -> memref<1x125xi32, #tpu.memory_space<vmem>>
          %dma_start3A_238 = tpu.memref_squeeze %dma_start3A_237 : memref<1x125xi32, #tpu.memory_space<vmem>> -> memref<125xi32, #tpu.memory_space<vmem>>
          %dma_start3A_239 = arith.constant 0 : i32
          %dma_start3A_240 = arith.constant 0 : i32
          %dma_start3A_241 = tpu.memref_slice %arg2[%dma_start3A_239, %dma_start3A_240] : memref<10000x64xf32, #tpu.memory_space<hbm>> -> memref<10000x64xf32, #tpu.memory_space<hbm>>
          tpu.enqueue_indirect_dma source(%dma_start3A_241 : memref<10000x64xf32, #tpu.memory_space<hbm>>) target(%dma_start3A_235 : memref<125x64xf32, #tpu.memory_space<vmem>>) offsets(%dma_start3A_238 : memref<125xi32, #tpu.memory_space<vmem>>) semaphore(%arg16 : memref<!tpu.dma_semaphore, #tpu.memory_space<semaphore_mem>>)
        } else {
        }
        %dma_wait3A_138 = arith.constant 1 : i32
        %dma_wait3A_139 = arith.constant 0 : i32
        %dma_wait3A_140 = arith.constant 0 : i32
        %dma_wait3A_141 = tpu.memref_slice %arg10[%dma_wait3A_138, %dma_wait3A_139, %dma_wait3A_140] : memref<4x125x64xf32, #tpu.memory_space<vmem>> -> memref<1x125x64xf32, #tpu.memory_space<vmem>>
        %dma_wait3A_142 = tpu.memref_squeeze %dma_wait3A_141 : memref<1x125x64xf32, #tpu.memory_space<vmem>> -> memref<125x64xf32, #tpu.memory_space<vmem>>
        %dma_wait3A_143 = arith.constant 0 : i32
        %dma_wait3A_144 = tpu.memref_slice %arg8[%add3A_130, %dma_wait3A_143] : memref<160x125xi32, #tpu.memory_space<vmem>> -> memref<1x125xi32, #tpu.memory_space<vmem>>
        %dma_wait3A_145 = tpu.memref_squeeze %dma_wait3A_144 : memref<1x125xi32, #tpu.memory_space<vmem>> -> memref<125xi32, #tpu.memory_space<vmem>>
        %dma_wait3A_146 = arith.constant 0 : i32
        %dma_wait3A_147 = arith.constant 0 : i32
        %dma_wait3A_148 = tpu.memref_slice %arg2[%dma_wait3A_146, %dma_wait3A_147] : memref<10000x64xf32, #tpu.memory_space<hbm>> -> memref<10000x64xf32, #tpu.memory_space<hbm>>
        tpu.wait_indirect_dma semaphore(%arg14 : memref<!tpu.dma_semaphore, #tpu.memory_space<semaphore_mem>>) src(%dma_wait3A_148 : memref<10000x64xf32, #tpu.memory_space<hbm>>) dst(%dma_wait3A_142 : memref<125x64xf32, #tpu.memory_space<vmem>>)
        %dma_start3A_149 = arith.constant 1 : i32
        %dma_start3A_150 = arith.constant 0 : i32
        %dma_start3A_151 = arith.constant 0 : i32
        %dma_start3A_152 = tpu.memref_slice %arg10[%dma_start3A_149, %dma_start3A_150, %dma_start3A_151] : memref<4x125x64xf32, #tpu.memory_space<vmem>> -> memref<1x125x64xf32, #tpu.memory_space<vmem>>
        %dma_start3A_153 = tpu.memref_squeeze %dma_start3A_152 : memref<1x125x64xf32, #tpu.memory_space<vmem>> -> memref<125x64xf32, #tpu.memory_space<vmem>>
        %dma_start3A_154 = arith.constant 0 : i32
        %dma_start3A_155 = tpu.memref_slice %arg9[%add3A_130, %dma_start3A_154] : memref<160x125xi32, #tpu.memory_space<vmem>> -> memref<1x125xi32, #tpu.memory_space<vmem>>
        %dma_start3A_156 = tpu.memref_squeeze %dma_start3A_155 : memref<1x125xi32, #tpu.memory_space<vmem>> -> memref<125xi32, #tpu.memory_space<vmem>>
        %dma_start3A_157 = arith.constant 0 : i32
        %dma_start3A_158 = arith.constant 0 : i32
        %dma_start3A_159 = tpu.memref_slice %arg12[%dma_start3A_157, %dma_start3A_158] : memref<10000x64xf32, #tpu.memory_space<vmem_shared>> -> memref<10000x64xf32, #tpu.memory_space<vmem_shared>>
        tpu.enqueue_indirect_dma source(%dma_start3A_153 : memref<125x64xf32, #tpu.memory_space<vmem>>) target(%dma_start3A_159 : memref<10000x64xf32, #tpu.memory_space<vmem_shared>>) offsets(%dma_start3A_156 : memref<125xi32, #tpu.memory_space<vmem>>) semaphore(%arg18 : memref<!tpu.dma_semaphore, #tpu.memory_space<semaphore_mem>>) {add = true}
        %add3A_160 = arith.constant 2 : i32
        %add3A_161 = arith.addi %add3A_97, %add3A_160 : i32
        %add3A_162 = arith.constant 2 : i32
        %add3A_163 = arith.addi %add3A_161, %add3A_162 : i32
        %lt3A_164 = arith.constant 160 : i32
        %lt3A_165 = arith.cmpi slt, %add3A_163, %lt3A_164 : i32
        %convert_element_type3A_166 = arith.extui %lt3A_165 : i1 to i32
        %cond3A_167 = arith.constant 0 : i32
        %cond3A_168 = arith.cmpi ne, %convert_element_type3A_166, %cond3A_167 : i32
        scf.if %cond3A_168 {
          %add3A_222 = arith.constant 2 : i32
          %add3A_223 = arith.addi %add3A_161, %add3A_222 : i32
          %sub3A = arith.constant 4 : i32
          %sub3A_224 = arith.subi %add3A_223, %sub3A : i32
          %ge3A = arith.constant 0 : i32
          %ge3A_225 = arith.cmpi sge, %sub3A_224, %ge3A : i32
          %convert_element_type3A_226 = arith.extui %ge3A_225 : i1 to i32
          %cond3A_227 = arith.constant 0 : i32
          %cond3A_228 = arith.cmpi ne, %convert_element_type3A_226, %cond3A_227 : i32
          scf.if %cond3A_228 {
            %add3A_242 = arith.constant 2 : i32
            %add3A_243 = arith.addi %add3A_161, %add3A_242 : i32
            %sub3A_244 = arith.constant 4 : i32
            %sub3A_245 = arith.subi %add3A_243, %sub3A_244 : i32
            %dma_wait3A_246 = arith.constant 0 : i32
            %dma_wait3A_247 = arith.constant 0 : i32
            %dma_wait3A_248 = arith.constant 0 : i32
            %dma_wait3A_249 = tpu.memref_slice %arg10[%dma_wait3A_246, %dma_wait3A_247, %dma_wait3A_248] : memref<4x125x64xf32, #tpu.memory_space<vmem>> -> memref<1x125x64xf32, #tpu.memory_space<vmem>>
            %dma_wait3A_250 = tpu.memref_squeeze %dma_wait3A_249 : memref<1x125x64xf32, #tpu.memory_space<vmem>> -> memref<125x64xf32, #tpu.memory_space<vmem>>
            %dma_wait3A_251 = arith.constant 0 : i32
            %dma_wait3A_252 = tpu.memref_slice %arg9[%sub3A_245, %dma_wait3A_251] : memref<160x125xi32, #tpu.memory_space<vmem>> -> memref<1x125xi32, #tpu.memory_space<vmem>>
            %dma_wait3A_253 = tpu.memref_squeeze %dma_wait3A_252 : memref<1x125xi32, #tpu.memory_space<vmem>> -> memref<125xi32, #tpu.memory_space<vmem>>
            %dma_wait3A_254 = arith.constant 0 : i32
            %dma_wait3A_255 = arith.constant 0 : i32
            %dma_wait3A_256 = tpu.memref_slice %arg12[%dma_wait3A_254, %dma_wait3A_255] : memref<10000x64xf32, #tpu.memory_space<vmem_shared>> -> memref<10000x64xf32, #tpu.memory_space<vmem_shared>>
            tpu.wait_indirect_dma semaphore(%arg17 : memref<!tpu.dma_semaphore, #tpu.memory_space<semaphore_mem>>) src(%dma_wait3A_250 : memref<125x64xf32, #tpu.memory_space<vmem>>) dst(%dma_wait3A_256 : memref<10000x64xf32, #tpu.memory_space<vmem_shared>>)
          } else {
          }
          %add3A_229 = arith.constant 2 : i32
          %add3A_230 = arith.addi %add3A_161, %add3A_229 : i32
          %dma_start3A_231 = arith.constant 0 : i32
          %dma_start3A_232 = arith.constant 0 : i32
          %dma_start3A_233 = arith.constant 0 : i32
          %dma_start3A_234 = tpu.memref_slice %arg10[%dma_start3A_231, %dma_start3A_232, %dma_start3A_233] : memref<4x125x64xf32, #tpu.memory_space<vmem>> -> memref<1x125x64xf32, #tpu.memory_space<vmem>>
          %dma_start3A_235 = tpu.memref_squeeze %dma_start3A_234 : memref<1x125x64xf32, #tpu.memory_space<vmem>> -> memref<125x64xf32, #tpu.memory_space<vmem>>
          %dma_start3A_236 = arith.constant 0 : i32
          %dma_start3A_237 = tpu.memref_slice %arg8[%add3A_230, %dma_start3A_236] : memref<160x125xi32, #tpu.memory_space<vmem>> -> memref<1x125xi32, #tpu.memory_space<vmem>>
          %dma_start3A_238 = tpu.memref_squeeze %dma_start3A_237 : memref<1x125xi32, #tpu.memory_space<vmem>> -> memref<125xi32, #tpu.memory_space<vmem>>
          %dma_start3A_239 = arith.constant 0 : i32
          %dma_start3A_240 = arith.constant 0 : i32
          %dma_start3A_241 = tpu.memref_slice %arg2[%dma_start3A_239, %dma_start3A_240] : memref<10000x64xf32, #tpu.memory_space<hbm>> -> memref<10000x64xf32, #tpu.memory_space<hbm>>
          tpu.enqueue_indirect_dma source(%dma_start3A_241 : memref<10000x64xf32, #tpu.memory_space<hbm>>) target(%dma_start3A_235 : memref<125x64xf32, #tpu.memory_space<vmem>>) offsets(%dma_start3A_238 : memref<125xi32, #tpu.memory_space<vmem>>) semaphore(%arg13 : memref<!tpu.dma_semaphore, #tpu.memory_space<semaphore_mem>>)
        } else {
        }
        %dma_wait3A_169 = arith.constant 2 : i32
        %dma_wait3A_170 = arith.constant 0 : i32
        %dma_wait3A_171 = arith.constant 0 : i32
        %dma_wait3A_172 = tpu.memref_slice %arg10[%dma_wait3A_169, %dma_wait3A_170, %dma_wait3A_171] : memref<4x125x64xf32, #tpu.memory_space<vmem>> -> memref<1x125x64xf32, #tpu.memory_space<vmem>>
        %dma_wait3A_173 = tpu.memref_squeeze %dma_wait3A_172 : memref<1x125x64xf32, #tpu.memory_space<vmem>> -> memref<125x64xf32, #tpu.memory_space<vmem>>
        %dma_wait3A_174 = arith.constant 0 : i32
        %dma_wait3A_175 = tpu.memref_slice %arg8[%add3A_161, %dma_wait3A_174] : memref<160x125xi32, #tpu.memory_space<vmem>> -> memref<1x125xi32, #tpu.memory_space<vmem>>
        %dma_wait3A_176 = tpu.memref_squeeze %dma_wait3A_175 : memref<1x125xi32, #tpu.memory_space<vmem>> -> memref<125xi32, #tpu.memory_space<vmem>>
        %dma_wait3A_177 = arith.constant 0 : i32
        %dma_wait3A_178 = arith.constant 0 : i32
        %dma_wait3A_179 = tpu.memref_slice %arg2[%dma_wait3A_177, %dma_wait3A_178] : memref<10000x64xf32, #tpu.memory_space<hbm>> -> memref<10000x64xf32, #tpu.memory_space<hbm>>
        tpu.wait_indirect_dma semaphore(%arg15 : memref<!tpu.dma_semaphore, #tpu.memory_space<semaphore_mem>>) src(%dma_wait3A_179 : memref<10000x64xf32, #tpu.memory_space<hbm>>) dst(%dma_wait3A_173 : memref<125x64xf32, #tpu.memory_space<vmem>>)
        %dma_start3A_180 = arith.constant 2 : i32
        %dma_start3A_181 = arith.constant 0 : i32
        %dma_start3A_182 = arith.constant 0 : i32
        %dma_start3A_183 = tpu.memref_slice %arg10[%dma_start3A_180, %dma_start3A_181, %dma_start3A_182] : memref<4x125x64xf32, #tpu.memory_space<vmem>> -> memref<1x125x64xf32, #tpu.memory_space<vmem>>
        %dma_start3A_184 = tpu.memref_squeeze %dma_start3A_183 : memref<1x125x64xf32, #tpu.memory_space<vmem>> -> memref<125x64xf32, #tpu.memory_space<vmem>>
        %dma_start3A_185 = arith.constant 0 : i32
        %dma_start3A_186 = tpu.memref_slice %arg9[%add3A_161, %dma_start3A_185] : memref<160x125xi32, #tpu.memory_space<vmem>> -> memref<1x125xi32, #tpu.memory_space<vmem>>
        %dma_start3A_187 = tpu.memref_squeeze %dma_start3A_186 : memref<1x125xi32, #tpu.memory_space<vmem>> -> memref<125xi32, #tpu.memory_space<vmem>>
        %dma_start3A_188 = arith.constant 0 : i32
        %dma_start3A_189 = arith.constant 0 : i32
        %dma_start3A_190 = tpu.memref_slice %arg12[%dma_start3A_188, %dma_start3A_189] : memref<10000x64xf32, #tpu.memory_space<vmem_shared>> -> memref<10000x64xf32, #tpu.memory_space<vmem_shared>>
        tpu.enqueue_indirect_dma source(%dma_start3A_184 : memref<125x64xf32, #tpu.memory_space<vmem>>) target(%dma_start3A_190 : memref<10000x64xf32, #tpu.memory_space<vmem_shared>>) offsets(%dma_start3A_187 : memref<125xi32, #tpu.memory_space<vmem>>) semaphore(%arg19 : memref<!tpu.dma_semaphore, #tpu.memory_space<semaphore_mem>>) {add = true}
        %add3A_191 = arith.constant 3 : i32
        %add3A_192 = arith.addi %add3A_97, %add3A_191 : i32
        %add3A_193 = arith.constant 2 : i32
        %add3A_194 = arith.addi %add3A_192, %add3A_193 : i32
        %lt3A_195 = arith.constant 160 : i32
        %lt3A_196 = arith.cmpi slt, %add3A_194, %lt3A_195 : i32
        %convert_element_type3A_197 = arith.extui %lt3A_196 : i1 to i32
        %cond3A_198 = arith.constant 0 : i32
        %cond3A_199 = arith.cmpi ne, %convert_element_type3A_197, %cond3A_198 : i32
        scf.if %cond3A_199 {
          %add3A_222 = arith.constant 2 : i32
          %add3A_223 = arith.addi %add3A_192, %add3A_222 : i32
          %sub3A = arith.constant 4 : i32
          %sub3A_224 = arith.subi %add3A_223, %sub3A : i32
          %ge3A = arith.constant 0 : i32
          %ge3A_225 = arith.cmpi sge, %sub3A_224, %ge3A : i32
          %convert_element_type3A_226 = arith.extui %ge3A_225 : i1 to i32
          %cond3A_227 = arith.constant 0 : i32
          %cond3A_228 = arith.cmpi ne, %convert_element_type3A_226, %cond3A_227 : i32
          scf.if %cond3A_228 {
            %add3A_242 = arith.constant 2 : i32
            %add3A_243 = arith.addi %add3A_192, %add3A_242 : i32
            %sub3A_244 = arith.constant 4 : i32
            %sub3A_245 = arith.subi %add3A_243, %sub3A_244 : i32
            %dma_wait3A_246 = arith.constant 1 : i32
            %dma_wait3A_247 = arith.constant 0 : i32
            %dma_wait3A_248 = arith.constant 0 : i32
            %dma_wait3A_249 = tpu.memref_slice %arg10[%dma_wait3A_246, %dma_wait3A_247, %dma_wait3A_248] : memref<4x125x64xf32, #tpu.memory_space<vmem>> -> memref<1x125x64xf32, #tpu.memory_space<vmem>>
            %dma_wait3A_250 = tpu.memref_squeeze %dma_wait3A_249 : memref<1x125x64xf32, #tpu.memory_space<vmem>> -> memref<125x64xf32, #tpu.memory_space<vmem>>
            %dma_wait3A_251 = arith.constant 0 : i32
            %dma_wait3A_252 = tpu.memref_slice %arg9[%sub3A_245, %dma_wait3A_251] : memref<160x125xi32, #tpu.memory_space<vmem>> -> memref<1x125xi32, #tpu.memory_space<vmem>>
            %dma_wait3A_253 = tpu.memref_squeeze %dma_wait3A_252 : memref<1x125xi32, #tpu.memory_space<vmem>> -> memref<125xi32, #tpu.memory_space<vmem>>
            %dma_wait3A_254 = arith.constant 0 : i32
            %dma_wait3A_255 = arith.constant 0 : i32
            %dma_wait3A_256 = tpu.memref_slice %arg12[%dma_wait3A_254, %dma_wait3A_255] : memref<10000x64xf32, #tpu.memory_space<vmem_shared>> -> memref<10000x64xf32, #tpu.memory_space<vmem_shared>>
            tpu.wait_indirect_dma semaphore(%arg18 : memref<!tpu.dma_semaphore, #tpu.memory_space<semaphore_mem>>) src(%dma_wait3A_250 : memref<125x64xf32, #tpu.memory_space<vmem>>) dst(%dma_wait3A_256 : memref<10000x64xf32, #tpu.memory_space<vmem_shared>>)
          } else {
          }
          %add3A_229 = arith.constant 2 : i32
          %add3A_230 = arith.addi %add3A_192, %add3A_229 : i32
          %dma_start3A_231 = arith.constant 1 : i32
          %dma_start3A_232 = arith.constant 0 : i32
          %dma_start3A_233 = arith.constant 0 : i32
          %dma_start3A_234 = tpu.memref_slice %arg10[%dma_start3A_231, %dma_start3A_232, %dma_start3A_233] : memref<4x125x64xf32, #tpu.memory_space<vmem>> -> memref<1x125x64xf32, #tpu.memory_space<vmem>>
          %dma_start3A_235 = tpu.memref_squeeze %dma_start3A_234 : memref<1x125x64xf32, #tpu.memory_space<vmem>> -> memref<125x64xf32, #tpu.memory_space<vmem>>
          %dma_start3A_236 = arith.constant 0 : i32
          %dma_start3A_237 = tpu.memref_slice %arg8[%add3A_230, %dma_start3A_236] : memref<160x125xi32, #tpu.memory_space<vmem>> -> memref<1x125xi32, #tpu.memory_space<vmem>>
          %dma_start3A_238 = tpu.memref_squeeze %dma_start3A_237 : memref<1x125xi32, #tpu.memory_space<vmem>> -> memref<125xi32, #tpu.memory_space<vmem>>
          %dma_start3A_239 = arith.constant 0 : i32
          %dma_start3A_240 = arith.constant 0 : i32
          %dma_start3A_241 = tpu.memref_slice %arg2[%dma_start3A_239, %dma_start3A_240] : memref<10000x64xf32, #tpu.memory_space<hbm>> -> memref<10000x64xf32, #tpu.memory_space<hbm>>
          tpu.enqueue_indirect_dma source(%dma_start3A_241 : memref<10000x64xf32, #tpu.memory_space<hbm>>) target(%dma_start3A_235 : memref<125x64xf32, #tpu.memory_space<vmem>>) offsets(%dma_start3A_238 : memref<125xi32, #tpu.memory_space<vmem>>) semaphore(%arg14 : memref<!tpu.dma_semaphore, #tpu.memory_space<semaphore_mem>>)
        } else {
        }
        %dma_wait3A_200 = arith.constant 3 : i32
        %dma_wait3A_201 = arith.constant 0 : i32
        %dma_wait3A_202 = arith.constant 0 : i32
        %dma_wait3A_203 = tpu.memref_slice %arg10[%dma_wait3A_200, %dma_wait3A_201, %dma_wait3A_202] : memref<4x125x64xf32, #tpu.memory_space<vmem>> -> memref<1x125x64xf32, #tpu.memory_space<vmem>>
        %dma_wait3A_204 = tpu.memref_squeeze %dma_wait3A_203 : memref<1x125x64xf32, #tpu.memory_space<vmem>> -> memref<125x64xf32, #tpu.memory_space<vmem>>
        %dma_wait3A_205 = arith.constant 0 : i32
        %dma_wait3A_206 = tpu.memref_slice %arg8[%add3A_192, %dma_wait3A_205] : memref<160x125xi32, #tpu.memory_space<vmem>> -> memref<1x125xi32, #tpu.memory_space<vmem>>
        %dma_wait3A_207 = tpu.memref_squeeze %dma_wait3A_206 : memref<1x125xi32, #tpu.memory_space<vmem>> -> memref<125xi32, #tpu.memory_space<vmem>>
        %dma_wait3A_208 = arith.constant 0 : i32
        %dma_wait3A_209 = arith.constant 0 : i32
        %dma_wait3A_210 = tpu.memref_slice %arg2[%dma_wait3A_208, %dma_wait3A_209] : memref<10000x64xf32, #tpu.memory_space<hbm>> -> memref<10000x64xf32, #tpu.memory_space<hbm>>
        tpu.wait_indirect_dma semaphore(%arg16 : memref<!tpu.dma_semaphore, #tpu.memory_space<semaphore_mem>>) src(%dma_wait3A_210 : memref<10000x64xf32, #tpu.memory_space<hbm>>) dst(%dma_wait3A_204 : memref<125x64xf32, #tpu.memory_space<vmem>>)
        %dma_start3A_211 = arith.constant 3 : i32
        %dma_start3A_212 = arith.constant 0 : i32
        %dma_start3A_213 = arith.constant 0 : i32
        %dma_start3A_214 = tpu.memref_slice %arg10[%dma_start3A_211, %dma_start3A_212, %dma_start3A_213] : memref<4x125x64xf32, #tpu.memory_space<vmem>> -> memref<1x125x64xf32, #tpu.memory_space<vmem>>
        %dma_start3A_215 = tpu.memref_squeeze %dma_start3A_214 : memref<1x125x64xf32, #tpu.memory_space<vmem>> -> memref<125x64xf32, #tpu.memory_space<vmem>>
        %dma_start3A_216 = arith.constant 0 : i32
        %dma_start3A_217 = tpu.memref_slice %arg9[%add3A_192, %dma_start3A_216] : memref<160x125xi32, #tpu.memory_space<vmem>> -> memref<1x125xi32, #tpu.memory_space<vmem>>
        %dma_start3A_218 = tpu.memref_squeeze %dma_start3A_217 : memref<1x125xi32, #tpu.memory_space<vmem>> -> memref<125xi32, #tpu.memory_space<vmem>>
        %dma_start3A_219 = arith.constant 0 : i32
        %dma_start3A_220 = arith.constant 0 : i32
        %dma_start3A_221 = tpu.memref_slice %arg12[%dma_start3A_219, %dma_start3A_220] : memref<10000x64xf32, #tpu.memory_space<vmem_shared>> -> memref<10000x64xf32, #tpu.memory_space<vmem_shared>>
        tpu.enqueue_indirect_dma source(%dma_start3A_215 : memref<125x64xf32, #tpu.memory_space<vmem>>) target(%dma_start3A_221 : memref<10000x64xf32, #tpu.memory_space<vmem_shared>>) offsets(%dma_start3A_218 : memref<125xi32, #tpu.memory_space<vmem>>) semaphore(%arg20 : memref<!tpu.dma_semaphore, #tpu.memory_space<semaphore_mem>>) {add = true}
      }
      %scan3A_45 = arith.constant 40 : i32
      %dma_wait3A = arith.constant 0 : i32
      %dma_wait3A_46 = arith.constant 156 : i32
      %dma_wait3A_47 = arith.constant 0 : i32
      %dma_wait3A_48 = arith.constant 0 : i32
      %dma_wait3A_49 = tpu.memref_slice %arg10[%dma_wait3A, %dma_wait3A_47, %dma_wait3A_48] : memref<4x125x64xf32, #tpu.memory_space<vmem>> -> memref<1x125x64xf32, #tpu.memory_space<vmem>>
      %dma_wait3A_50 = tpu.memref_squeeze %dma_wait3A_49 : memref<1x125x64xf32, #tpu.memory_space<vmem>> -> memref<125x64xf32, #tpu.memory_space<vmem>>
      %dma_wait3A_51 = arith.constant 0 : i32
      %dma_wait3A_52 = tpu.memref_slice %arg9[%dma_wait3A_46, %dma_wait3A_51] : memref<160x125xi32, #tpu.memory_space<vmem>> -> memref<1x125xi32, #tpu.memory_space<vmem>>
      %dma_wait3A_53 = tpu.memref_squeeze %dma_wait3A_52 : memref<1x125xi32, #tpu.memory_space<vmem>> -> memref<125xi32, #tpu.memory_space<vmem>>
      %dma_wait3A_54 = arith.constant 0 : i32
      %dma_wait3A_55 = arith.constant 0 : i32
      %dma_wait3A_56 = tpu.memref_slice %arg12[%dma_wait3A_54, %dma_wait3A_55] : memref<10000x64xf32, #tpu.memory_space<vmem_shared>> -> memref<10000x64xf32, #tpu.memory_space<vmem_shared>>
      tpu.wait_indirect_dma semaphore(%arg17 : memref<!tpu.dma_semaphore, #tpu.memory_space<semaphore_mem>>) src(%dma_wait3A_50 : memref<125x64xf32, #tpu.memory_space<vmem>>) dst(%dma_wait3A_56 : memref<10000x64xf32, #tpu.memory_space<vmem_shared>>)
      %dma_wait3A_57 = arith.constant 1 : i32
      %dma_wait3A_58 = arith.constant 157 : i32
      %dma_wait3A_59 = arith.constant 0 : i32
      %dma_wait3A_60 = arith.constant 0 : i32
      %dma_wait3A_61 = tpu.memref_slice %arg10[%dma_wait3A_57, %dma_wait3A_59, %dma_wait3A_60] : memref<4x125x64xf32, #tpu.memory_space<vmem>> -> memref<1x125x64xf32, #tpu.memory_space<vmem>>
      %dma_wait3A_62 = tpu.memref_squeeze %dma_wait3A_61 : memref<1x125x64xf32, #tpu.memory_space<vmem>> -> memref<125x64xf32, #tpu.memory_space<vmem>>
      %dma_wait3A_63 = arith.constant 0 : i32
      %dma_wait3A_64 = tpu.memref_slice %arg9[%dma_wait3A_58, %dma_wait3A_63] : memref<160x125xi32, #tpu.memory_space<vmem>> -> memref<1x125xi32, #tpu.memory_space<vmem>>
      %dma_wait3A_65 = tpu.memref_squeeze %dma_wait3A_64 : memref<1x125xi32, #tpu.memory_space<vmem>> -> memref<125xi32, #tpu.memory_space<vmem>>
      %dma_wait3A_66 = arith.constant 0 : i32
      %dma_wait3A_67 = arith.constant 0 : i32
      %dma_wait3A_68 = tpu.memref_slice %arg12[%dma_wait3A_66, %dma_wait3A_67] : memref<10000x64xf32, #tpu.memory_space<vmem_shared>> -> memref<10000x64xf32, #tpu.memory_space<vmem_shared>>
      tpu.wait_indirect_dma semaphore(%arg18 : memref<!tpu.dma_semaphore, #tpu.memory_space<semaphore_mem>>) src(%dma_wait3A_62 : memref<125x64xf32, #tpu.memory_space<vmem>>) dst(%dma_wait3A_68 : memref<10000x64xf32, #tpu.memory_space<vmem_shared>>)
      %dma_wait3A_69 = arith.constant 2 : i32
      %dma_wait3A_70 = arith.constant 158 : i32
      %dma_wait3A_71 = arith.constant 0 : i32
      %dma_wait3A_72 = arith.constant 0 : i32
      %dma_wait3A_73 = tpu.memref_slice %arg10[%dma_wait3A_69, %dma_wait3A_71, %dma_wait3A_72] : memref<4x125x64xf32, #tpu.memory_space<vmem>> -> memref<1x125x64xf32, #tpu.memory_space<vmem>>
      %dma_wait3A_74 = tpu.memref_squeeze %dma_wait3A_73 : memref<1x125x64xf32, #tpu.memory_space<vmem>> -> memref<125x64xf32, #tpu.memory_space<vmem>>
      %dma_wait3A_75 = arith.constant 0 : i32
      %dma_wait3A_76 = tpu.memref_slice %arg9[%dma_wait3A_70, %dma_wait3A_75] : memref<160x125xi32, #tpu.memory_space<vmem>> -> memref<1x125xi32, #tpu.memory_space<vmem>>
      %dma_wait3A_77 = tpu.memref_squeeze %dma_wait3A_76 : memref<1x125xi32, #tpu.memory_space<vmem>> -> memref<125xi32, #tpu.memory_space<vmem>>
      %dma_wait3A_78 = arith.constant 0 : i32
      %dma_wait3A_79 = arith.constant 0 : i32
      %dma_wait3A_80 = tpu.memref_slice %arg12[%dma_wait3A_78, %dma_wait3A_79] : memref<10000x64xf32, #tpu.memory_space<vmem_shared>> -> memref<10000x64xf32, #tpu.memory_space<vmem_shared>>
      tpu.wait_indirect_dma semaphore(%arg19 : memref<!tpu.dma_semaphore, #tpu.memory_space<semaphore_mem>>) src(%dma_wait3A_74 : memref<125x64xf32, #tpu.memory_space<vmem>>) dst(%dma_wait3A_80 : memref<10000x64xf32, #tpu.memory_space<vmem_shared>>)
      %dma_wait3A_81 = arith.constant 3 : i32
      %dma_wait3A_82 = arith.constant 159 : i32
      %dma_wait3A_83 = arith.constant 0 : i32
      %dma_wait3A_84 = arith.constant 0 : i32
      %dma_wait3A_85 = tpu.memref_slice %arg10[%dma_wait3A_81, %dma_wait3A_83, %dma_wait3A_84] : memref<4x125x64xf32, #tpu.memory_space<vmem>> -> memref<1x125x64xf32, #tpu.memory_space<vmem>>
      %dma_wait3A_86 = tpu.memref_squeeze %dma_wait3A_85 : memref<1x125x64xf32, #tpu.memory_space<vmem>> -> memref<125x64xf32, #tpu.memory_space<vmem>>
      %dma_wait3A_87 = arith.constant 0 : i32
      %dma_wait3A_88 = tpu.memref_slice %arg9[%dma_wait3A_82, %dma_wait3A_87] : memref<160x125xi32, #tpu.memory_space<vmem>> -> memref<1x125xi32, #tpu.memory_space<vmem>>
      %dma_wait3A_89 = tpu.memref_squeeze %dma_wait3A_88 : memref<1x125xi32, #tpu.memory_space<vmem>> -> memref<125xi32, #tpu.memory_space<vmem>>
      %dma_wait3A_90 = arith.constant 0 : i32
      %dma_wait3A_91 = arith.constant 0 : i32
      %dma_wait3A_92 = tpu.memref_slice %arg12[%dma_wait3A_90, %dma_wait3A_91] : memref<10000x64xf32, #tpu.memory_space<vmem_shared>> -> memref<10000x64xf32, #tpu.memory_space<vmem_shared>>
      tpu.wait_indirect_dma semaphore(%arg20 : memref<!tpu.dma_semaphore, #tpu.memory_space<semaphore_mem>>) src(%dma_wait3A_86 : memref<125x64xf32, #tpu.memory_space<vmem>>) dst(%dma_wait3A_92 : memref<10000x64xf32, #tpu.memory_space<vmem_shared>>)
    } else {
    }
    %eq3A_6 = arith.constant 1 : i32
    %eq3A_7 = arith.cmpi eq, %arg0, %eq3A_6 : i32
    %convert_element_type3A_8 = arith.extui %eq3A_7 : i1 to i32
    %cond3A_9 = arith.constant 0 : i32
    %cond3A_10 = arith.cmpi ne, %convert_element_type3A_8, %cond3A_9 : i32
    scf.if %cond3A_10 {
      %mul3A = arith.constant 160 : i32
      %mul3A_17 = arith.muli %arg1, %mul3A : i32
      %add3A = arith.constant 0 : i32
      %add3A_18 = arith.addi %mul3A_17, %add3A : i32
      "tpu.region"() ({
        %run_scoped3A = tpu.sem_alloc : memref<!tpu.dma_semaphore, #tpu.memory_space<semaphore_mem>>
        %dma_start3A_93 = arith.constant 0 : i32
        %dma_start3A_94 = tpu.memref_slice %arg4[%add3A_18, %dma_start3A_93] : memref<2560x125xi32, #tpu.memory_space<hbm>> -> memref<160x125xi32, #tpu.memory_space<hbm>>
        %dma_start3A_95 = arith.constant 0 : i32
        %dma_start3A_96 = tpu.memref_slice %arg4[%add3A_18, %dma_start3A_95] : memref<2560x125xi32, #tpu.memory_space<hbm>> -> memref<160x125xi32, #tpu.memory_space<hbm>>
        tpu.enqueue_dma source(%dma_start3A_96 : memref<160x125xi32, #tpu.memory_space<hbm>>) target(%arg8 : memref<160x125xi32, #tpu.memory_space<vmem>>) target_semaphore(%run_scoped3A : memref<!tpu.dma_semaphore, #tpu.memory_space<semaphore_mem>>)
        %dma_wait3A_97 = arith.constant 0 : i32
        %dma_wait3A_98 = tpu.memref_slice %arg4[%add3A_18, %dma_wait3A_97] : memref<2560x125xi32, #tpu.memory_space<hbm>> -> memref<160x125xi32, #tpu.memory_space<hbm>>
        %dma_wait3A_99 = arith.constant 0 : i32
        %dma_wait3A_100 = tpu.memref_slice %arg4[%add3A_18, %dma_wait3A_99] : memref<2560x125xi32, #tpu.memory_space<hbm>> -> memref<160x125xi32, #tpu.memory_space<hbm>>
        tpu.wait_dma2 semaphore(%run_scoped3A : memref<!tpu.dma_semaphore, #tpu.memory_space<semaphore_mem>>) src(%dma_wait3A_100 : memref<160x125xi32, #tpu.memory_space<hbm>>) dst(%arg8 : memref<160x125xi32, #tpu.memory_space<vmem>>)
        tpu.yield
      }) : () -> ()
      "tpu.region"() ({
        %run_scoped3A = tpu.sem_alloc : memref<!tpu.dma_semaphore, #tpu.memory_space<semaphore_mem>>
        %dma_start3A_93 = arith.constant 0 : i32
        %dma_start3A_94 = tpu.memref_slice %arg5[%add3A_18, %dma_start3A_93] : memref<2560x125xi32, #tpu.memory_space<hbm>> -> memref<160x125xi32, #tpu.memory_space<hbm>>
        %dma_start3A_95 = arith.constant 0 : i32
        %dma_start3A_96 = tpu.memref_slice %arg5[%add3A_18, %dma_start3A_95] : memref<2560x125xi32, #tpu.memory_space<hbm>> -> memref<160x125xi32, #tpu.memory_space<hbm>>
        tpu.enqueue_dma source(%dma_start3A_96 : memref<160x125xi32, #tpu.memory_space<hbm>>) target(%arg9 : memref<160x125xi32, #tpu.memory_space<vmem>>) target_semaphore(%run_scoped3A : memref<!tpu.dma_semaphore, #tpu.memory_space<semaphore_mem>>)
        %dma_wait3A_97 = arith.constant 0 : i32
        %dma_wait3A_98 = tpu.memref_slice %arg5[%add3A_18, %dma_wait3A_97] : memref<2560x125xi32, #tpu.memory_space<hbm>> -> memref<160x125xi32, #tpu.memory_space<hbm>>
        %dma_wait3A_99 = arith.constant 0 : i32
        %dma_wait3A_100 = tpu.memref_slice %arg5[%add3A_18, %dma_wait3A_99] : memref<2560x125xi32, #tpu.memory_space<hbm>> -> memref<160x125xi32, #tpu.memory_space<hbm>>
        tpu.wait_dma2 semaphore(%run_scoped3A : memref<!tpu.dma_semaphore, #tpu.memory_space<semaphore_mem>>) src(%dma_wait3A_100 : memref<160x125xi32, #tpu.memory_space<hbm>>) dst(%arg9 : memref<160x125xi32, #tpu.memory_space<vmem>>)
        tpu.yield
      }) : () -> ()
      %dma_start3A = arith.constant 0 : i32
      %dma_start3A_19 = arith.constant 0 : i32
      %dma_start3A_20 = arith.constant 0 : i32
      %dma_start3A_21 = arith.constant 0 : i32
      %dma_start3A_22 = tpu.memref_slice %arg10[%dma_start3A_19, %dma_start3A_20, %dma_start3A_21] : memref<4x125x64xf32, #tpu.memory_space<vmem>> -> memref<1x125x64xf32, #tpu.memory_space<vmem>>
      %dma_start3A_23 = tpu.memref_squeeze %dma_start3A_22 : memref<1x125x64xf32, #tpu.memory_space<vmem>> -> memref<125x64xf32, #tpu.memory_space<vmem>>
      %dma_start3A_24 = arith.constant 0 : i32
      %dma_start3A_25 = tpu.memref_slice %arg8[%dma_start3A, %dma_start3A_24] : memref<160x125xi32, #tpu.memory_space<vmem>> -> memref<1x125xi32, #tpu.memory_space<vmem>>
      %dma_start3A_26 = tpu.memref_squeeze %dma_start3A_25 : memref<1x125xi32, #tpu.memory_space<vmem>> -> memref<125xi32, #tpu.memory_space<vmem>>
      %dma_start3A_27 = arith.constant 0 : i32
      %dma_start3A_28 = arith.constant 0 : i32
      %dma_start3A_29 = tpu.memref_slice %arg3[%dma_start3A_27, %dma_start3A_28] : memref<10000x64xf32, #tpu.memory_space<hbm>> -> memref<10000x64xf32, #tpu.memory_space<hbm>>
      tpu.enqueue_indirect_dma source(%dma_start3A_29 : memref<10000x64xf32, #tpu.memory_space<hbm>>) target(%dma_start3A_23 : memref<125x64xf32, #tpu.memory_space<vmem>>) offsets(%dma_start3A_26 : memref<125xi32, #tpu.memory_space<vmem>>) semaphore(%arg13 : memref<!tpu.dma_semaphore, #tpu.memory_space<semaphore_mem>>)
      %dma_start3A_30 = arith.constant 1 : i32
      %dma_start3A_31 = arith.constant 1 : i32
      %dma_start3A_32 = arith.constant 0 : i32
      %dma_start3A_33 = arith.constant 0 : i32
      %dma_start3A_34 = tpu.memref_slice %arg10[%dma_start3A_31, %dma_start3A_32, %dma_start3A_33] : memref<4x125x64xf32, #tpu.memory_space<vmem>> -> memref<1x125x64xf32, #tpu.memory_space<vmem>>
      %dma_start3A_35 = tpu.memref_squeeze %dma_start3A_34 : memref<1x125x64xf32, #tpu.memory_space<vmem>> -> memref<125x64xf32, #tpu.memory_space<vmem>>
      %dma_start3A_36 = arith.constant 0 : i32
      %dma_start3A_37 = tpu.memref_slice %arg8[%dma_start3A_30, %dma_start3A_36] : memref<160x125xi32, #tpu.memory_space<vmem>> -> memref<1x125xi32, #tpu.memory_space<vmem>>
      %dma_start3A_38 = tpu.memref_squeeze %dma_start3A_37 : memref<1x125xi32, #tpu.memory_space<vmem>> -> memref<125xi32, #tpu.memory_space<vmem>>
      %dma_start3A_39 = arith.constant 0 : i32
      %dma_start3A_40 = arith.constant 0 : i32
      %dma_start3A_41 = tpu.memref_slice %arg3[%dma_start3A_39, %dma_start3A_40] : memref<10000x64xf32, #tpu.memory_space<hbm>> -> memref<10000x64xf32, #tpu.memory_space<hbm>>
      tpu.enqueue_indirect_dma source(%dma_start3A_41 : memref<10000x64xf32, #tpu.memory_space<hbm>>) target(%dma_start3A_35 : memref<125x64xf32, #tpu.memory_space<vmem>>) offsets(%dma_start3A_38 : memref<125xi32, #tpu.memory_space<vmem>>) semaphore(%arg14 : memref<!tpu.dma_semaphore, #tpu.memory_space<semaphore_mem>>)
      %scan3A = arith.constant 0 : i32
      %scan3A_42 = arith.constant 40 : i32
      %scan3A_43 = arith.addi %scan3A, %scan3A_42 : i32
      %scan3A_44 = arith.constant 1 : i32
      scf.for %scan3A_93 = %scan3A to %scan3A_43 step %scan3A_44  : i32 {
        %mul3A_94 = arith.constant 4 : i32
        %mul3A_95 = arith.muli %scan3A_93, %mul3A_94 : i32
        %add3A_96 = arith.constant 0 : i32
        %add3A_97 = arith.addi %add3A_96, %mul3A_95 : i32
        %add3A_98 = arith.constant 0 : i32
        %add3A_99 = arith.addi %add3A_97, %add3A_98 : i32
        %add3A_100 = arith.constant 2 : i32
        %add3A_101 = arith.addi %add3A_99, %add3A_100 : i32
        %lt3A_102 = arith.constant 160 : i32
        %lt3A_103 = arith.cmpi slt, %add3A_101, %lt3A_102 : i32
        %convert_element_type3A_104 = arith.extui %lt3A_103 : i1 to i32
        %cond3A_105 = arith.constant 0 : i32
        %cond3A_106 = arith.cmpi ne, %convert_element_type3A_104, %cond3A_105 : i32
        scf.if %cond3A_106 {
          %add3A_222 = arith.constant 2 : i32
          %add3A_223 = arith.addi %add3A_99, %add3A_222 : i32
          %sub3A = arith.constant 4 : i32
          %sub3A_224 = arith.subi %add3A_223, %sub3A : i32
          %ge3A = arith.constant 0 : i32
          %ge3A_225 = arith.cmpi sge, %sub3A_224, %ge3A : i32
          %convert_element_type3A_226 = arith.extui %ge3A_225 : i1 to i32
          %cond3A_227 = arith.constant 0 : i32
          %cond3A_228 = arith.cmpi ne, %convert_element_type3A_226, %cond3A_227 : i32
          scf.if %cond3A_228 {
            %add3A_242 = arith.constant 2 : i32
            %add3A_243 = arith.addi %add3A_99, %add3A_242 : i32
            %sub3A_244 = arith.constant 4 : i32
            %sub3A_245 = arith.subi %add3A_243, %sub3A_244 : i32
            %dma_wait3A_246 = arith.constant 2 : i32
            %dma_wait3A_247 = arith.constant 0 : i32
            %dma_wait3A_248 = arith.constant 0 : i32
            %dma_wait3A_249 = tpu.memref_slice %arg10[%dma_wait3A_246, %dma_wait3A_247, %dma_wait3A_248] : memref<4x125x64xf32, #tpu.memory_space<vmem>> -> memref<1x125x64xf32, #tpu.memory_space<vmem>>
            %dma_wait3A_250 = tpu.memref_squeeze %dma_wait3A_249 : memref<1x125x64xf32, #tpu.memory_space<vmem>> -> memref<125x64xf32, #tpu.memory_space<vmem>>
            %dma_wait3A_251 = arith.constant 0 : i32
            %dma_wait3A_252 = tpu.memref_slice %arg9[%sub3A_245, %dma_wait3A_251] : memref<160x125xi32, #tpu.memory_space<vmem>> -> memref<1x125xi32, #tpu.memory_space<vmem>>
            %dma_wait3A_253 = tpu.memref_squeeze %dma_wait3A_252 : memref<1x125xi32, #tpu.memory_space<vmem>> -> memref<125xi32, #tpu.memory_space<vmem>>
            %dma_wait3A_254 = arith.constant 0 : i32
            %dma_wait3A_255 = arith.constant 0 : i32
            %dma_wait3A_256 = tpu.memref_slice %arg12[%dma_wait3A_254, %dma_wait3A_255] : memref<10000x64xf32, #tpu.memory_space<vmem_shared>> -> memref<10000x64xf32, #tpu.memory_space<vmem_shared>>
            tpu.wait_indirect_dma semaphore(%arg19 : memref<!tpu.dma_semaphore, #tpu.memory_space<semaphore_mem>>) src(%dma_wait3A_250 : memref<125x64xf32, #tpu.memory_space<vmem>>) dst(%dma_wait3A_256 : memref<10000x64xf32, #tpu.memory_space<vmem_shared>>)
          } else {
          }
          %add3A_229 = arith.constant 2 : i32
          %add3A_230 = arith.addi %add3A_99, %add3A_229 : i32
          %dma_start3A_231 = arith.constant 2 : i32
          %dma_start3A_232 = arith.constant 0 : i32
          %dma_start3A_233 = arith.constant 0 : i32
          %dma_start3A_234 = tpu.memref_slice %arg10[%dma_start3A_231, %dma_start3A_232, %dma_start3A_233] : memref<4x125x64xf32, #tpu.memory_space<vmem>> -> memref<1x125x64xf32, #tpu.memory_space<vmem>>
          %dma_start3A_235 = tpu.memref_squeeze %dma_start3A_234 : memref<1x125x64xf32, #tpu.memory_space<vmem>> -> memref<125x64xf32, #tpu.memory_space<vmem>>
          %dma_start3A_236 = arith.constant 0 : i32
          %dma_start3A_237 = tpu.memref_slice %arg8[%add3A_230, %dma_start3A_236] : memref<160x125xi32, #tpu.memory_space<vmem>> -> memref<1x125xi32, #tpu.memory_space<vmem>>
          %dma_start3A_238 = tpu.memref_squeeze %dma_start3A_237 : memref<1x125xi32, #tpu.memory_space<vmem>> -> memref<125xi32, #tpu.memory_space<vmem>>
          %dma_start3A_239 = arith.constant 0 : i32
          %dma_start3A_240 = arith.constant 0 : i32
          %dma_start3A_241 = tpu.memref_slice %arg3[%dma_start3A_239, %dma_start3A_240] : memref<10000x64xf32, #tpu.memory_space<hbm>> -> memref<10000x64xf32, #tpu.memory_space<hbm>>
          tpu.enqueue_indirect_dma source(%dma_start3A_241 : memref<10000x64xf32, #tpu.memory_space<hbm>>) target(%dma_start3A_235 : memref<125x64xf32, #tpu.memory_space<vmem>>) offsets(%dma_start3A_238 : memref<125xi32, #tpu.memory_space<vmem>>) semaphore(%arg15 : memref<!tpu.dma_semaphore, #tpu.memory_space<semaphore_mem>>)
        } else {
        }
        %dma_wait3A_107 = arith.constant 0 : i32
        %dma_wait3A_108 = arith.constant 0 : i32
        %dma_wait3A_109 = arith.constant 0 : i32
        %dma_wait3A_110 = tpu.memref_slice %arg10[%dma_wait3A_107, %dma_wait3A_108, %dma_wait3A_109] : memref<4x125x64xf32, #tpu.memory_space<vmem>> -> memref<1x125x64xf32, #tpu.memory_space<vmem>>
        %dma_wait3A_111 = tpu.memref_squeeze %dma_wait3A_110 : memref<1x125x64xf32, #tpu.memory_space<vmem>> -> memref<125x64xf32, #tpu.memory_space<vmem>>
        %dma_wait3A_112 = arith.constant 0 : i32
        %dma_wait3A_113 = tpu.memref_slice %arg8[%add3A_99, %dma_wait3A_112] : memref<160x125xi32, #tpu.memory_space<vmem>> -> memref<1x125xi32, #tpu.memory_space<vmem>>
        %dma_wait3A_114 = tpu.memref_squeeze %dma_wait3A_113 : memref<1x125xi32, #tpu.memory_space<vmem>> -> memref<125xi32, #tpu.memory_space<vmem>>
        %dma_wait3A_115 = arith.constant 0 : i32
        %dma_wait3A_116 = arith.constant 0 : i32
        %dma_wait3A_117 = tpu.memref_slice %arg3[%dma_wait3A_115, %dma_wait3A_116] : memref<10000x64xf32, #tpu.memory_space<hbm>> -> memref<10000x64xf32, #tpu.memory_space<hbm>>
        tpu.wait_indirect_dma semaphore(%arg13 : memref<!tpu.dma_semaphore, #tpu.memory_space<semaphore_mem>>) src(%dma_wait3A_117 : memref<10000x64xf32, #tpu.memory_space<hbm>>) dst(%dma_wait3A_111 : memref<125x64xf32, #tpu.memory_space<vmem>>)
        %dma_start3A_118 = arith.constant 0 : i32
        %dma_start3A_119 = arith.constant 0 : i32
        %dma_start3A_120 = arith.constant 0 : i32
        %dma_start3A_121 = tpu.memref_slice %arg10[%dma_start3A_118, %dma_start3A_119, %dma_start3A_120] : memref<4x125x64xf32, #tpu.memory_space<vmem>> -> memref<1x125x64xf32, #tpu.memory_space<vmem>>
        %dma_start3A_122 = tpu.memref_squeeze %dma_start3A_121 : memref<1x125x64xf32, #tpu.memory_space<vmem>> -> memref<125x64xf32, #tpu.memory_space<vmem>>
        %dma_start3A_123 = arith.constant 0 : i32
        %dma_start3A_124 = tpu.memref_slice %arg9[%add3A_99, %dma_start3A_123] : memref<160x125xi32, #tpu.memory_space<vmem>> -> memref<1x125xi32, #tpu.memory_space<vmem>>
        %dma_start3A_125 = tpu.memref_squeeze %dma_start3A_124 : memref<1x125xi32, #tpu.memory_space<vmem>> -> memref<125xi32, #tpu.memory_space<vmem>>
        %dma_start3A_126 = arith.constant 0 : i32
        %dma_start3A_127 = arith.constant 0 : i32
        %dma_start3A_128 = tpu.memref_slice %arg12[%dma_start3A_126, %dma_start3A_127] : memref<10000x64xf32, #tpu.memory_space<vmem_shared>> -> memref<10000x64xf32, #tpu.memory_space<vmem_shared>>
        tpu.enqueue_indirect_dma source(%dma_start3A_122 : memref<125x64xf32, #tpu.memory_space<vmem>>) target(%dma_start3A_128 : memref<10000x64xf32, #tpu.memory_space<vmem_shared>>) offsets(%dma_start3A_125 : memref<125xi32, #tpu.memory_space<vmem>>) semaphore(%arg17 : memref<!tpu.dma_semaphore, #tpu.memory_space<semaphore_mem>>) {add = true}
        %add3A_129 = arith.constant 1 : i32
        %add3A_130 = arith.addi %add3A_97, %add3A_129 : i32
        %add3A_131 = arith.constant 2 : i32
        %add3A_132 = arith.addi %add3A_130, %add3A_131 : i32
        %lt3A_133 = arith.constant 160 : i32
        %lt3A_134 = arith.cmpi slt, %add3A_132, %lt3A_133 : i32
        %convert_element_type3A_135 = arith.extui %lt3A_134 : i1 to i32
        %cond3A_136 = arith.constant 0 : i32
        %cond3A_137 = arith.cmpi ne, %convert_element_type3A_135, %cond3A_136 : i32
        scf.if %cond3A_137 {
          %add3A_222 = arith.constant 2 : i32
          %add3A_223 = arith.addi %add3A_130, %add3A_222 : i32
          %sub3A = arith.constant 4 : i32
          %sub3A_224 = arith.subi %add3A_223, %sub3A : i32
          %ge3A = arith.constant 0 : i32
          %ge3A_225 = arith.cmpi sge, %sub3A_224, %ge3A : i32
          %convert_element_type3A_226 = arith.extui %ge3A_225 : i1 to i32
          %cond3A_227 = arith.constant 0 : i32
          %cond3A_228 = arith.cmpi ne, %convert_element_type3A_226, %cond3A_227 : i32
          scf.if %cond3A_228 {
            %add3A_242 = arith.constant 2 : i32
            %add3A_243 = arith.addi %add3A_130, %add3A_242 : i32
            %sub3A_244 = arith.constant 4 : i32
            %sub3A_245 = arith.subi %add3A_243, %sub3A_244 : i32
            %dma_wait3A_246 = arith.constant 3 : i32
            %dma_wait3A_247 = arith.constant 0 : i32
            %dma_wait3A_248 = arith.constant 0 : i32
            %dma_wait3A_249 = tpu.memref_slice %arg10[%dma_wait3A_246, %dma_wait3A_247, %dma_wait3A_248] : memref<4x125x64xf32, #tpu.memory_space<vmem>> -> memref<1x125x64xf32, #tpu.memory_space<vmem>>
            %dma_wait3A_250 = tpu.memref_squeeze %dma_wait3A_249 : memref<1x125x64xf32, #tpu.memory_space<vmem>> -> memref<125x64xf32, #tpu.memory_space<vmem>>
            %dma_wait3A_251 = arith.constant 0 : i32
            %dma_wait3A_252 = tpu.memref_slice %arg9[%sub3A_245, %dma_wait3A_251] : memref<160x125xi32, #tpu.memory_space<vmem>> -> memref<1x125xi32, #tpu.memory_space<vmem>>
            %dma_wait3A_253 = tpu.memref_squeeze %dma_wait3A_252 : memref<1x125xi32, #tpu.memory_space<vmem>> -> memref<125xi32, #tpu.memory_space<vmem>>
            %dma_wait3A_254 = arith.constant 0 : i32
            %dma_wait3A_255 = arith.constant 0 : i32
            %dma_wait3A_256 = tpu.memref_slice %arg12[%dma_wait3A_254, %dma_wait3A_255] : memref<10000x64xf32, #tpu.memory_space<vmem_shared>> -> memref<10000x64xf32, #tpu.memory_space<vmem_shared>>
            tpu.wait_indirect_dma semaphore(%arg20 : memref<!tpu.dma_semaphore, #tpu.memory_space<semaphore_mem>>) src(%dma_wait3A_250 : memref<125x64xf32, #tpu.memory_space<vmem>>) dst(%dma_wait3A_256 : memref<10000x64xf32, #tpu.memory_space<vmem_shared>>)
          } else {
          }
          %add3A_229 = arith.constant 2 : i32
          %add3A_230 = arith.addi %add3A_130, %add3A_229 : i32
          %dma_start3A_231 = arith.constant 3 : i32
          %dma_start3A_232 = arith.constant 0 : i32
          %dma_start3A_233 = arith.constant 0 : i32
          %dma_start3A_234 = tpu.memref_slice %arg10[%dma_start3A_231, %dma_start3A_232, %dma_start3A_233] : memref<4x125x64xf32, #tpu.memory_space<vmem>> -> memref<1x125x64xf32, #tpu.memory_space<vmem>>
          %dma_start3A_235 = tpu.memref_squeeze %dma_start3A_234 : memref<1x125x64xf32, #tpu.memory_space<vmem>> -> memref<125x64xf32, #tpu.memory_space<vmem>>
          %dma_start3A_236 = arith.constant 0 : i32
          %dma_start3A_237 = tpu.memref_slice %arg8[%add3A_230, %dma_start3A_236] : memref<160x125xi32, #tpu.memory_space<vmem>> -> memref<1x125xi32, #tpu.memory_space<vmem>>
          %dma_start3A_238 = tpu.memref_squeeze %dma_start3A_237 : memref<1x125xi32, #tpu.memory_space<vmem>> -> memref<125xi32, #tpu.memory_space<vmem>>
          %dma_start3A_239 = arith.constant 0 : i32
          %dma_start3A_240 = arith.constant 0 : i32
          %dma_start3A_241 = tpu.memref_slice %arg3[%dma_start3A_239, %dma_start3A_240] : memref<10000x64xf32, #tpu.memory_space<hbm>> -> memref<10000x64xf32, #tpu.memory_space<hbm>>
          tpu.enqueue_indirect_dma source(%dma_start3A_241 : memref<10000x64xf32, #tpu.memory_space<hbm>>) target(%dma_start3A_235 : memref<125x64xf32, #tpu.memory_space<vmem>>) offsets(%dma_start3A_238 : memref<125xi32, #tpu.memory_space<vmem>>) semaphore(%arg16 : memref<!tpu.dma_semaphore, #tpu.memory_space<semaphore_mem>>)
        } else {
        }
        %dma_wait3A_138 = arith.constant 1 : i32
        %dma_wait3A_139 = arith.constant 0 : i32
        %dma_wait3A_140 = arith.constant 0 : i32
        %dma_wait3A_141 = tpu.memref_slice %arg10[%dma_wait3A_138, %dma_wait3A_139, %dma_wait3A_140] : memref<4x125x64xf32, #tpu.memory_space<vmem>> -> memref<1x125x64xf32, #tpu.memory_space<vmem>>
        %dma_wait3A_142 = tpu.memref_squeeze %dma_wait3A_141 : memref<1x125x64xf32, #tpu.memory_space<vmem>> -> memref<125x64xf32, #tpu.memory_space<vmem>>
        %dma_wait3A_143 = arith.constant 0 : i32
        %dma_wait3A_144 = tpu.memref_slice %arg8[%add3A_130, %dma_wait3A_143] : memref<160x125xi32, #tpu.memory_space<vmem>> -> memref<1x125xi32, #tpu.memory_space<vmem>>
        %dma_wait3A_145 = tpu.memref_squeeze %dma_wait3A_144 : memref<1x125xi32, #tpu.memory_space<vmem>> -> memref<125xi32, #tpu.memory_space<vmem>>
        %dma_wait3A_146 = arith.constant 0 : i32
        %dma_wait3A_147 = arith.constant 0 : i32
        %dma_wait3A_148 = tpu.memref_slice %arg3[%dma_wait3A_146, %dma_wait3A_147] : memref<10000x64xf32, #tpu.memory_space<hbm>> -> memref<10000x64xf32, #tpu.memory_space<hbm>>
        tpu.wait_indirect_dma semaphore(%arg14 : memref<!tpu.dma_semaphore, #tpu.memory_space<semaphore_mem>>) src(%dma_wait3A_148 : memref<10000x64xf32, #tpu.memory_space<hbm>>) dst(%dma_wait3A_142 : memref<125x64xf32, #tpu.memory_space<vmem>>)
        %dma_start3A_149 = arith.constant 1 : i32
        %dma_start3A_150 = arith.constant 0 : i32
        %dma_start3A_151 = arith.constant 0 : i32
        %dma_start3A_152 = tpu.memref_slice %arg10[%dma_start3A_149, %dma_start3A_150, %dma_start3A_151] : memref<4x125x64xf32, #tpu.memory_space<vmem>> -> memref<1x125x64xf32, #tpu.memory_space<vmem>>
        %dma_start3A_153 = tpu.memref_squeeze %dma_start3A_152 : memref<1x125x64xf32, #tpu.memory_space<vmem>> -> memref<125x64xf32, #tpu.memory_space<vmem>>
        %dma_start3A_154 = arith.constant 0 : i32
        %dma_start3A_155 = tpu.memref_slice %arg9[%add3A_130, %dma_start3A_154] : memref<160x125xi32, #tpu.memory_space<vmem>> -> memref<1x125xi32, #tpu.memory_space<vmem>>
        %dma_start3A_156 = tpu.memref_squeeze %dma_start3A_155 : memref<1x125xi32, #tpu.memory_space<vmem>> -> memref<125xi32, #tpu.memory_space<vmem>>
        %dma_start3A_157 = arith.constant 0 : i32
        %dma_start3A_158 = arith.constant 0 : i32
        %dma_start3A_159 = tpu.memref_slice %arg12[%dma_start3A_157, %dma_start3A_158] : memref<10000x64xf32, #tpu.memory_space<vmem_shared>> -> memref<10000x64xf32, #tpu.memory_space<vmem_shared>>
        tpu.enqueue_indirect_dma source(%dma_start3A_153 : memref<125x64xf32, #tpu.memory_space<vmem>>) target(%dma_start3A_159 : memref<10000x64xf32, #tpu.memory_space<vmem_shared>>) offsets(%dma_start3A_156 : memref<125xi32, #tpu.memory_space<vmem>>) semaphore(%arg18 : memref<!tpu.dma_semaphore, #tpu.memory_space<semaphore_mem>>) {add = true}
        %add3A_160 = arith.constant 2 : i32
        %add3A_161 = arith.addi %add3A_97, %add3A_160 : i32
        %add3A_162 = arith.constant 2 : i32
        %add3A_163 = arith.addi %add3A_161, %add3A_162 : i32
        %lt3A_164 = arith.constant 160 : i32
        %lt3A_165 = arith.cmpi slt, %add3A_163, %lt3A_164 : i32
        %convert_element_type3A_166 = arith.extui %lt3A_165 : i1 to i32
        %cond3A_167 = arith.constant 0 : i32
        %cond3A_168 = arith.cmpi ne, %convert_element_type3A_166, %cond3A_167 : i32
        scf.if %cond3A_168 {
          %add3A_222 = arith.constant 2 : i32
          %add3A_223 = arith.addi %add3A_161, %add3A_222 : i32
          %sub3A = arith.constant 4 : i32
          %sub3A_224 = arith.subi %add3A_223, %sub3A : i32
          %ge3A = arith.constant 0 : i32
          %ge3A_225 = arith.cmpi sge, %sub3A_224, %ge3A : i32
          %convert_element_type3A_226 = arith.extui %ge3A_225 : i1 to i32
          %cond3A_227 = arith.constant 0 : i32
          %cond3A_228 = arith.cmpi ne, %convert_element_type3A_226, %cond3A_227 : i32
          scf.if %cond3A_228 {
            %add3A_242 = arith.constant 2 : i32
            %add3A_243 = arith.addi %add3A_161, %add3A_242 : i32
            %sub3A_244 = arith.constant 4 : i32
            %sub3A_245 = arith.subi %add3A_243, %sub3A_244 : i32
            %dma_wait3A_246 = arith.constant 0 : i32
            %dma_wait3A_247 = arith.constant 0 : i32
            %dma_wait3A_248 = arith.constant 0 : i32
            %dma_wait3A_249 = tpu.memref_slice %arg10[%dma_wait3A_246, %dma_wait3A_247, %dma_wait3A_248] : memref<4x125x64xf32, #tpu.memory_space<vmem>> -> memref<1x125x64xf32, #tpu.memory_space<vmem>>
            %dma_wait3A_250 = tpu.memref_squeeze %dma_wait3A_249 : memref<1x125x64xf32, #tpu.memory_space<vmem>> -> memref<125x64xf32, #tpu.memory_space<vmem>>
            %dma_wait3A_251 = arith.constant 0 : i32
            %dma_wait3A_252 = tpu.memref_slice %arg9[%sub3A_245, %dma_wait3A_251] : memref<160x125xi32, #tpu.memory_space<vmem>> -> memref<1x125xi32, #tpu.memory_space<vmem>>
            %dma_wait3A_253 = tpu.memref_squeeze %dma_wait3A_252 : memref<1x125xi32, #tpu.memory_space<vmem>> -> memref<125xi32, #tpu.memory_space<vmem>>
            %dma_wait3A_254 = arith.constant 0 : i32
            %dma_wait3A_255 = arith.constant 0 : i32
            %dma_wait3A_256 = tpu.memref_slice %arg12[%dma_wait3A_254, %dma_wait3A_255] : memref<10000x64xf32, #tpu.memory_space<vmem_shared>> -> memref<10000x64xf32, #tpu.memory_space<vmem_shared>>
            tpu.wait_indirect_dma semaphore(%arg17 : memref<!tpu.dma_semaphore, #tpu.memory_space<semaphore_mem>>) src(%dma_wait3A_250 : memref<125x64xf32, #tpu.memory_space<vmem>>) dst(%dma_wait3A_256 : memref<10000x64xf32, #tpu.memory_space<vmem_shared>>)
          } else {
          }
          %add3A_229 = arith.constant 2 : i32
          %add3A_230 = arith.addi %add3A_161, %add3A_229 : i32
          %dma_start3A_231 = arith.constant 0 : i32
          %dma_start3A_232 = arith.constant 0 : i32
          %dma_start3A_233 = arith.constant 0 : i32
          %dma_start3A_234 = tpu.memref_slice %arg10[%dma_start3A_231, %dma_start3A_232, %dma_start3A_233] : memref<4x125x64xf32, #tpu.memory_space<vmem>> -> memref<1x125x64xf32, #tpu.memory_space<vmem>>
          %dma_start3A_235 = tpu.memref_squeeze %dma_start3A_234 : memref<1x125x64xf32, #tpu.memory_space<vmem>> -> memref<125x64xf32, #tpu.memory_space<vmem>>
          %dma_start3A_236 = arith.constant 0 : i32
          %dma_start3A_237 = tpu.memref_slice %arg8[%add3A_230, %dma_start3A_236] : memref<160x125xi32, #tpu.memory_space<vmem>> -> memref<1x125xi32, #tpu.memory_space<vmem>>
          %dma_start3A_238 = tpu.memref_squeeze %dma_start3A_237 : memref<1x125xi32, #tpu.memory_space<vmem>> -> memref<125xi32, #tpu.memory_space<vmem>>
          %dma_start3A_239 = arith.constant 0 : i32
          %dma_start3A_240 = arith.constant 0 : i32
          %dma_start3A_241 = tpu.memref_slice %arg3[%dma_start3A_239, %dma_start3A_240] : memref<10000x64xf32, #tpu.memory_space<hbm>> -> memref<10000x64xf32, #tpu.memory_space<hbm>>
          tpu.enqueue_indirect_dma source(%dma_start3A_241 : memref<10000x64xf32, #tpu.memory_space<hbm>>) target(%dma_start3A_235 : memref<125x64xf32, #tpu.memory_space<vmem>>) offsets(%dma_start3A_238 : memref<125xi32, #tpu.memory_space<vmem>>) semaphore(%arg13 : memref<!tpu.dma_semaphore, #tpu.memory_space<semaphore_mem>>)
        } else {
        }
        %dma_wait3A_169 = arith.constant 2 : i32
        %dma_wait3A_170 = arith.constant 0 : i32
        %dma_wait3A_171 = arith.constant 0 : i32
        %dma_wait3A_172 = tpu.memref_slice %arg10[%dma_wait3A_169, %dma_wait3A_170, %dma_wait3A_171] : memref<4x125x64xf32, #tpu.memory_space<vmem>> -> memref<1x125x64xf32, #tpu.memory_space<vmem>>
        %dma_wait3A_173 = tpu.memref_squeeze %dma_wait3A_172 : memref<1x125x64xf32, #tpu.memory_space<vmem>> -> memref<125x64xf32, #tpu.memory_space<vmem>>
        %dma_wait3A_174 = arith.constant 0 : i32
        %dma_wait3A_175 = tpu.memref_slice %arg8[%add3A_161, %dma_wait3A_174] : memref<160x125xi32, #tpu.memory_space<vmem>> -> memref<1x125xi32, #tpu.memory_space<vmem>>
        %dma_wait3A_176 = tpu.memref_squeeze %dma_wait3A_175 : memref<1x125xi32, #tpu.memory_space<vmem>> -> memref<125xi32, #tpu.memory_space<vmem>>
        %dma_wait3A_177 = arith.constant 0 : i32
        %dma_wait3A_178 = arith.constant 0 : i32
        %dma_wait3A_179 = tpu.memref_slice %arg3[%dma_wait3A_177, %dma_wait3A_178] : memref<10000x64xf32, #tpu.memory_space<hbm>> -> memref<10000x64xf32, #tpu.memory_space<hbm>>
        tpu.wait_indirect_dma semaphore(%arg15 : memref<!tpu.dma_semaphore, #tpu.memory_space<semaphore_mem>>) src(%dma_wait3A_179 : memref<10000x64xf32, #tpu.memory_space<hbm>>) dst(%dma_wait3A_173 : memref<125x64xf32, #tpu.memory_space<vmem>>)
        %dma_start3A_180 = arith.constant 2 : i32
        %dma_start3A_181 = arith.constant 0 : i32
        %dma_start3A_182 = arith.constant 0 : i32
        %dma_start3A_183 = tpu.memref_slice %arg10[%dma_start3A_180, %dma_start3A_181, %dma_start3A_182] : memref<4x125x64xf32, #tpu.memory_space<vmem>> -> memref<1x125x64xf32, #tpu.memory_space<vmem>>
        %dma_start3A_184 = tpu.memref_squeeze %dma_start3A_183 : memref<1x125x64xf32, #tpu.memory_space<vmem>> -> memref<125x64xf32, #tpu.memory_space<vmem>>
        %dma_start3A_185 = arith.constant 0 : i32
        %dma_start3A_186 = tpu.memref_slice %arg9[%add3A_161, %dma_start3A_185] : memref<160x125xi32, #tpu.memory_space<vmem>> -> memref<1x125xi32, #tpu.memory_space<vmem>>
        %dma_start3A_187 = tpu.memref_squeeze %dma_start3A_186 : memref<1x125xi32, #tpu.memory_space<vmem>> -> memref<125xi32, #tpu.memory_space<vmem>>
        %dma_start3A_188 = arith.constant 0 : i32
        %dma_start3A_189 = arith.constant 0 : i32
        %dma_start3A_190 = tpu.memref_slice %arg12[%dma_start3A_188, %dma_start3A_189] : memref<10000x64xf32, #tpu.memory_space<vmem_shared>> -> memref<10000x64xf32, #tpu.memory_space<vmem_shared>>
        tpu.enqueue_indirect_dma source(%dma_start3A_184 : memref<125x64xf32, #tpu.memory_space<vmem>>) target(%dma_start3A_190 : memref<10000x64xf32, #tpu.memory_space<vmem_shared>>) offsets(%dma_start3A_187 : memref<125xi32, #tpu.memory_space<vmem>>) semaphore(%arg19 : memref<!tpu.dma_semaphore, #tpu.memory_space<semaphore_mem>>) {add = true}
        %add3A_191 = arith.constant 3 : i32
        %add3A_192 = arith.addi %add3A_97, %add3A_191 : i32
        %add3A_193 = arith.constant 2 : i32
        %add3A_194 = arith.addi %add3A_192, %add3A_193 : i32
        %lt3A_195 = arith.constant 160 : i32
        %lt3A_196 = arith.cmpi slt, %add3A_194, %lt3A_195 : i32
        %convert_element_type3A_197 = arith.extui %lt3A_196 : i1 to i32
        %cond3A_198 = arith.constant 0 : i32
        %cond3A_199 = arith.cmpi ne, %convert_element_type3A_197, %cond3A_198 : i32
        scf.if %cond3A_199 {
          %add3A_222 = arith.constant 2 : i32
          %add3A_223 = arith.addi %add3A_192, %add3A_222 : i32
          %sub3A = arith.constant 4 : i32
          %sub3A_224 = arith.subi %add3A_223, %sub3A : i32
          %ge3A = arith.constant 0 : i32
          %ge3A_225 = arith.cmpi sge, %sub3A_224, %ge3A : i32
          %convert_element_type3A_226 = arith.extui %ge3A_225 : i1 to i32
          %cond3A_227 = arith.constant 0 : i32
          %cond3A_228 = arith.cmpi ne, %convert_element_type3A_226, %cond3A_227 : i32
          scf.if %cond3A_228 {
            %add3A_242 = arith.constant 2 : i32
            %add3A_243 = arith.addi %add3A_192, %add3A_242 : i32
            %sub3A_244 = arith.constant 4 : i32
            %sub3A_245 = arith.subi %add3A_243, %sub3A_244 : i32
            %dma_wait3A_246 = arith.constant 1 : i32
            %dma_wait3A_247 = arith.constant 0 : i32
            %dma_wait3A_248 = arith.constant 0 : i32
            %dma_wait3A_249 = tpu.memref_slice %arg10[%dma_wait3A_246, %dma_wait3A_247, %dma_wait3A_248] : memref<4x125x64xf32, #tpu.memory_space<vmem>> -> memref<1x125x64xf32, #tpu.memory_space<vmem>>
            %dma_wait3A_250 = tpu.memref_squeeze %dma_wait3A_249 : memref<1x125x64xf32, #tpu.memory_space<vmem>> -> memref<125x64xf32, #tpu.memory_space<vmem>>
            %dma_wait3A_251 = arith.constant 0 : i32
            %dma_wait3A_252 = tpu.memref_slice %arg9[%sub3A_245, %dma_wait3A_251] : memref<160x125xi32, #tpu.memory_space<vmem>> -> memref<1x125xi32, #tpu.memory_space<vmem>>
            %dma_wait3A_253 = tpu.memref_squeeze %dma_wait3A_252 : memref<1x125xi32, #tpu.memory_space<vmem>> -> memref<125xi32, #tpu.memory_space<vmem>>
            %dma_wait3A_254 = arith.constant 0 : i32
            %dma_wait3A_255 = arith.constant 0 : i32
            %dma_wait3A_256 = tpu.memref_slice %arg12[%dma_wait3A_254, %dma_wait3A_255] : memref<10000x64xf32, #tpu.memory_space<vmem_shared>> -> memref<10000x64xf32, #tpu.memory_space<vmem_shared>>
            tpu.wait_indirect_dma semaphore(%arg18 : memref<!tpu.dma_semaphore, #tpu.memory_space<semaphore_mem>>) src(%dma_wait3A_250 : memref<125x64xf32, #tpu.memory_space<vmem>>) dst(%dma_wait3A_256 : memref<10000x64xf32, #tpu.memory_space<vmem_shared>>)
          } else {
          }
          %add3A_229 = arith.constant 2 : i32
          %add3A_230 = arith.addi %add3A_192, %add3A_229 : i32
          %dma_start3A_231 = arith.constant 1 : i32
          %dma_start3A_232 = arith.constant 0 : i32
          %dma_start3A_233 = arith.constant 0 : i32
          %dma_start3A_234 = tpu.memref_slice %arg10[%dma_start3A_231, %dma_start3A_232, %dma_start3A_233] : memref<4x125x64xf32, #tpu.memory_space<vmem>> -> memref<1x125x64xf32, #tpu.memory_space<vmem>>
          %dma_start3A_235 = tpu.memref_squeeze %dma_start3A_234 : memref<1x125x64xf32, #tpu.memory_space<vmem>> -> memref<125x64xf32, #tpu.memory_space<vmem>>
          %dma_start3A_236 = arith.constant 0 : i32
          %dma_start3A_237 = tpu.memref_slice %arg8[%add3A_230, %dma_start3A_236] : memref<160x125xi32, #tpu.memory_space<vmem>> -> memref<1x125xi32, #tpu.memory_space<vmem>>
          %dma_start3A_238 = tpu.memref_squeeze %dma_start3A_237 : memref<1x125xi32, #tpu.memory_space<vmem>> -> memref<125xi32, #tpu.memory_space<vmem>>
          %dma_start3A_239 = arith.constant 0 : i32
          %dma_start3A_240 = arith.constant 0 : i32
          %dma_start3A_241 = tpu.memref_slice %arg3[%dma_start3A_239, %dma_start3A_240] : memref<10000x64xf32, #tpu.memory_space<hbm>> -> memref<10000x64xf32, #tpu.memory_space<hbm>>
          tpu.enqueue_indirect_dma source(%dma_start3A_241 : memref<10000x64xf32, #tpu.memory_space<hbm>>) target(%dma_start3A_235 : memref<125x64xf32, #tpu.memory_space<vmem>>) offsets(%dma_start3A_238 : memref<125xi32, #tpu.memory_space<vmem>>) semaphore(%arg14 : memref<!tpu.dma_semaphore, #tpu.memory_space<semaphore_mem>>)
        } else {
        }
        %dma_wait3A_200 = arith.constant 3 : i32
        %dma_wait3A_201 = arith.constant 0 : i32
        %dma_wait3A_202 = arith.constant 0 : i32
        %dma_wait3A_203 = tpu.memref_slice %arg10[%dma_wait3A_200, %dma_wait3A_201, %dma_wait3A_202] : memref<4x125x64xf32, #tpu.memory_space<vmem>> -> memref<1x125x64xf32, #tpu.memory_space<vmem>>
        %dma_wait3A_204 = tpu.memref_squeeze %dma_wait3A_203 : memref<1x125x64xf32, #tpu.memory_space<vmem>> -> memref<125x64xf32, #tpu.memory_space<vmem>>
        %dma_wait3A_205 = arith.constant 0 : i32
        %dma_wait3A_206 = tpu.memref_slice %arg8[%add3A_192, %dma_wait3A_205] : memref<160x125xi32, #tpu.memory_space<vmem>> -> memref<1x125xi32, #tpu.memory_space<vmem>>
        %dma_wait3A_207 = tpu.memref_squeeze %dma_wait3A_206 : memref<1x125xi32, #tpu.memory_space<vmem>> -> memref<125xi32, #tpu.memory_space<vmem>>
        %dma_wait3A_208 = arith.constant 0 : i32
        %dma_wait3A_209 = arith.constant 0 : i32
        %dma_wait3A_210 = tpu.memref_slice %arg3[%dma_wait3A_208, %dma_wait3A_209] : memref<10000x64xf32, #tpu.memory_space<hbm>> -> memref<10000x64xf32, #tpu.memory_space<hbm>>
        tpu.wait_indirect_dma semaphore(%arg16 : memref<!tpu.dma_semaphore, #tpu.memory_space<semaphore_mem>>) src(%dma_wait3A_210 : memref<10000x64xf32, #tpu.memory_space<hbm>>) dst(%dma_wait3A_204 : memref<125x64xf32, #tpu.memory_space<vmem>>)
        %dma_start3A_211 = arith.constant 3 : i32
        %dma_start3A_212 = arith.constant 0 : i32
        %dma_start3A_213 = arith.constant 0 : i32
        %dma_start3A_214 = tpu.memref_slice %arg10[%dma_start3A_211, %dma_start3A_212, %dma_start3A_213] : memref<4x125x64xf32, #tpu.memory_space<vmem>> -> memref<1x125x64xf32, #tpu.memory_space<vmem>>
        %dma_start3A_215 = tpu.memref_squeeze %dma_start3A_214 : memref<1x125x64xf32, #tpu.memory_space<vmem>> -> memref<125x64xf32, #tpu.memory_space<vmem>>
        %dma_start3A_216 = arith.constant 0 : i32
        %dma_start3A_217 = tpu.memref_slice %arg9[%add3A_192, %dma_start3A_216] : memref<160x125xi32, #tpu.memory_space<vmem>> -> memref<1x125xi32, #tpu.memory_space<vmem>>
        %dma_start3A_218 = tpu.memref_squeeze %dma_start3A_217 : memref<1x125xi32, #tpu.memory_space<vmem>> -> memref<125xi32, #tpu.memory_space<vmem>>
        %dma_start3A_219 = arith.constant 0 : i32
        %dma_start3A_220 = arith.constant 0 : i32
        %dma_start3A_221 = tpu.memref_slice %arg12[%dma_start3A_219, %dma_start3A_220] : memref<10000x64xf32, #tpu.memory_space<vmem_shared>> -> memref<10000x64xf32, #tpu.memory_space<vmem_shared>>
        tpu.enqueue_indirect_dma source(%dma_start3A_215 : memref<125x64xf32, #tpu.memory_space<vmem>>) target(%dma_start3A_221 : memref<10000x64xf32, #tpu.memory_space<vmem_shared>>) offsets(%dma_start3A_218 : memref<125xi32, #tpu.memory_space<vmem>>) semaphore(%arg20 : memref<!tpu.dma_semaphore, #tpu.memory_space<semaphore_mem>>) {add = true}
      }
      %scan3A_45 = arith.constant 40 : i32
      %dma_wait3A = arith.constant 0 : i32
      %dma_wait3A_46 = arith.constant 156 : i32
      %dma_wait3A_47 = arith.constant 0 : i32
      %dma_wait3A_48 = arith.constant 0 : i32
      %dma_wait3A_49 = tpu.memref_slice %arg10[%dma_wait3A, %dma_wait3A_47, %dma_wait3A_48] : memref<4x125x64xf32, #tpu.memory_space<vmem>> -> memref<1x125x64xf32, #tpu.memory_space<vmem>>
      %dma_wait3A_50 = tpu.memref_squeeze %dma_wait3A_49 : memref<1x125x64xf32, #tpu.memory_space<vmem>> -> memref<125x64xf32, #tpu.memory_space<vmem>>
      %dma_wait3A_51 = arith.constant 0 : i32
      %dma_wait3A_52 = tpu.memref_slice %arg9[%dma_wait3A_46, %dma_wait3A_51] : memref<160x125xi32, #tpu.memory_space<vmem>> -> memref<1x125xi32, #tpu.memory_space<vmem>>
      %dma_wait3A_53 = tpu.memref_squeeze %dma_wait3A_52 : memref<1x125xi32, #tpu.memory_space<vmem>> -> memref<125xi32, #tpu.memory_space<vmem>>
      %dma_wait3A_54 = arith.constant 0 : i32
      %dma_wait3A_55 = arith.constant 0 : i32
      %dma_wait3A_56 = tpu.memref_slice %arg12[%dma_wait3A_54, %dma_wait3A_55] : memref<10000x64xf32, #tpu.memory_space<vmem_shared>> -> memref<10000x64xf32, #tpu.memory_space<vmem_shared>>
      tpu.wait_indirect_dma semaphore(%arg17 : memref<!tpu.dma_semaphore, #tpu.memory_space<semaphore_mem>>) src(%dma_wait3A_50 : memref<125x64xf32, #tpu.memory_space<vmem>>) dst(%dma_wait3A_56 : memref<10000x64xf32, #tpu.memory_space<vmem_shared>>)
      %dma_wait3A_57 = arith.constant 1 : i32
      %dma_wait3A_58 = arith.constant 157 : i32
      %dma_wait3A_59 = arith.constant 0 : i32
      %dma_wait3A_60 = arith.constant 0 : i32
      %dma_wait3A_61 = tpu.memref_slice %arg10[%dma_wait3A_57, %dma_wait3A_59, %dma_wait3A_60] : memref<4x125x64xf32, #tpu.memory_space<vmem>> -> memref<1x125x64xf32, #tpu.memory_space<vmem>>
      %dma_wait3A_62 = tpu.memref_squeeze %dma_wait3A_61 : memref<1x125x64xf32, #tpu.memory_space<vmem>> -> memref<125x64xf32, #tpu.memory_space<vmem>>
      %dma_wait3A_63 = arith.constant 0 : i32
      %dma_wait3A_64 = tpu.memref_slice %arg9[%dma_wait3A_58, %dma_wait3A_63] : memref<160x125xi32, #tpu.memory_space<vmem>> -> memref<1x125xi32, #tpu.memory_space<vmem>>
      %dma_wait3A_65 = tpu.memref_squeeze %dma_wait3A_64 : memref<1x125xi32, #tpu.memory_space<vmem>> -> memref<125xi32, #tpu.memory_space<vmem>>
      %dma_wait3A_66 = arith.constant 0 : i32
      %dma_wait3A_67 = arith.constant 0 : i32
      %dma_wait3A_68 = tpu.memref_slice %arg12[%dma_wait3A_66, %dma_wait3A_67] : memref<10000x64xf32, #tpu.memory_space<vmem_shared>> -> memref<10000x64xf32, #tpu.memory_space<vmem_shared>>
      tpu.wait_indirect_dma semaphore(%arg18 : memref<!tpu.dma_semaphore, #tpu.memory_space<semaphore_mem>>) src(%dma_wait3A_62 : memref<125x64xf32, #tpu.memory_space<vmem>>) dst(%dma_wait3A_68 : memref<10000x64xf32, #tpu.memory_space<vmem_shared>>)
      %dma_wait3A_69 = arith.constant 2 : i32
      %dma_wait3A_70 = arith.constant 158 : i32
      %dma_wait3A_71 = arith.constant 0 : i32
      %dma_wait3A_72 = arith.constant 0 : i32
      %dma_wait3A_73 = tpu.memref_slice %arg10[%dma_wait3A_69, %dma_wait3A_71, %dma_wait3A_72] : memref<4x125x64xf32, #tpu.memory_space<vmem>> -> memref<1x125x64xf32, #tpu.memory_space<vmem>>
      %dma_wait3A_74 = tpu.memref_squeeze %dma_wait3A_73 : memref<1x125x64xf32, #tpu.memory_space<vmem>> -> memref<125x64xf32, #tpu.memory_space<vmem>>
      %dma_wait3A_75 = arith.constant 0 : i32
      %dma_wait3A_76 = tpu.memref_slice %arg9[%dma_wait3A_70, %dma_wait3A_75] : memref<160x125xi32, #tpu.memory_space<vmem>> -> memref<1x125xi32, #tpu.memory_space<vmem>>
      %dma_wait3A_77 = tpu.memref_squeeze %dma_wait3A_76 : memref<1x125xi32, #tpu.memory_space<vmem>> -> memref<125xi32, #tpu.memory_space<vmem>>
      %dma_wait3A_78 = arith.constant 0 : i32
      %dma_wait3A_79 = arith.constant 0 : i32
      %dma_wait3A_80 = tpu.memref_slice %arg12[%dma_wait3A_78, %dma_wait3A_79] : memref<10000x64xf32, #tpu.memory_space<vmem_shared>> -> memref<10000x64xf32, #tpu.memory_space<vmem_shared>>
      tpu.wait_indirect_dma semaphore(%arg19 : memref<!tpu.dma_semaphore, #tpu.memory_space<semaphore_mem>>) src(%dma_wait3A_74 : memref<125x64xf32, #tpu.memory_space<vmem>>) dst(%dma_wait3A_80 : memref<10000x64xf32, #tpu.memory_space<vmem_shared>>)
      %dma_wait3A_81 = arith.constant 3 : i32
      %dma_wait3A_82 = arith.constant 159 : i32
      %dma_wait3A_83 = arith.constant 0 : i32
      %dma_wait3A_84 = arith.constant 0 : i32
      %dma_wait3A_85 = tpu.memref_slice %arg10[%dma_wait3A_81, %dma_wait3A_83, %dma_wait3A_84] : memref<4x125x64xf32, #tpu.memory_space<vmem>> -> memref<1x125x64xf32, #tpu.memory_space<vmem>>
      %dma_wait3A_86 = tpu.memref_squeeze %dma_wait3A_85 : memref<1x125x64xf32, #tpu.memory_space<vmem>> -> memref<125x64xf32, #tpu.memory_space<vmem>>
      %dma_wait3A_87 = arith.constant 0 : i32
      %dma_wait3A_88 = tpu.memref_slice %arg9[%dma_wait3A_82, %dma_wait3A_87] : memref<160x125xi32, #tpu.memory_space<vmem>> -> memref<1x125xi32, #tpu.memory_space<vmem>>
      %dma_wait3A_89 = tpu.memref_squeeze %dma_wait3A_88 : memref<1x125xi32, #tpu.memory_space<vmem>> -> memref<125xi32, #tpu.memory_space<vmem>>
      %dma_wait3A_90 = arith.constant 0 : i32
      %dma_wait3A_91 = arith.constant 0 : i32
      %dma_wait3A_92 = tpu.memref_slice %arg12[%dma_wait3A_90, %dma_wait3A_91] : memref<10000x64xf32, #tpu.memory_space<vmem_shared>> -> memref<10000x64xf32, #tpu.memory_space<vmem_shared>>
      tpu.wait_indirect_dma semaphore(%arg20 : memref<!tpu.dma_semaphore, #tpu.memory_space<semaphore_mem>>) src(%dma_wait3A_86 : memref<125x64xf32, #tpu.memory_space<vmem>>) dst(%dma_wait3A_92 : memref<10000x64xf32, #tpu.memory_space<vmem_shared>>)
    } else {
    }
    %barrier3A_11 = arith.constant 0 : index
    tpu.barrier barrier_id(%barrier3A_11)
    %lt3A_12 = arith.constant 10 : i32
    %lt3A_13 = arith.cmpi slt, %arg1, %lt3A_12 : i32
    %convert_element_type3A_14 = arith.extui %lt3A_13 : i1 to i32
    %cond3A_15 = arith.constant 0 : i32
    %cond3A_16 = arith.cmpi ne, %convert_element_type3A_14, %cond3A_15 : i32
    scf.if %cond3A_16 {
      %mul3A = arith.constant 1000 : i32
      %mul3A_17 = arith.muli %arg1, %mul3A : i32
      %add3A = arith.constant 0 : i32
      %add3A_18 = arith.addi %mul3A_17, %add3A : i32
      "tpu.region"() ({
        %run_scoped3A = tpu.sem_alloc : memref<!tpu.dma_semaphore, #tpu.memory_space<semaphore_mem>>
        %dma_start3A = arith.constant 0 : i32
        %dma_start3A_70 = tpu.memref_slice %arg12[%add3A_18, %dma_start3A] : memref<10000x64xf32, #tpu.memory_space<vmem_shared>> -> memref<200x64xf32, #tpu.memory_space<vmem_shared>>
        %dma_start3A_71 = arith.constant 0 : i32
        %dma_start3A_72 = tpu.memref_slice %arg12[%add3A_18, %dma_start3A_71] : memref<10000x64xf32, #tpu.memory_space<vmem_shared>> -> memref<200x64xf32, #tpu.memory_space<vmem_shared>>
        tpu.enqueue_dma source(%dma_start3A_72 : memref<200x64xf32, #tpu.memory_space<vmem_shared>>) target(%arg11 : memref<200x64xf32, #tpu.memory_space<vmem>>) target_semaphore(%run_scoped3A : memref<!tpu.dma_semaphore, #tpu.memory_space<semaphore_mem>>)
        %dma_wait3A = arith.constant 0 : i32
        %dma_wait3A_73 = tpu.memref_slice %arg12[%add3A_18, %dma_wait3A] : memref<10000x64xf32, #tpu.memory_space<vmem_shared>> -> memref<200x64xf32, #tpu.memory_space<vmem_shared>>
        %dma_wait3A_74 = arith.constant 0 : i32
        %dma_wait3A_75 = tpu.memref_slice %arg12[%add3A_18, %dma_wait3A_74] : memref<10000x64xf32, #tpu.memory_space<vmem_shared>> -> memref<200x64xf32, #tpu.memory_space<vmem_shared>>
        tpu.wait_dma2 semaphore(%run_scoped3A : memref<!tpu.dma_semaphore, #tpu.memory_space<semaphore_mem>>) src(%dma_wait3A_75 : memref<200x64xf32, #tpu.memory_space<vmem_shared>>) dst(%arg11 : memref<200x64xf32, #tpu.memory_space<vmem>>)
        tpu.yield
      }) : () -> ()
      %mul3A_19 = arith.constant 10000 : i32
      %mul3A_20 = arith.muli %arg0, %mul3A_19 : i32
      %mul3A_21 = arith.constant 1000 : i32
      %mul3A_22 = arith.muli %arg1, %mul3A_21 : i32
      %add3A_23 = arith.addi %mul3A_20, %mul3A_22 : i32
      %add3A_24 = arith.constant 0 : i32
      %add3A_25 = arith.addi %add3A_23, %add3A_24 : i32
      "tpu.region"() ({
        %run_scoped3A = tpu.sem_alloc : memref<!tpu.dma_semaphore, #tpu.memory_space<semaphore_mem>>
        %dma_start3A = arith.constant 0 : i32
        %dma_start3A_70 = tpu.memref_slice %arg7[%add3A_25, %dma_start3A] : memref<20000x64xf32, #tpu.memory_space<hbm>> -> memref<200x64xf32, #tpu.memory_space<hbm>>
        %dma_start3A_71 = arith.constant 0 : i32
        %dma_start3A_72 = tpu.memref_slice %arg7[%add3A_25, %dma_start3A_71] : memref<20000x64xf32, #tpu.memory_space<hbm>> -> memref<200x64xf32, #tpu.memory_space<hbm>>
        tpu.enqueue_dma source(%arg11 : memref<200x64xf32, #tpu.memory_space<vmem>>) target(%dma_start3A_72 : memref<200x64xf32, #tpu.memory_space<hbm>>) target_semaphore(%run_scoped3A : memref<!tpu.dma_semaphore, #tpu.memory_space<semaphore_mem>>)
        %dma_wait3A = arith.constant 0 : i32
        %dma_wait3A_73 = tpu.memref_slice %arg7[%add3A_25, %dma_wait3A] : memref<20000x64xf32, #tpu.memory_space<hbm>> -> memref<200x64xf32, #tpu.memory_space<hbm>>
        %dma_wait3A_74 = arith.constant 0 : i32
        %dma_wait3A_75 = tpu.memref_slice %arg7[%add3A_25, %dma_wait3A_74] : memref<20000x64xf32, #tpu.memory_space<hbm>> -> memref<200x64xf32, #tpu.memory_space<hbm>>
        tpu.wait_dma2 semaphore(%run_scoped3A : memref<!tpu.dma_semaphore, #tpu.memory_space<semaphore_mem>>) src(%arg11 : memref<200x64xf32, #tpu.memory_space<vmem>>) dst(%dma_wait3A_75 : memref<200x64xf32, #tpu.memory_space<hbm>>)
        tpu.yield
      }) : () -> ()
      %mul3A_26 = arith.constant 1000 : i32
      %mul3A_27 = arith.muli %arg1, %mul3A_26 : i32
      %add3A_28 = arith.constant 200 : i32
      %add3A_29 = arith.addi %mul3A_27, %add3A_28 : i32
      "tpu.region"() ({
        %run_scoped3A = tpu.sem_alloc : memref<!tpu.dma_semaphore, #tpu.memory_space<semaphore_mem>>
        %dma_start3A = arith.constant 0 : i32
        %dma_start3A_70 = tpu.memref_slice %arg12[%add3A_29, %dma_start3A] : memref<10000x64xf32, #tpu.memory_space<vmem_shared>> -> memref<200x64xf32, #tpu.memory_space<vmem_shared>>
        %dma_start3A_71 = arith.constant 0 : i32
        %dma_start3A_72 = tpu.memref_slice %arg12[%add3A_29, %dma_start3A_71] : memref<10000x64xf32, #tpu.memory_space<vmem_shared>> -> memref<200x64xf32, #tpu.memory_space<vmem_shared>>
        tpu.enqueue_dma source(%dma_start3A_72 : memref<200x64xf32, #tpu.memory_space<vmem_shared>>) target(%arg11 : memref<200x64xf32, #tpu.memory_space<vmem>>) target_semaphore(%run_scoped3A : memref<!tpu.dma_semaphore, #tpu.memory_space<semaphore_mem>>)
        %dma_wait3A = arith.constant 0 : i32
        %dma_wait3A_73 = tpu.memref_slice %arg12[%add3A_29, %dma_wait3A] : memref<10000x64xf32, #tpu.memory_space<vmem_shared>> -> memref<200x64xf32, #tpu.memory_space<vmem_shared>>
        %dma_wait3A_74 = arith.constant 0 : i32
        %dma_wait3A_75 = tpu.memref_slice %arg12[%add3A_29, %dma_wait3A_74] : memref<10000x64xf32, #tpu.memory_space<vmem_shared>> -> memref<200x64xf32, #tpu.memory_space<vmem_shared>>
        tpu.wait_dma2 semaphore(%run_scoped3A : memref<!tpu.dma_semaphore, #tpu.memory_space<semaphore_mem>>) src(%dma_wait3A_75 : memref<200x64xf32, #tpu.memory_space<vmem_shared>>) dst(%arg11 : memref<200x64xf32, #tpu.memory_space<vmem>>)
        tpu.yield
      }) : () -> ()
      %mul3A_30 = arith.constant 10000 : i32
      %mul3A_31 = arith.muli %arg0, %mul3A_30 : i32
      %mul3A_32 = arith.constant 1000 : i32
      %mul3A_33 = arith.muli %arg1, %mul3A_32 : i32
      %add3A_34 = arith.addi %mul3A_31, %mul3A_33 : i32
      %add3A_35 = arith.constant 200 : i32
      %add3A_36 = arith.addi %add3A_34, %add3A_35 : i32
      "tpu.region"() ({
        %run_scoped3A = tpu.sem_alloc : memref<!tpu.dma_semaphore, #tpu.memory_space<semaphore_mem>>
        %dma_start3A = arith.constant 0 : i32
        %dma_start3A_70 = tpu.memref_slice %arg7[%add3A_36, %dma_start3A] : memref<20000x64xf32, #tpu.memory_space<hbm>> -> memref<200x64xf32, #tpu.memory_space<hbm>>
        %dma_start3A_71 = arith.constant 0 : i32
        %dma_start3A_72 = tpu.memref_slice %arg7[%add3A_36, %dma_start3A_71] : memref<20000x64xf32, #tpu.memory_space<hbm>> -> memref<200x64xf32, #tpu.memory_space<hbm>>
        tpu.enqueue_dma source(%arg11 : memref<200x64xf32, #tpu.memory_space<vmem>>) target(%dma_start3A_72 : memref<200x64xf32, #tpu.memory_space<hbm>>) target_semaphore(%run_scoped3A : memref<!tpu.dma_semaphore, #tpu.memory_space<semaphore_mem>>)
        %dma_wait3A = arith.constant 0 : i32
        %dma_wait3A_73 = tpu.memref_slice %arg7[%add3A_36, %dma_wait3A] : memref<20000x64xf32, #tpu.memory_space<hbm>> -> memref<200x64xf32, #tpu.memory_space<hbm>>
        %dma_wait3A_74 = arith.constant 0 : i32
        %dma_wait3A_75 = tpu.memref_slice %arg7[%add3A_36, %dma_wait3A_74] : memref<20000x64xf32, #tpu.memory_space<hbm>> -> memref<200x64xf32, #tpu.memory_space<hbm>>
        tpu.wait_dma2 semaphore(%run_scoped3A : memref<!tpu.dma_semaphore, #tpu.memory_space<semaphore_mem>>) src(%arg11 : memref<200x64xf32, #tpu.memory_space<vmem>>) dst(%dma_wait3A_75 : memref<200x64xf32, #tpu.memory_space<hbm>>)
        tpu.yield
      }) : () -> ()
      %mul3A_37 = arith.constant 1000 : i32
      %mul3A_38 = arith.muli %arg1, %mul3A_37 : i32
      %add3A_39 = arith.constant 400 : i32
      %add3A_40 = arith.addi %mul3A_38, %add3A_39 : i32
      "tpu.region"() ({
        %run_scoped3A = tpu.sem_alloc : memref<!tpu.dma_semaphore, #tpu.memory_space<semaphore_mem>>
        %dma_start3A = arith.constant 0 : i32
        %dma_start3A_70 = tpu.memref_slice %arg12[%add3A_40, %dma_start3A] : memref<10000x64xf32, #tpu.memory_space<vmem_shared>> -> memref<200x64xf32, #tpu.memory_space<vmem_shared>>
        %dma_start3A_71 = arith.constant 0 : i32
        %dma_start3A_72 = tpu.memref_slice %arg12[%add3A_40, %dma_start3A_71] : memref<10000x64xf32, #tpu.memory_space<vmem_shared>> -> memref<200x64xf32, #tpu.memory_space<vmem_shared>>
        tpu.enqueue_dma source(%dma_start3A_72 : memref<200x64xf32, #tpu.memory_space<vmem_shared>>) target(%arg11 : memref<200x64xf32, #tpu.memory_space<vmem>>) target_semaphore(%run_scoped3A : memref<!tpu.dma_semaphore, #tpu.memory_space<semaphore_mem>>)
        %dma_wait3A = arith.constant 0 : i32
        %dma_wait3A_73 = tpu.memref_slice %arg12[%add3A_40, %dma_wait3A] : memref<10000x64xf32, #tpu.memory_space<vmem_shared>> -> memref<200x64xf32, #tpu.memory_space<vmem_shared>>
        %dma_wait3A_74 = arith.constant 0 : i32
        %dma_wait3A_75 = tpu.memref_slice %arg12[%add3A_40, %dma_wait3A_74] : memref<10000x64xf32, #tpu.memory_space<vmem_shared>> -> memref<200x64xf32, #tpu.memory_space<vmem_shared>>
        tpu.wait_dma2 semaphore(%run_scoped3A : memref<!tpu.dma_semaphore, #tpu.memory_space<semaphore_mem>>) src(%dma_wait3A_75 : memref<200x64xf32, #tpu.memory_space<vmem_shared>>) dst(%arg11 : memref<200x64xf32, #tpu.memory_space<vmem>>)
        tpu.yield
      }) : () -> ()
      %mul3A_41 = arith.constant 10000 : i32
      %mul3A_42 = arith.muli %arg0, %mul3A_41 : i32
      %mul3A_43 = arith.constant 1000 : i32
      %mul3A_44 = arith.muli %arg1, %mul3A_43 : i32
      %add3A_45 = arith.addi %mul3A_42, %mul3A_44 : i32
      %add3A_46 = arith.constant 400 : i32
      %add3A_47 = arith.addi %add3A_45, %add3A_46 : i32
      "tpu.region"() ({
        %run_scoped3A = tpu.sem_alloc : memref<!tpu.dma_semaphore, #tpu.memory_space<semaphore_mem>>
        %dma_start3A = arith.constant 0 : i32
        %dma_start3A_70 = tpu.memref_slice %arg7[%add3A_47, %dma_start3A] : memref<20000x64xf32, #tpu.memory_space<hbm>> -> memref<200x64xf32, #tpu.memory_space<hbm>>
        %dma_start3A_71 = arith.constant 0 : i32
        %dma_start3A_72 = tpu.memref_slice %arg7[%add3A_47, %dma_start3A_71] : memref<20000x64xf32, #tpu.memory_space<hbm>> -> memref<200x64xf32, #tpu.memory_space<hbm>>
        tpu.enqueue_dma source(%arg11 : memref<200x64xf32, #tpu.memory_space<vmem>>) target(%dma_start3A_72 : memref<200x64xf32, #tpu.memory_space<hbm>>) target_semaphore(%run_scoped3A : memref<!tpu.dma_semaphore, #tpu.memory_space<semaphore_mem>>)
        %dma_wait3A = arith.constant 0 : i32
        %dma_wait3A_73 = tpu.memref_slice %arg7[%add3A_47, %dma_wait3A] : memref<20000x64xf32, #tpu.memory_space<hbm>> -> memref<200x64xf32, #tpu.memory_space<hbm>>
        %dma_wait3A_74 = arith.constant 0 : i32
        %dma_wait3A_75 = tpu.memref_slice %arg7[%add3A_47, %dma_wait3A_74] : memref<20000x64xf32, #tpu.memory_space<hbm>> -> memref<200x64xf32, #tpu.memory_space<hbm>>
        tpu.wait_dma2 semaphore(%run_scoped3A : memref<!tpu.dma_semaphore, #tpu.memory_space<semaphore_mem>>) src(%arg11 : memref<200x64xf32, #tpu.memory_space<vmem>>) dst(%dma_wait3A_75 : memref<200x64xf32, #tpu.memory_space<hbm>>)
        tpu.yield
      }) : () -> ()
      %mul3A_48 = arith.constant 1000 : i32
      %mul3A_49 = arith.muli %arg1, %mul3A_48 : i32
      %add3A_50 = arith.constant 600 : i32
      %add3A_51 = arith.addi %mul3A_49, %add3A_50 : i32
      "tpu.region"() ({
        %run_scoped3A = tpu.sem_alloc : memref<!tpu.dma_semaphore, #tpu.memory_space<semaphore_mem>>
        %dma_start3A = arith.constant 0 : i32
        %dma_start3A_70 = tpu.memref_slice %arg12[%add3A_51, %dma_start3A] : memref<10000x64xf32, #tpu.memory_space<vmem_shared>> -> memref<200x64xf32, #tpu.memory_space<vmem_shared>>
        %dma_start3A_71 = arith.constant 0 : i32
        %dma_start3A_72 = tpu.memref_slice %arg12[%add3A_51, %dma_start3A_71] : memref<10000x64xf32, #tpu.memory_space<vmem_shared>> -> memref<200x64xf32, #tpu.memory_space<vmem_shared>>
        tpu.enqueue_dma source(%dma_start3A_72 : memref<200x64xf32, #tpu.memory_space<vmem_shared>>) target(%arg11 : memref<200x64xf32, #tpu.memory_space<vmem>>) target_semaphore(%run_scoped3A : memref<!tpu.dma_semaphore, #tpu.memory_space<semaphore_mem>>)
        %dma_wait3A = arith.constant 0 : i32
        %dma_wait3A_73 = tpu.memref_slice %arg12[%add3A_51, %dma_wait3A] : memref<10000x64xf32, #tpu.memory_space<vmem_shared>> -> memref<200x64xf32, #tpu.memory_space<vmem_shared>>
        %dma_wait3A_74 = arith.constant 0 : i32
        %dma_wait3A_75 = tpu.memref_slice %arg12[%add3A_51, %dma_wait3A_74] : memref<10000x64xf32, #tpu.memory_space<vmem_shared>> -> memref<200x64xf32, #tpu.memory_space<vmem_shared>>
        tpu.wait_dma2 semaphore(%run_scoped3A : memref<!tpu.dma_semaphore, #tpu.memory_space<semaphore_mem>>) src(%dma_wait3A_75 : memref<200x64xf32, #tpu.memory_space<vmem_shared>>) dst(%arg11 : memref<200x64xf32, #tpu.memory_space<vmem>>)
        tpu.yield
      }) : () -> ()
      %mul3A_52 = arith.constant 10000 : i32
      %mul3A_53 = arith.muli %arg0, %mul3A_52 : i32
      %mul3A_54 = arith.constant 1000 : i32
      %mul3A_55 = arith.muli %arg1, %mul3A_54 : i32
      %add3A_56 = arith.addi %mul3A_53, %mul3A_55 : i32
      %add3A_57 = arith.constant 600 : i32
      %add3A_58 = arith.addi %add3A_56, %add3A_57 : i32
      "tpu.region"() ({
        %run_scoped3A = tpu.sem_alloc : memref<!tpu.dma_semaphore, #tpu.memory_space<semaphore_mem>>
        %dma_start3A = arith.constant 0 : i32
        %dma_start3A_70 = tpu.memref_slice %arg7[%add3A_58, %dma_start3A] : memref<20000x64xf32, #tpu.memory_space<hbm>> -> memref<200x64xf32, #tpu.memory_space<hbm>>
        %dma_start3A_71 = arith.constant 0 : i32
        %dma_start3A_72 = tpu.memref_slice %arg7[%add3A_58, %dma_start3A_71] : memref<20000x64xf32, #tpu.memory_space<hbm>> -> memref<200x64xf32, #tpu.memory_space<hbm>>
        tpu.enqueue_dma source(%arg11 : memref<200x64xf32, #tpu.memory_space<vmem>>) target(%dma_start3A_72 : memref<200x64xf32, #tpu.memory_space<hbm>>) target_semaphore(%run_scoped3A : memref<!tpu.dma_semaphore, #tpu.memory_space<semaphore_mem>>)
        %dma_wait3A = arith.constant 0 : i32
        %dma_wait3A_73 = tpu.memref_slice %arg7[%add3A_58, %dma_wait3A] : memref<20000x64xf32, #tpu.memory_space<hbm>> -> memref<200x64xf32, #tpu.memory_space<hbm>>
        %dma_wait3A_74 = arith.constant 0 : i32
        %dma_wait3A_75 = tpu.memref_slice %arg7[%add3A_58, %dma_wait3A_74] : memref<20000x64xf32, #tpu.memory_space<hbm>> -> memref<200x64xf32, #tpu.memory_space<hbm>>
        tpu.wait_dma2 semaphore(%run_scoped3A : memref<!tpu.dma_semaphore, #tpu.memory_space<semaphore_mem>>) src(%arg11 : memref<200x64xf32, #tpu.memory_space<vmem>>) dst(%dma_wait3A_75 : memref<200x64xf32, #tpu.memory_space<hbm>>)
        tpu.yield
      }) : () -> ()
      %mul3A_59 = arith.constant 1000 : i32
      %mul3A_60 = arith.muli %arg1, %mul3A_59 : i32
      %add3A_61 = arith.constant 800 : i32
      %add3A_62 = arith.addi %mul3A_60, %add3A_61 : i32
      "tpu.region"() ({
        %run_scoped3A = tpu.sem_alloc : memref<!tpu.dma_semaphore, #tpu.memory_space<semaphore_mem>>
        %dma_start3A = arith.constant 0 : i32
        %dma_start3A_70 = tpu.memref_slice %arg12[%add3A_62, %dma_start3A] : memref<10000x64xf32, #tpu.memory_space<vmem_shared>> -> memref<200x64xf32, #tpu.memory_space<vmem_shared>>
        %dma_start3A_71 = arith.constant 0 : i32
        %dma_start3A_72 = tpu.memref_slice %arg12[%add3A_62, %dma_start3A_71] : memref<10000x64xf32, #tpu.memory_space<vmem_shared>> -> memref<200x64xf32, #tpu.memory_space<vmem_shared>>
        tpu.enqueue_dma source(%dma_start3A_72 : memref<200x64xf32, #tpu.memory_space<vmem_shared>>) target(%arg11 : memref<200x64xf32, #tpu.memory_space<vmem>>) target_semaphore(%run_scoped3A : memref<!tpu.dma_semaphore, #tpu.memory_space<semaphore_mem>>)
        %dma_wait3A = arith.constant 0 : i32
        %dma_wait3A_73 = tpu.memref_slice %arg12[%add3A_62, %dma_wait3A] : memref<10000x64xf32, #tpu.memory_space<vmem_shared>> -> memref<200x64xf32, #tpu.memory_space<vmem_shared>>
        %dma_wait3A_74 = arith.constant 0 : i32
        %dma_wait3A_75 = tpu.memref_slice %arg12[%add3A_62, %dma_wait3A_74] : memref<10000x64xf32, #tpu.memory_space<vmem_shared>> -> memref<200x64xf32, #tpu.memory_space<vmem_shared>>
        tpu.wait_dma2 semaphore(%run_scoped3A : memref<!tpu.dma_semaphore, #tpu.memory_space<semaphore_mem>>) src(%dma_wait3A_75 : memref<200x64xf32, #tpu.memory_space<vmem_shared>>) dst(%arg11 : memref<200x64xf32, #tpu.memory_space<vmem>>)
        tpu.yield
      }) : () -> ()
      %mul3A_63 = arith.constant 10000 : i32
      %mul3A_64 = arith.muli %arg0, %mul3A_63 : i32
      %mul3A_65 = arith.constant 1000 : i32
      %mul3A_66 = arith.muli %arg1, %mul3A_65 : i32
      %add3A_67 = arith.addi %mul3A_64, %mul3A_66 : i32
      %add3A_68 = arith.constant 800 : i32
      %add3A_69 = arith.addi %add3A_67, %add3A_68 : i32
      "tpu.region"() ({
        %run_scoped3A = tpu.sem_alloc : memref<!tpu.dma_semaphore, #tpu.memory_space<semaphore_mem>>
        %dma_start3A = arith.constant 0 : i32
        %dma_start3A_70 = tpu.memref_slice %arg7[%add3A_69, %dma_start3A] : memref<20000x64xf32, #tpu.memory_space<hbm>> -> memref<200x64xf32, #tpu.memory_space<hbm>>
        %dma_start3A_71 = arith.constant 0 : i32
        %dma_start3A_72 = tpu.memref_slice %arg7[%add3A_69, %dma_start3A_71] : memref<20000x64xf32, #tpu.memory_space<hbm>> -> memref<200x64xf32, #tpu.memory_space<hbm>>
        tpu.enqueue_dma source(%arg11 : memref<200x64xf32, #tpu.memory_space<vmem>>) target(%dma_start3A_72 : memref<200x64xf32, #tpu.memory_space<hbm>>) target_semaphore(%run_scoped3A : memref<!tpu.dma_semaphore, #tpu.memory_space<semaphore_mem>>)
        %dma_wait3A = arith.constant 0 : i32
        %dma_wait3A_73 = tpu.memref_slice %arg7[%add3A_69, %dma_wait3A] : memref<20000x64xf32, #tpu.memory_space<hbm>> -> memref<200x64xf32, #tpu.memory_space<hbm>>
        %dma_wait3A_74 = arith.constant 0 : i32
        %dma_wait3A_75 = tpu.memref_slice %arg7[%add3A_69, %dma_wait3A_74] : memref<20000x64xf32, #tpu.memory_space<hbm>> -> memref<200x64xf32, #tpu.memory_space<hbm>>
        tpu.wait_dma2 semaphore(%run_scoped3A : memref<!tpu.dma_semaphore, #tpu.memory_space<semaphore_mem>>) src(%arg11 : memref<200x64xf32, #tpu.memory_space<vmem>>) dst(%dma_wait3A_75 : memref<200x64xf32, #tpu.memory_space<hbm>>)
        tpu.yield
      }) : () -> ()
    } else {
    }
    return
  }
}

module attributes {stable_mosaic.version = 14 : i64} {
  func.func @_feat_body(%arg0: memref<10000x128xf32, #tpu.memory_space<vmem>>, %arg1: memref<10000x1xf32, #tpu.memory_space<vmem>>, %arg2: memref<10000x1xf32, #tpu.memory_space<vmem>>, %arg3: memref<10000x64xf32, #tpu.memory_space<vmem>>, %arg4: memref<10000x64xf32, #tpu.memory_space<vmem>>, %arg5: memref<10000x1xf32, #tpu.memory_space<vmem>>) attributes {dimension_semantics = [], scalar_prefetch = 0 : i64, scratch_operands = 0 : i64, tpu.core_type = #tpu.core_type<tc>} {
    %get3A = arith.constant 0 : index
    %get3A_0 = arith.constant 0 : index
    %get3A_1 = vector.load %arg1[%get3A, %get3A_0] : memref<10000x1xf32, #tpu.memory_space<vmem>>, vector<10000x1xf32>
    %max3A = arith.constant 1.000000e+00 : f32
    %max3A_2 = vector.broadcast %max3A : f32 to vector<10000x1xf32>
    %max3A_3 = arith.maximumf %get3A_1, %max3A_2 : vector<10000x1xf32>
    %rsqrt3A = math.rsqrt %max3A_3 : vector<10000x1xf32>
    %get3A_4 = arith.constant 0 : index
    %get3A_5 = arith.constant 0 : index
    %get3A_6 = vector.load %arg0[%get3A_4, %get3A_5] : memref<10000x128xf32, #tpu.memory_space<vmem>>, vector<10000x64xf32>
    %mul3A = vector.broadcast %rsqrt3A : vector<10000x1xf32> to vector<10000x64xf32>
    %mul3A_7 = arith.mulf %get3A_6, %mul3A : vector<10000x64xf32>
    %swap3A = arith.constant 0 : index
    %swap3A_8 = arith.constant 0 : index
    %swap3A_9 = vector.load %arg3[%swap3A, %swap3A_8] : memref<10000x64xf32, #tpu.memory_space<vmem>>, vector<10000x64xf32>
    tpu.vector_store %arg3[%swap3A, %swap3A_8], %mul3A_7 {strides = array<i32>} : memref<10000x64xf32, #tpu.memory_space<vmem>>, vector<10000x64xf32>,
    %get3A_10 = arith.constant 0 : index
    %get3A_11 = arith.constant 64 : index
    %get3A_12 = vector.load %arg0[%get3A_10, %get3A_11] : memref<10000x128xf32, #tpu.memory_space<vmem>>, vector<10000x64xf32>
    %mul3A_13 = vector.broadcast %rsqrt3A : vector<10000x1xf32> to vector<10000x64xf32>
    %mul3A_14 = arith.mulf %get3A_12, %mul3A_13 : vector<10000x64xf32>
    %swap3A_15 = arith.constant 0 : index
    %swap3A_16 = arith.constant 0 : index
    %swap3A_17 = vector.load %arg4[%swap3A_15, %swap3A_16] : memref<10000x64xf32, #tpu.memory_space<vmem>>, vector<10000x64xf32>
    tpu.vector_store %arg4[%swap3A_15, %swap3A_16], %mul3A_14 {strides = array<i32>} : memref<10000x64xf32, #tpu.memory_space<vmem>>, vector<10000x64xf32>,
    %get3A_18 = arith.constant 0 : index
    %get3A_19 = arith.constant 0 : index
    %get3A_20 = vector.load %arg2[%get3A_18, %get3A_19] : memref<10000x1xf32, #tpu.memory_space<vmem>>, vector<10000x1xf32>
    %max3A_21 = arith.constant 1.000000e+00 : f32
    %max3A_22 = vector.broadcast %max3A_21 : f32 to vector<10000x1xf32>
    %max3A_23 = arith.maximumf %get3A_20, %max3A_22 : vector<10000x1xf32>
    %rsqrt3A_24 = math.rsqrt %max3A_23 : vector<10000x1xf32>
    %swap3A_25 = arith.constant 0 : index
    %swap3A_26 = arith.constant 0 : index
    %swap3A_27 = vector.load %arg5[%swap3A_25, %swap3A_26] : memref<10000x1xf32, #tpu.memory_space<vmem>>, vector<10000x1xf32>
    tpu.vector_store %arg5[%swap3A_25, %swap3A_26], %rsqrt3A_24 {strides = array<i32>} : memref<10000x1xf32, #tpu.memory_space<vmem>>, vector<10000x1xf32>,
    return
  }
}

module attributes {stable_mosaic.version = 14 : i64} {
  func.func @_final_body(%arg0: memref<2x10000x64xf32, #tpu.memory_space<vmem>>, %arg1: memref<2x64x128xf32, #tpu.memory_space<vmem>>, %arg2: memref<1x128xf32, #tpu.memory_space<vmem>>, %arg3: memref<10000x128xf32, #tpu.memory_space<vmem>>, %arg4: memref<10000x1xf32, #tpu.memory_space<vmem>>, %arg5: memref<1x128xf32, #tpu.memory_space<vmem>>, %arg6: memref<1x128xf32, #tpu.memory_space<vmem>>, %arg7: memref<10000x128xf32, #tpu.memory_space<vmem>>) attributes {dimension_semantics = [], scalar_prefetch = 0 : i64, scratch_operands = 0 : i64, tpu.core_type = #tpu.core_type<tc>} {
    %get3A = arith.constant 0 : index
    %get3A_0 = arith.constant 0 : index
    %get3A_1 = arith.constant 0 : index
    %get3A_2 = vector.load %arg0[%get3A, %get3A_0, %get3A_1] : memref<2x10000x64xf32, #tpu.memory_space<vmem>>, vector<1x10000x64xf32>
    %get3A_3 = vector.shape_cast %get3A_2 : vector<1x10000x64xf32> to vector<10000x64xf32>
    %get3A_4 = arith.constant 0 : index
    %get3A_5 = arith.constant 0 : index
    %get3A_6 = arith.constant 0 : index
    %get3A_7 = vector.load %arg1[%get3A_4, %get3A_5, %get3A_6] : memref<2x64x128xf32, #tpu.memory_space<vmem>>, vector<1x64x128xf32>
    %get3A_8 = vector.shape_cast %get3A_7 : vector<1x64x128xf32> to vector<64x128xf32>
    %dot_general3A = arith.constant dense<0.000000e+00> : vector<10000x128xf32>
    %dot_general3A_9 = tpu.matmul %get3A_3, %get3A_8, %dot_general3A {dimension_numbers = #tpu.dot_dimension_numbers<[1], [0], [0], [1], [0, 0, 1, 1], [], []>, transpose_lhs_hint = false} : vector<10000x64xf32>, vector<64x128xf32>, vector<10000x128xf32> -> vector<10000x128xf32>
    %get3A_10 = arith.constant 1 : index
    %get3A_11 = arith.constant 0 : index
    %get3A_12 = arith.constant 0 : index
    %get3A_13 = vector.load %arg0[%get3A_10, %get3A_11, %get3A_12] : memref<2x10000x64xf32, #tpu.memory_space<vmem>>, vector<1x10000x64xf32>
    %get3A_14 = vector.shape_cast %get3A_13 : vector<1x10000x64xf32> to vector<10000x64xf32>
    %get3A_15 = arith.constant 1 : index
    %get3A_16 = arith.constant 0 : index
    %get3A_17 = arith.constant 0 : index
    %get3A_18 = vector.load %arg1[%get3A_15, %get3A_16, %get3A_17] : memref<2x64x128xf32, #tpu.memory_space<vmem>>, vector<1x64x128xf32>
    %get3A_19 = vector.shape_cast %get3A_18 : vector<1x64x128xf32> to vector<64x128xf32>
    %dot_general3A_20 = arith.constant dense<0.000000e+00> : vector<10000x128xf32>
    %dot_general3A_21 = tpu.matmul %get3A_14, %get3A_19, %dot_general3A_20 {dimension_numbers = #tpu.dot_dimension_numbers<[1], [0], [0], [1], [0, 0, 1, 1], [], []>, transpose_lhs_hint = false} : vector<10000x64xf32>, vector<64x128xf32>, vector<10000x128xf32> -> vector<10000x128xf32>
    %add3A = arith.addf %dot_general3A_9, %dot_general3A_21 : vector<10000x128xf32>
    %get3A_22 = arith.constant 0 : index
    %get3A_23 = arith.constant 0 : index
    %get3A_24 = vector.load %arg4[%get3A_22, %get3A_23] : memref<10000x1xf32, #tpu.memory_space<vmem>>, vector<10000x1xf32>
    %mul3A = vector.broadcast %get3A_24 : vector<10000x1xf32> to vector<10000x128xf32>
    %mul3A_25 = arith.mulf %add3A, %mul3A : vector<10000x128xf32>
    %get3A_26 = arith.constant 0 : index
    %get3A_27 = arith.constant 0 : index
    %get3A_28 = vector.load %arg2[%get3A_26, %get3A_27] : memref<1x128xf32, #tpu.memory_space<vmem>>, vector<1x128xf32>
    %add3A_29 = vector.broadcast %get3A_28 : vector<1x128xf32> to vector<10000x128xf32>
    %add3A_30 = arith.addf %mul3A_25, %add3A_29 : vector<10000x128xf32>
    %reduce_sum3A = arith.constant dense<0.000000e+00> : vector<128xf32>
    %reduce_sum3A_31 = vector.multi_reduction <add>, %add3A_30, %reduce_sum3A [0] : vector<10000x128xf32> to vector<128xf32>
    %broadcast_in_dim3A = vector.shape_cast %reduce_sum3A_31 : vector<128xf32> to vector<1x128xf32>
    %div3A = arith.constant 1.000000e+04 : f32
    %div3A_32 = vector.broadcast %div3A : f32 to vector<1x128xf32>
    %div3A_33 = arith.divf %broadcast_in_dim3A, %div3A_32 : vector<1x128xf32>
    %mul3A_34 = arith.mulf %add3A_30, %add3A_30 : vector<10000x128xf32>
    %reduce_sum3A_35 = arith.constant dense<0.000000e+00> : vector<128xf32>
    %reduce_sum3A_36 = vector.multi_reduction <add>, %mul3A_34, %reduce_sum3A_35 [0] : vector<10000x128xf32> to vector<128xf32>
    %broadcast_in_dim3A_37 = vector.shape_cast %reduce_sum3A_36 : vector<128xf32> to vector<1x128xf32>
    %div3A_38 = arith.constant 1.000000e+04 : f32
    %div3A_39 = vector.broadcast %div3A_38 : f32 to vector<1x128xf32>
    %div3A_40 = arith.divf %broadcast_in_dim3A_37, %div3A_39 : vector<1x128xf32>
    %mul3A_41 = arith.mulf %div3A_33, %div3A_33 : vector<1x128xf32>
    %sub3A = arith.subf %div3A_40, %mul3A_41 : vector<1x128xf32>
    %sub3A_42 = vector.broadcast %div3A_33 : vector<1x128xf32> to vector<10000x128xf32>
    %sub3A_43 = arith.subf %add3A_30, %sub3A_42 : vector<10000x128xf32>
    %add3A_44 = arith.constant 9.99999974E-6 : f32
    %add3A_45 = vector.broadcast %add3A_44 : f32 to vector<1x128xf32>
    %add3A_46 = arith.addf %sub3A, %add3A_45 : vector<1x128xf32>
    %rsqrt3A = math.rsqrt %add3A_46 : vector<1x128xf32>
    %mul3A_47 = vector.broadcast %rsqrt3A : vector<1x128xf32> to vector<10000x128xf32>
    %mul3A_48 = arith.mulf %sub3A_43, %mul3A_47 : vector<10000x128xf32>
    %get3A_49 = arith.constant 0 : index
    %get3A_50 = arith.constant 0 : index
    %get3A_51 = vector.load %arg5[%get3A_49, %get3A_50] : memref<1x128xf32, #tpu.memory_space<vmem>>, vector<1x128xf32>
    %mul3A_52 = vector.broadcast %get3A_51 : vector<1x128xf32> to vector<10000x128xf32>
    %mul3A_53 = arith.mulf %mul3A_48, %mul3A_52 : vector<10000x128xf32>
    %get3A_54 = arith.constant 0 : index
    %get3A_55 = arith.constant 0 : index
    %get3A_56 = vector.load %arg6[%get3A_54, %get3A_55] : memref<1x128xf32, #tpu.memory_space<vmem>>, vector<1x128xf32>
    %add3A_57 = vector.broadcast %get3A_56 : vector<1x128xf32> to vector<10000x128xf32>
    %add3A_58 = arith.addf %mul3A_53, %add3A_57 : vector<10000x128xf32>
    %get3A_59 = arith.constant 0 : index
    %get3A_60 = arith.constant 0 : index
    %get3A_61 = vector.load %arg3[%get3A_59, %get3A_60] : memref<10000x128xf32, #tpu.memory_space<vmem>>, vector<10000x128xf32>
    %add3A_62 = arith.addf %add3A_58, %get3A_61 : vector<10000x128xf32>
    %swap3A = arith.constant 0 : index
    %swap3A_63 = arith.constant 0 : index
    %swap3A_64 = vector.load %arg7[%swap3A, %swap3A_63] : memref<10000x128xf32, #tpu.memory_space<vmem>>, vector<10000x128xf32>
    tpu.vector_store %arg7[%swap3A, %swap3A_63], %add3A_62 {strides = array<i32>} : memref<10000x128xf32, #tpu.memory_space<vmem>>, vector<10000x128xf32>,
    return
  }
}

</mosaic_0001>

<sc_bundles>
// kernel: kernel.6.cloned.1.call-start
scs
__scs_entry_jumppad:
0x0: {  	(pc) =	sbr.rel $0x88, $3  }
0x1: {  	(tag) =	ssettag $0x0;
	lr =	simm.s32 $0x1  }
0x2: {  	[smem:$0x3F9B] =	sst lr;
	_ =	strace $0xD0000000  }
0x3: {  	_ = 	snop  }
0x4: {  	_ = 	snop  }
0x5: {  	_ = 	snop  }
0x6: {  	_ = 	snop  }
0x7: {  	_ = 	snop  }
__scs_overlays_trampoline_lowered:
0x8: {  	[smem:$0x3FAA] =	sst s0  }
0x9: {  	[smem:$0x3FAB] =	sst s1  }
0xa: {  	[smem:$0x3FAC] =	sst s2  }
0xb: {  	[smem:$0x3FAD] =	sst s3  }
0xc: {  	[smem:$0x3FAE] =	sst s4  }
0xd: {  	[smem:$0x3FAF] =	sst s5  }
0xe: {  	[smem:$0x3FB0] =	sst s6  }
0xf: {  	[smem:$0x3FB1] =	sst s7  }
0x10: {  	[smem:$0x3FB2] =	sst s8  }
0x11: {  	[smem:$0x3FB3] =	sst s9;
	s0 =	simm.s32 @!p0 $0x0  }
0x12: {  	s1 =	sld [smem:$0x3F99];
	s0 =	simm.s32 @p0 $0x1  }
0x13: {  	[smem:$0x3FB4] =	sst s0;
	s0 =	simm.s32 @!p1 $0x0  }
0x14: {  	s2 =	sld [smem:$0x3F98];
	s0 =	simm.s32 @p1 $0x1  }
0x15: {  	[smem:$0x3FB5] =	sst s0;
	s0 =	simm.s32 @!p2 $0x0  }
0x16: {  	s3 =	sld [smem:$0x3FDB];
	s0 =	simm.s32 @p2 $0x1  }
0x17: {  	s4 =	simm.s32 $0x1BF5;
	[smem:$0x3FB7] =	sst s0  }
0x18: {  	s0 =	sld [smem:$0x3F9A];
	_ =	swait.ge [sflag:s4], $0x0  }
0x19: {  	s7 =	sld [smem:$0x3F9B]  }
0x1a: {  	s8 =	sadd.s32 $0xFFFFE003, lr  }
0x1b: {  	s9 =	sadd.s32 $0xFFFFFEF7, lr;
	s5 =	simm.s32 $0xFFFFFFFF;
	p2 =	slt.u32 s8, $0xFFFFF086  }
0x1c: {  	p1 =	slt.u32 s9, $0xF7A;
	s5 =	simm.s32 @!p2 $0x0  }
0x1d: {  	s5 =	simm.s32 @p1 $0x1;
	p0 =	seq.s32 s7, s2  }
0x1e: {  	s7 =	smul.u32 @!p0 $0xF7A, s2;
	p2 =	seq.s32 @!p0 s5, $0x0  }
0x1f: {  	s9 =	smul.u32 $0xF7A, s1;
	s8 =	simm.s32 @!p0 $0x1BF5;
	p2 =	por !p2, p0  }
0x20: {  	[sflag:s8] =	ssyncset.s32 @!p0 $0xFFFFF086;
	s6 =	sadd.s32 @!p0 s3, s7;
	s7 =	simm.s32 @!p0 $0x108  }
0x21: {  	s3 =	sadd.s32 s3, s9;
	s6 =	sadd.s32 @!p0 $0x88, s6;
	s7 =	simm.s32 @p2 $0x1082  }
0x22: {  	[simem:s7], [sflag:s8] =	dma.local @!p0 [hbm:s6], $0xF7A  }
0x23: {  	s9 =	sor.u32 $0xD0000000, s2;
	s6 =	simm.s32 $0x108;
	_ =	swait.ge @!p0 [sflag:s8], $0x0  }
0x24: {  	s3 =	sadd.s32 $0x88, s3;
	s6 =	simm.s32 @!p1 $0x1082;
	[sflag:s4] =	ssyncset.s32 $0xFFFFF086  }
0x25: {  	[simem:s6], [sflag:s4] =	dma.local [hbm:s3], $0xF7A  }
0x26: {  	[smem:$0x3F9B] =	sst s1;
	(tag) =	ssettag s2;
	_ =	strace s9  }
0x27: {  	s1 =	sld [smem:$0x3FAB]  }
0x28: {  	s2 =	sld [smem:$0x3FAC]  }
0x29: {  	s4 =	sld [smem:$0x3FAE]  }
0x2a: {  	p0 =	seq.s32 s5, $0x0;
	s5 =	sld [smem:$0x3FAF]  }
0x2b: {  	s6 =	sld [smem:$0x3FB0]  }
0x2c: {  	s7 =	sld [smem:$0x3FB1]  }
0x2d: {  	s3 =	simm.s32 $0x108;
	s8 =	sld [smem:$0x3FB2]  }
0x2e: {  	s3 =	simm.s32 @!p0 $0x1082;
	s9 =	sld [smem:$0x3FB3]  }
0x2f: {  	lr =	sadd.s32 s0, s3;
	s0 =	sld [smem:$0x3FAA]  }
0x30: {  	s3 =	sld [smem:$0x3FAD]  }
0x31: {  	[smem:$0x3FB6] =	sst s10  }
0x32: {  	s10 =	sld [smem:$0x3FB4];
	_ =	sdelay $0x3  }
0x33: {  	p0 =	seq.s32 s10, $0x1;
	s10 =	sld [smem:$0x3FB6];
	_ =	sdelay $0x3  }
0x34: {  	[smem:$0x3FB6] =	sst s10  }
0x35: {  	s10 =	sld [smem:$0x3FB5];
	_ =	sdelay $0x3  }
0x36: {  	p1 =	seq.s32 s10, $0x1;
	s10 =	sld [smem:$0x3FB6];
	_ =	sdelay $0x3  }
0x37: {  	[smem:$0x3FB6] =	sst s10  }
0x38: {  	s10 =	sld [smem:$0x3FB7]  }
0x39: {  	_ = 	snop;
	(pc) =	sbr.ind lr, $3  }
0x3a: {  	_ = 	snop  }
0x3b: {  	_ = 	snop  }
0x3c: {  	p2 =	seq.s32 s10, $0x1;
	s10 =	sld [smem:$0x3FB6]  }
0x3d: {  	_ =	shalt  }
0x3e: {  	_ =	shalt  }
0x3f: {  	_ =	shalt  }
0x40: {  	_ =	shalt  }
0x41: {  	_ =	shalt  }
0x42: {  	_ =	shalt  }
0x43: {  	_ =	shalt  }
0x44: {  	_ =	shalt  }
0x45: {  	_ =	shalt  }
0x46: {  	_ =	shalt  }
0x47: {  	_ =	shalt  }
0x48: {  	_ =	shalt  }
0x49: {  	_ =	shalt  }
0x4a: {  	_ =	shalt  }
0x4b: {  	_ =	shalt  }
0x4c: {  	_ =	shalt  }
0x4d: {  	_ =	shalt  }
0x4e: {  	_ =	shalt  }
0x4f: {  	_ =	shalt  }
0x50: {  	_ =	shalt  }
0x51: {  	_ =	shalt  }
0x52: {  	_ =	shalt  }
0x53: {  	_ =	shalt  }
0x54: {  	_ =	shalt  }
0x55: {  	_ =	shalt  }
0x56: {  	_ =	shalt  }
0x57: {  	_ =	shalt  }
0x58: {  	_ =	shalt  }
0x59: {  	_ =	shalt  }
0x5a: {  	_ =	shalt  }
0x5b: {  	_ =	shalt  }
0x5c: {  	_ =	shalt  }
0x5d: {  	_ =	shalt  }
0x5e: {  	_ =	shalt  }
0x5f: {  	_ =	shalt  }
0x60: {  	_ =	shalt  }
0x61: {  	_ =	shalt  }
0x62: {  	_ =	shalt  }
0x63: {  	_ =	shalt  }
0x64: {  	_ =	shalt  }
0x65: {  	_ =	shalt  }
0x66: {  	_ =	shalt  }
0x67: {  	_ =	shalt  }
0x68: {  	_ =	shalt  }
0x69: {  	_ =	shalt  }
0x6a: {  	_ =	shalt  }
0x6b: {  	_ =	shalt  }
0x6c: {  	_ =	shalt  }
0x6d: {  	_ =	shalt  }
0x6e: {  	_ =	shalt  }
0x6f: {  	_ =	shalt  }
0x70: {  	_ =	shalt  }
0x71: {  	_ =	shalt  }
0x72: {  	_ =	shalt  }
0x73: {  	_ =	shalt  }
0x74: {  	_ =	shalt  }
0x75: {  	_ =	shalt  }
0x76: {  	_ =	shalt  }
0x77: {  	_ =	shalt  }
0x78: {  	_ =	shalt  }
0x79: {  	_ =	shalt  }
0x7a: {  	_ =	shalt  }
0x7b: {  	_ =	shalt  }
0x7c: {  	_ =	shalt  }
0x7d: {  	_ =	shalt  }
0x7e: {  	_ =	shalt  }
0x7f: {  	_ =	shalt  }
0x80: {  	_ =	shalt  }
0x81: {  	_ =	shalt  }
0x82: {  	_ =	shalt  }
0x83: {  	_ =	shalt  }
0x84: {  	_ =	shalt  }
0x85: {  	_ =	shalt  }
0x86: {  	_ =	shalt  }
0x87: {  	_ =	shalt  }
.Lfunc_end0:
.L_simem_size_0:
called_computation_lowered:
.L_overlay_start_0:
0x88: {  	s2 =	sld [smem:$0x3FD9]  }
0x89: {  	s3 =	sld [smem:$0x3FFE];
	_ =	sdelay $0x1  }
0x8a: {  	s1 =	srdreg.scid  }
0x8b: {  	s0 =	sand.u32 $0x1, s1  }
0x8c: {  	s17 =	sshll.u32 s0, $0xA;
	s2 =	sadd.s32 s3, s2  }
0x8d: {  	s2 =	sadd.s32 s2, s17  }
0x8e: {  	[smem:$0x3FC2] =	sst s2  }
0x8f: {  	_ = 	snop  }
0x90: {  	s2 =	sld [smem:$0x3FD0];
	(tm) =	ssettm $0x1  }
0x91: {  	s18 =	sld [smem:$0x3FFB];
	_ =	sdelay $0x3  }
0x92: {  	_ =	strace s18  }
0x93: {  	s3 =	sld [smem:$0x3FFC];
	_ =	sdelay $0x3  }
0x94: {  	_ =	strace s3  }
0x95: {  	s3 =	sld [smem:$0x3FFD];
	_ =	sdelay $0x3  }
0x96: {  	_ =	strace s3  }
0x97: {  	_ =	strace $0x8FFFFFFF  }
0x98: {  	s19 =	sld [smem:$0x3FDB];
	_ =	sdelay $0x1  }
0x99: {  	s4 =	simm.s32 $_scs_section_size  }
0x9a: {  	s5 =	simm.s32 $_size__tile_overlayer_lowered;
	s6 =	simm.s32 $_tile_overlayer_lowered  }
0x9b: {  	s22 =	simm.s32 $0x1BFF;
	s21 =	sshll.u32 s6, $0x1;
	s3 =	sadd.s32 s4, s19  }
0x9c: {  	s7 =	simm.s32 $0x0;
	s20 =	sshll.u32 s5, $0x1;
	s5 =	sadd.s32 s21, s3  }
0x9d: {  	[timem:s7], [sflag:s22] =	dma.local [hbm:s5], s20  }
0x9e: {  	_ =	swait.ge [sflag:s22], s20  }
0x9f: {  	s4 =	ssub.s32 $0x0, s20;
	[sflag:s22] =	ssyncset.done $0x0  }
0xa0: {  	[sflag:s22] =	ssyncadd.s32 s4;
	_ =	sdelay $0x1  }
0xa1: {  	s23 =	simm.s32 $0x1B8B  }
0xa2: {  	_ =	swait.ge [sflag:s23], $0x1  }
0xa3: {  	[sflag:s23] =	ssyncset.done $0x0  }
0xa4: {  	s25 =	simm.s32 $0x1B8E;
	s24 =	sld [smem:$0x3FFE];
	[sflag:s23] =	ssyncadd.s32 $0xFFFFFFFF  }
0xa5: {  	s26 =	simm.s32 $execute0_lowered;
	[smem:$0x3FD2] =	sst s25  }
0xa6: {  	s5 =	sshll.u32 s26, $0x1;
	_ =	strace $0x80000046;
	[dreg:$0x1] =	wrdreg $0xFFFFFFFF  }
0xa7: {  	s28 =	simm.s32 $_size_execute0_lowered;
	s3 =	sadd.s32 s3, s5;
	[dreg:$0x0] =	wrdreg $0x0  }
0xa8: {  	s5 =	sshll.u32 s28, $0x1;
	[dreg:$0x2] =	wrdreg s3  }
0xa9: {  	[dreg:$0x3] =	wrdreg s5  }
0xaa: {  	[dreg:$0x4] =	wrdreg $0xC0  }
0xab: {  	_ =	task [dreg:s7], $0x5FFFF  }
0xac: {  	[dreg:$0x1] =	wrdreg $0xFFFFFFFF  }
0xad: {  	[dreg:$0x0] =	wrdreg $0x60  }
0xae: {  	[dreg:$0x2] =	wrdreg s24  }
0xaf: {  	[dreg:$0x3] =	wrdreg s2  }
0xb0: {  	[dreg:$0x4] =	wrdreg $0x7B780  }
0xb1: {  	[dreg:$0x5] =	wrdreg $0x9  }
0xb2: {  	_ =	task.clear_ibuf [dreg:s7], $0x6FFFF;
	_ =	strace $0x90000046  }
0xb3: {  	s29 =	simm.s32 $0x9;
	_ =	strace $0x80000048  }
0xb4: {  	_ =	swait.ge [sflag:s29], $0x1  }
0xb5: {  	[sflag:s29] =	ssyncadd.s32 $0xFFFFFFFF  }
0xb6: {  	_ =	strace $0x90000048  }
0xb7: {  	_ =	sfence  }
0xb8: {  	s30 =	sld [smem:$0x0];
	_ =	sdelay $0x2  }
0xb9: {  	s31 =	sshll.u32 s1, $0xD;
	s1 =	sshrl.u32 s1, $0x2  }
0xba: {  	s3 =	sand.u32 $0x4000, s31;
	s1 =	sadd.s32 s1, s30  }
0xbb: {  	s0 =	sor.u32 s3, s0;
	s1 =	sshll.u32 s1, $0x11  }
0xbc: {  	s0 =	sor.u32 s1, s0  }
0xbd: {  	s0 =	sadd.s32 $0x8F2B, s0  }
0xbe: {  	[sflag:s0] =	ssyncadd.remote.s32 $0x1  }
0xbf: {  	_ =	sfence.sel $0xFFFF  }
0xc0: {  	[dreg:$0x0] =	wrdreg $0xFFFFFFFF;
	(pc) =	sbr.abs _section_cstart, $3  }
0xc1: {  	[dreg:$0x1] =	wrdreg $0xFFFFFFFF  }
0xc2: {  	_ =	task.clear_ibuf [dreg:s7], $0x2FFFF;
	_ =	strace $0x9FFFFFFF  }
0xc3: {  	(tm) =	ssettm $0x7FFFFFFF  }
tec
execute0_lowered:
.L_overlay_start_1:
0x0: {  	(tag) =	ssettag $0x1  }
0x1: {  	s6 =	rddreg [dreg:$0x0]  }
0x2: {  	s5 =	rddreg [dreg:$0x1]  }
0x3: {  	s12 =	stileid.u32;
	s0 =	srdreg.scid  }
0x4: {  	s1 =	rddreg [dreg:$0x2];
	s2 =	simm.s32 $0x0;
	s10 =	simm.s32 $0xB400  }
0x5: {  	s4 =	smul.u32 $0x3E8, s12;
	s3 =	sand.u32 $0x1, s0;
	s0 =	rddreg [dreg:$0x3]  }
0x6: {  	[smem:$0x7FF] =	sst s2;
	s11 =	smul.u32 $0xA00, s12;
	p1 =	sgt.u32 s12, $0x9  }
0x7: {  	s7 =	ssub.s32 $0x2, s3;
	_ =	strace $0x80000047;
	p0 =	seq.s32 s3, $0x1  }
0x8: {  	s30 =	smul.u32 $0x4E2, s3;
	s8 =	sshrl.u32 s4, $0x3;
	s9 =	sshrl.u32 s7, $0x1  }
0x9: {  	s10 =	simm.s32 @!p0 $0x1400;
	s4 =	sadd.s32 s4, s1;
	p0 =	sne.s32 s12, $0x0  }
0xa: {  	s12 =	simm.s32 $0x0;
	s8 =	sadd.s32 s8, s6;
	s7 =	ssub.s32 s7, s9  }
0xb: {  	s5 =	sadd.s32 s5, s30;
	s31 =	sadd.s32 s10, s6;
	s9 =	simm.s32 $0x7D  }
0xc: {  	s10 =	simm.s32 $0x5000;
	s3 =	sadd.s32 $0x15400, s8;
	s6 =	smax.u32 s7, $0x1  }
0xd: {  	v0 =	vimm.f32 $1.000000000e+00;
	s7 =	sadd.s32 s31, s11;
	s8 =	simm.s32 $0x2;
	s11 =	simm.s32 $0x1  }
.LBB2_1:
0xe: {  	[tilespmem:$0x5000] =	vst v0  }
0xf: {  	[tilespmem:$0x5010] =	vst v0  }
0x10: {  	[tilespmem:$0x5020] =	vst v0  }
0x11: {  	[tilespmem:$0x5030] =	vst v0  }
0x12: {  	[tilespmem:$0x5040] =	vst v0  }
0x13: {  	[tilespmem:$0x5050] =	vst v0  }
0x14: {  	[tilespmem:$0x5060] =	vst v0  }
0x15: {  	[tilespmem:$0x5070] =	vst v0  }
0x16: {  	[tilespmem:s2], [sflag:$0x2] =	stream.linear.gather [hbm4b:s7+s2], $0x5000, $0x38;
	[tilespmem:$0x7DF0] =	vst v63  }
0x17: {  	_ =	swait.ge [sflag:s8], $0x5000  }
0x18: {  	[sflag:s8] =	ssyncset.done $0x0  }
0x19: {  	s13 =	simm.s32 @!p1 $0x0;
	s14 =	simm.s32 @!p1 $0x5080;
	[sflag:s8] =	ssyncadd.s32 $0xFFFFB000  }
0x1a: {  	[tilespmem:s14], [sflag:$0x2] =	stream.linear.gather @!p1 [hbm4b:s3+s13], $0x3E8, $0x38;
	[tilespmem:$0x7DF0] =	vst v63  }
0x1b: {  	s13 =	simm.s32 @!p1 $0x2  }
0x1c: {  	_ =	swait.ge @!p1 [sflag:s13], $0x3E8  }
0x1d: {  	[sflag:s13] =	ssyncset.done @!p1 $0x0  }
0x1e: {  	[sflag:s13] =	ssyncadd.s32 @!p1 $0xFFFFFC18  }
0x1f: {  	[spmem:s4] =	stream.linear.scatter @!p1 [tilespmem:s14], [sflag:$0x2], $0x3E8, $0x38;
	[tilespmem:$0x7DF0] =	vst v63  }
0x20: {  	_ =	swait.ge @!p1 [sflag:s13], $0x3E8  }
0x21: {  	[sflag:s13] =	ssyncset.done @!p1 $0x0  }
0x22: {  	[sflag:s13] =	ssyncadd.s32 @!p1 $0xFFFFFC18  }
0x23: {  	s23 =	simm.s32 $0x0;
	[bflag:$0x0] =	sbarrier.arrive $0xFFFF  }
0x24: {  	[spmem:s1] =	stream.indirect.scatter.add.f32 [tilespmem:s10], [sflag:$0x1], $0x1, s23, s9, $0xb8;
	[tilespmem:$0x7DF0] =	vst v63  }
0x25: {  	s24 =	simm.s32 $0x80  }
0x26: {  	[spmem:s1] =	stream.indirect.scatter.add.f32 [tilespmem:s10], [sflag:$0x1], $0x1, s24, s9, $0xb8;
	[tilespmem:$0x7DF0] =	vst v63  }
0x27: {  	s25 =	simm.s32 $0x100  }
0x28: {  	[spmem:s1] =	stream.indirect.scatter.add.f32 [tilespmem:s10], [sflag:$0x1], $0x1, s25, s9, $0xb8;
	[tilespmem:$0x7DF0] =	vst v63  }
0x29: {  	s26 =	simm.s32 $0x180  }
0x2a: {  	[spmem:s1] =	stream.indirect.scatter.add.f32 [tilespmem:s10], [sflag:$0x1], $0x1, s26, s9, $0xb8;
	[tilespmem:$0x7DF0] =	vst v63  }
0x2b: {  	s28 =	simm.s32 $0x200  }
0x2c: {  	[spmem:s1] =	stream.indirect.scatter.add.f32 [tilespmem:s10], [sflag:$0x1], $0x1, s28, s9, $0xb8;
	[tilespmem:$0x7DF0] =	vst v63  }
0x2d: {  	s29 =	simm.s32 $0x280  }
0x2e: {  	[spmem:s1] =	stream.indirect.scatter.add.f32 [tilespmem:s10], [sflag:$0x1], $0x1, s29, s9, $0xb8;
	[tilespmem:$0x7DF0] =	vst v63  }
0x2f: {  	s30 =	simm.s32 $0x300  }
0x30: {  	[spmem:s1] =	stream.indirect.scatter.add.f32 [tilespmem:s10], [sflag:$0x1], $0x1, s30, s9, $0xb8;
	[tilespmem:$0x7DF0] =	vst v63  }
0x31: {  	s31 =	simm.s32 $0x380  }
0x32: {  	[spmem:s1] =	stream.indirect.scatter.add.f32 [tilespmem:s10], [sflag:$0x1], $0x1, s31, s9, $0xb8;
	[tilespmem:$0x7DF0] =	vst v63  }
0x33: {  	_ =	swait.ge [sflag:s11], $0x7D  }
0x34: {  	[sflag:s11] =	ssyncset.done $0x0  }
0x35: {  	[sflag:s11] =	ssyncadd.s32 $0xFFFFFF83  }
0x36: {  	_ =	swait.ge [sflag:s11], $0x7D  }
0x37: {  	[sflag:s11] =	ssyncset.done $0x0  }
0x38: {  	[sflag:s11] =	ssyncadd.s32 $0xFFFFFF83  }
0x39: {  	_ =	swait.ge [sflag:s11], $0x7D  }
0x3a: {  	[sflag:s11] =	ssyncset.done $0x0  }
0x3b: {  	[sflag:s11] =	ssyncadd.s32 $0xFFFFFF83  }
0x3c: {  	_ =	swait.ge [sflag:s11], $0x7D  }
0x3d: {  	[sflag:s11] =	ssyncset.done $0x0  }
0x3e: {  	[sflag:s11] =	ssyncadd.s32 $0xFFFFFF83  }
0x3f: {  	_ =	swait.ge [sflag:s11], $0x7D  }
0x40: {  	[sflag:s11] =	ssyncset.done $0x0  }
0x41: {  	[sflag:s11] =	ssyncadd.s32 $0xFFFFFF83  }
0x42: {  	_ =	swait.ge [sflag:s11], $0x7D  }
0x43: {  	[sflag:s11] =	ssyncset.done $0x0  }
0x44: {  	[sflag:s11] =	ssyncadd.s32 $0xFFFFFF83  }
0x45: {  	_ =	swait.ge [sflag:s11], $0x7D  }
0x46: {  	[sflag:s11] =	ssyncset.done $0x0  }
0x47: {  	[sflag:s11] =	ssyncadd.s32 $0xFFFFFF83  }
0x48: {  	_ =	swait.ge [sflag:s11], $0x7D  }
0x49: {  	s15 =	simm.s32 $0x2000;
	s13 =	simm.s32 $0x1000;
	[sflag:s11] =	ssyncset.done $0x0  }
.LBB2_2:
0x4a: {  	s16 =	sshra.s32 s13, $0x2  }
0x4b: {  	[sflag:s11] =	ssyncadd.s32 $0xFFFFFF83;
	s13 =	smov.u32 s15;
	s14 =	sadd.s32 $0x1000, s15  }
0x4c: {  	[spmem:s1] =	stream.indirect.scatter.add.f32 [tilespmem:s10], [sflag:$0x1], $0x1, s16, s9, $0xb8;
	[tilespmem:$0x7DF0] =	vst v63  }
0x4d: {  	p2 =	sne.s32 s15, $0x13000;
	s15 =	sadd.s32 $0x80, s16  }
0x4e: {  	[spmem:s1] =	stream.indirect.scatter.add.f32 [tilespmem:s10], [sflag:$0x1], $0x1, s15, s9, $0xb8;
	[tilespmem:$0x7DF0] =	vst v63  }
0x4f: {  	s15 =	sadd.s32 $0x100, s16  }
0x50: {  	[spmem:s1] =	stream.indirect.scatter.add.f32 [tilespmem:s10], [sflag:$0x1], $0x1, s15, s9, $0xb8;
	[tilespmem:$0x7DF0] =	vst v63  }
0x51: {  	s15 =	sadd.s32 $0x180, s16  }
0x52: {  	[spmem:s1] =	stream.indirect.scatter.add.f32 [tilespmem:s10], [sflag:$0x1], $0x1, s15, s9, $0xb8;
	[tilespmem:$0x7DF0] =	vst v63  }
0x53: {  	s15 =	sadd.s32 $0x200, s16  }
0x54: {  	[spmem:s1] =	stream.indirect.scatter.add.f32 [tilespmem:s10], [sflag:$0x1], $0x1, s15, s9, $0xb8;
	[tilespmem:$0x7DF0] =	vst v63  }
0x55: {  	s15 =	sadd.s32 $0x280, s16  }
0x56: {  	[spmem:s1] =	stream.indirect.scatter.add.f32 [tilespmem:s10], [sflag:$0x1], $0x1, s15, s9, $0xb8;
	[tilespmem:$0x7DF0] =	vst v63  }
0x57: {  	s15 =	sadd.s32 $0x300, s16  }
0x58: {  	[spmem:s1] =	stream.indirect.scatter.add.f32 [tilespmem:s10], [sflag:$0x1], $0x1, s15, s9, $0xb8;
	[tilespmem:$0x7DF0] =	vst v63  }
0x59: {  	s15 =	sadd.s32 $0x380, s16  }
0x5a: {  	[spmem:s1] =	stream.indirect.scatter.add.f32 [tilespmem:s10], [sflag:$0x1], $0x1, s15, s9, $0xb8;
	[tilespmem:$0x7DF0] =	vst v63  }
0x5b: {  	_ =	swait.ge [sflag:s11], $0x7D  }
0x5c: {  	[sflag:s11] =	ssyncset.done $0x0  }
0x5d: {  	[sflag:s11] =	ssyncadd.s32 $0xFFFFFF83  }
0x5e: {  	_ =	swait.ge [sflag:s11], $0x7D  }
0x5f: {  	[sflag:s11] =	ssyncset.done $0x0  }
0x60: {  	[sflag:s11] =	ssyncadd.s32 $0xFFFFFF83  }
0x61: {  	_ =	swait.ge [sflag:s11], $0x7D  }
0x62: {  	[sflag:s11] =	ssyncset.done $0x0  }
0x63: {  	[sflag:s11] =	ssyncadd.s32 $0xFFFFFF83  }
0x64: {  	_ =	swait.ge [sflag:s11], $0x7D  }
0x65: {  	[sflag:s11] =	ssyncset.done $0x0  }
0x66: {  	[sflag:s11] =	ssyncadd.s32 $0xFFFFFF83  }
0x67: {  	_ =	swait.ge [sflag:s11], $0x7D  }
0x68: {  	[sflag:s11] =	ssyncset.done $0x0  }
0x69: {  	[sflag:s11] =	ssyncadd.s32 $0xFFFFFF83  }
0x6a: {  	_ =	swait.ge [sflag:s11], $0x7D  }
0x6b: {  	[sflag:s11] =	ssyncset.done $0x0  }
0x6c: {  	[sflag:s11] =	ssyncadd.s32 $0xFFFFFF83  }
.Ltmp0:
0x6d: {  	_ =	swait.ge [sflag:s11], $0x7D;
	(pc) =	sbr.rel @p2 .LBB2_2-.Ltmp0, $4  }
0x6e: {  	[sflag:s11] =	ssyncset.done $0x0  }
0x6f: {  	[sflag:s11] =	ssyncadd.s32 $0xFFFFFF83  }
0x70: {  	_ =	swait.ge [sflag:s11], $0x7D  }
0x71: {  	s15 =	smov.u32 s14;
	[sflag:s11] =	ssyncset.done $0x0  }
0x72: {  	s13 =	sshra.s32 s13, $0x2;
	[sflag:s11] =	ssyncadd.s32 $0xFFFFFF83  }
0x73: {  	[spmem:s1] =	stream.indirect.scatter.add.f32 [tilespmem:s10], [sflag:$0x1], $0x1, s13, s9, $0xb8;
	[tilespmem:$0x7DF0] =	vst v63  }
0x74: {  	s14 =	sadd.s32 $0x80, s13  }
0x75: {  	[spmem:s1] =	stream.indirect.scatter.add.f32 [tilespmem:s10], [sflag:$0x1], $0x1, s14, s9, $0xb8;
	[tilespmem:$0x7DF0] =	vst v63  }
0x76: {  	s26 =	sadd.s32 $0x100, s13  }
0x77: {  	[spmem:s1] =	stream.indirect.scatter.add.f32 [tilespmem:s10], [sflag:$0x1], $0x1, s26, s9, $0xb8;
	[tilespmem:$0x7DF0] =	vst v63  }
0x78: {  	s28 =	sadd.s32 $0x180, s13  }
0x79: {  	[spmem:s1] =	stream.indirect.scatter.add.f32 [tilespmem:s10], [sflag:$0x1], $0x1, s28, s9, $0xb8;
	[tilespmem:$0x7DF0] =	vst v63  }
0x7a: {  	s29 =	sadd.s32 $0x200, s13  }
0x7b: {  	[spmem:s1] =	stream.indirect.scatter.add.f32 [tilespmem:s10], [sflag:$0x1], $0x1, s29, s9, $0xb8;
	[tilespmem:$0x7DF0] =	vst v63  }
0x7c: {  	s30 =	sadd.s32 $0x280, s13  }
0x7d: {  	[spmem:s1] =	stream.indirect.scatter.add.f32 [tilespmem:s10], [sflag:$0x1], $0x1, s30, s9, $0xb8;
	[tilespmem:$0x7DF0] =	vst v63  }
0x7e: {  	s31 =	sadd.s32 $0x300, s13  }
0x7f: {  	[spmem:s1] =	stream.indirect.scatter.add.f32 [tilespmem:s10], [sflag:$0x1], $0x1, s31, s9, $0xb8;
	[tilespmem:$0x7DF0] =	vst v63  }
0x80: {  	s13 =	sadd.s32 $0x380, s13  }
0x81: {  	[spmem:s1] =	stream.indirect.scatter.add.f32 [tilespmem:s10], [sflag:$0x1], $0x1, s13, s9, $0xb8;
	[tilespmem:$0x7DF0] =	vst v63  }
0x82: {  	_ =	swait.ge [sflag:s11], $0x7D  }
0x83: {  	[sflag:s11] =	ssyncset.done $0x0  }
0x84: {  	[sflag:s11] =	ssyncadd.s32 $0xFFFFFF83  }
0x85: {  	_ =	swait.ge [sflag:s11], $0x7D  }
0x86: {  	[sflag:s11] =	ssyncset.done $0x0  }
0x87: {  	[sflag:s11] =	ssyncadd.s32 $0xFFFFFF83  }
0x88: {  	_ =	swait.ge [sflag:s11], $0x7D  }
0x89: {  	[sflag:s11] =	ssyncset.done $0x0  }
0x8a: {  	[sflag:s11] =	ssyncadd.s32 $0xFFFFFF83  }
0x8b: {  	_ =	swait.ge [sflag:s11], $0x7D  }
0x8c: {  	[sflag:s11] =	ssyncset.done $0x0  }
0x8d: {  	[sflag:s11] =	ssyncadd.s32 $0xFFFFFF83  }
0x8e: {  	_ =	swait.ge [sflag:s11], $0x7D  }
0x8f: {  	[sflag:s11] =	ssyncset.done $0x0  }
0x90: {  	[sflag:s11] =	ssyncadd.s32 $0xFFFFFF83  }
0x91: {  	_ =	swait.ge [sflag:s11], $0x7D  }
0x92: {  	[sflag:s11] =	ssyncset.done $0x0  }
0x93: {  	[sflag:s11] =	ssyncadd.s32 $0xFFFFFF83  }
0x94: {  	_ =	swait.ge [sflag:s11], $0x7D  }
0x95: {  	[sflag:s11] =	ssyncset.done $0x0  }
0x96: {  	[sflag:s11] =	ssyncadd.s32 $0xFFFFFF83  }
0x97: {  	_ =	swait.ge [sflag:s11], $0x7D  }
0x98: {  	[sflag:s11] =	ssyncset.done $0x0  }
0x99: {  	[sflag:s11] =	ssyncadd.s32 $0xFFFFFF83  }
0x9a: {  	s14 =	simm.s32 @!p0 $0x2;
	s13 =	simm.s32 @!p0 $0x5468;
	[bflag:$0x0] =	sbarrier.arrive $0xFFFF  }
0x9b: {  	[tilespmem:s13], [sflag:$0x2] =	stream.linear.gather @!p0 [spmem:s1], $0x2710, $0x38;
	[tilespmem:$0x7DF0] =	vst v63  }
0x9c: {  	s12 =	sadd.s32 $0x1, s12;
	_ =	swait.ge @!p0 [sflag:s14], $0x2710  }
0x9d: {  	p2 =	sne.s32 s12, s6;
	[sflag:s14] =	ssyncset.done @!p0 $0x0  }
.Ltmp1:
0x9e: {  	s15 =	simm.s32 @!p0 $0x0;
	[sflag:s14] =	ssyncadd.s32 @!p0 $0xFFFFD8F0;
	(pc) =	sbr.rel @p2 .LBB2_1-.Ltmp1, $4  }
0x9f: {  	[hbm4b:s5+s15] =	stream.linear.scatter @!p0 [tilespmem:s13], [sflag:$0x2], $0x2710, $0x38;
	[tilespmem:$0x7DF0] =	vst v63  }
0xa0: {  	_ =	swait.ge @!p0 [sflag:s14], $0x2710  }
0xa1: {  	[sflag:s14] =	ssyncset.done @!p0 $0x0  }
0xa2: {  	[sflag:s14] =	ssyncadd.s32 @!p0 $0xFFFFD8F0  }
0xa3: {  	_ =	sfence.sel $0x180000  }
0xa4: {  	[bflag:$0x0] =	sbarrier.arrive $0xFFFF  }
0xa5: {  	_ =	strace $0x90000047  }
0xa6: {  	s0 =	sadd.s32 @!p0 $0x100000, s0;
	[bflag:$0x2] =	sbarrier.arrive $0xFFFF  }
0xa7: {  	[sflag:s0] =	ssyncadd.tile.s32 @!p0 $0x1;
	_ =	shalt  }
.Lfunc_end2:
_tile_overlayer_lowered:
.L_overlay_start_2:
0xa8: {  	(tag) =	ssettag $0x2  }
0xa9: {  	s0 =	rddreg [dreg:$0x0];
	s2 =	stileid.u32  }
0xaa: {  	s1 =	rddreg [dreg:$0x1];
	p0 =	sne.s32 s2, $0x0  }
0xab: {  	s3 =	rddreg [dreg:$0x2];
	[bflag:$0x3] =	sbarrier.arrive $0xFFFF;
	s2 =	simm.s32 @!p0 $0x1C02  }
0xac: {  	[timem:s3], [sflag:s2] =	dma.local @!p0 [hbm:s0], s1  }
0xad: {  	s0 =	simm.s32 @!p0 $0x2  }
0xae: {  	_ =	swait.ge @!p0 [sflag:s0], s1  }
0xaf: {  	s1 =	ssub.s32 @!p0 $0x0, s1;
	[sflag:s0] =	ssyncset.done @!p0 $0x0  }
0xb0: {  	[sflag:s0] =	ssyncadd.s32 @!p0 s1  }
0xb1: {  	[bflag:$0x3] =	sbarrier.arrive $0xFFFF  }
0xb2: {  	_ =	shalt  }

// kernel: kernel.9.cloned.1.call-start
scs
__scs_entry_jumppad:
0x0: {  	(pc) =	sbr.rel $0x88, $3  }
0x1: {  	(tag) =	ssettag $0x0;
	lr =	simm.s32 $0x1  }
0x2: {  	[smem:$0x3F9B] =	sst lr;
	_ =	strace $0xD0000000  }
0x3: {  	_ = 	snop  }
0x4: {  	_ = 	snop  }
0x5: {  	_ = 	snop  }
0x6: {  	_ = 	snop  }
0x7: {  	_ = 	snop  }
__scs_overlays_trampoline_lowered:
0x8: {  	[smem:$0x3FAA] =	sst s0  }
0x9: {  	[smem:$0x3FAB] =	sst s1  }
0xa: {  	[smem:$0x3FAC] =	sst s2  }
0xb: {  	[smem:$0x3FAD] =	sst s3  }
0xc: {  	[smem:$0x3FAE] =	sst s4  }
0xd: {  	[smem:$0x3FAF] =	sst s5  }
0xe: {  	[smem:$0x3FB0] =	sst s6  }
0xf: {  	[smem:$0x3FB1] =	sst s7  }
0x10: {  	[smem:$0x3FB2] =	sst s8  }
0x11: {  	[smem:$0x3FB3] =	sst s9;
	s0 =	simm.s32 @!p0 $0x0  }
0x12: {  	s1 =	sld [smem:$0x3F99];
	s0 =	simm.s32 @p0 $0x1  }
0x13: {  	[smem:$0x3FB4] =	sst s0;
	s0 =	simm.s32 @!p1 $0x0  }
0x14: {  	s2 =	sld [smem:$0x3F98];
	s0 =	simm.s32 @p1 $0x1  }
0x15: {  	[smem:$0x3FB5] =	sst s0;
	s0 =	simm.s32 @!p2 $0x0  }
0x16: {  	s3 =	sld [smem:$0x3FDB];
	s0 =	simm.s32 @p2 $0x1  }
0x17: {  	s4 =	simm.s32 $0x1BF5;
	[smem:$0x3FB7] =	sst s0  }
0x18: {  	s0 =	sld [smem:$0x3F9A];
	_ =	swait.ge [sflag:s4], $0x0  }
0x19: {  	s7 =	sld [smem:$0x3F9B]  }
0x1a: {  	s8 =	sadd.s32 $0xFFFFE003, lr  }
0x1b: {  	s9 =	sadd.s32 $0xFFFFFEF7, lr;
	s5 =	simm.s32 $0xFFFFFFFF;
	p2 =	slt.u32 s8, $0xFFFFF086  }
0x1c: {  	p1 =	slt.u32 s9, $0xF7A;
	s5 =	simm.s32 @!p2 $0x0  }
0x1d: {  	s5 =	simm.s32 @p1 $0x1;
	p0 =	seq.s32 s7, s2  }
0x1e: {  	s7 =	smul.u32 @!p0 $0xF7A, s2;
	p2 =	seq.s32 @!p0 s5, $0x0  }
0x1f: {  	s9 =	smul.u32 $0xF7A, s1;
	s8 =	simm.s32 @!p0 $0x1BF5;
	p2 =	por !p2, p0  }
0x20: {  	[sflag:s8] =	ssyncset.s32 @!p0 $0xFFFFF086;
	s6 =	sadd.s32 @!p0 s3, s7;
	s7 =	simm.s32 @!p0 $0x108  }
0x21: {  	s3 =	sadd.s32 s3, s9;
	s6 =	sadd.s32 @!p0 $0x88, s6;
	s7 =	simm.s32 @p2 $0x1082  }
0x22: {  	[simem:s7], [sflag:s8] =	dma.local @!p0 [hbm:s6], $0xF7A  }
0x23: {  	s9 =	sor.u32 $0xD0000000, s2;
	s6 =	simm.s32 $0x108;
	_ =	swait.ge @!p0 [sflag:s8], $0x0  }
0x24: {  	s3 =	sadd.s32 $0x88, s3;
	s6 =	simm.s32 @!p1 $0x1082;
	[sflag:s4] =	ssyncset.s32 $0xFFFFF086  }
0x25: {  	[simem:s6], [sflag:s4] =	dma.local [hbm:s3], $0xF7A  }
0x26: {  	[smem:$0x3F9B] =	sst s1;
	(tag) =	ssettag s2;
	_ =	strace s9  }
0x27: {  	s1 =	sld [smem:$0x3FAB]  }
0x28: {  	s2 =	sld [smem:$0x3FAC]  }
0x29: {  	s4 =	sld [smem:$0x3FAE]  }
0x2a: {  	p0 =	seq.s32 s5, $0x0;
	s5 =	sld [smem:$0x3FAF]  }
0x2b: {  	s6 =	sld [smem:$0x3FB0]  }
0x2c: {  	s7 =	sld [smem:$0x3FB1]  }
0x2d: {  	s3 =	simm.s32 $0x108;
	s8 =	sld [smem:$0x3FB2]  }
0x2e: {  	s3 =	simm.s32 @!p0 $0x1082;
	s9 =	sld [smem:$0x3FB3]  }
0x2f: {  	lr =	sadd.s32 s0, s3;
	s0 =	sld [smem:$0x3FAA]  }
0x30: {  	s3 =	sld [smem:$0x3FAD]  }
0x31: {  	[smem:$0x3FB6] =	sst s10  }
0x32: {  	s10 =	sld [smem:$0x3FB4];
	_ =	sdelay $0x3  }
0x33: {  	p0 =	seq.s32 s10, $0x1;
	s10 =	sld [smem:$0x3FB6];
	_ =	sdelay $0x3  }
0x34: {  	[smem:$0x3FB6] =	sst s10  }
0x35: {  	s10 =	sld [smem:$0x3FB5];
	_ =	sdelay $0x3  }
0x36: {  	p1 =	seq.s32 s10, $0x1;
	s10 =	sld [smem:$0x3FB6];
	_ =	sdelay $0x3  }
0x37: {  	[smem:$0x3FB6] =	sst s10  }
0x38: {  	s10 =	sld [smem:$0x3FB7]  }
0x39: {  	_ = 	snop;
	(pc) =	sbr.ind lr, $3  }
0x3a: {  	_ = 	snop  }
0x3b: {  	_ = 	snop  }
0x3c: {  	p2 =	seq.s32 s10, $0x1;
	s10 =	sld [smem:$0x3FB6]  }
0x3d: {  	_ =	shalt  }
0x3e: {  	_ =	shalt  }
0x3f: {  	_ =	shalt  }
0x40: {  	_ =	shalt  }
0x41: {  	_ =	shalt  }
0x42: {  	_ =	shalt  }
0x43: {  	_ =	shalt  }
0x44: {  	_ =	shalt  }
0x45: {  	_ =	shalt  }
0x46: {  	_ =	shalt  }
0x47: {  	_ =	shalt  }
0x48: {  	_ =	shalt  }
0x49: {  	_ =	shalt  }
0x4a: {  	_ =	shalt  }
0x4b: {  	_ =	shalt  }
0x4c: {  	_ =	shalt  }
0x4d: {  	_ =	shalt  }
0x4e: {  	_ =	shalt  }
0x4f: {  	_ =	shalt  }
0x50: {  	_ =	shalt  }
0x51: {  	_ =	shalt  }
0x52: {  	_ =	shalt  }
0x53: {  	_ =	shalt  }
0x54: {  	_ =	shalt  }
0x55: {  	_ =	shalt  }
0x56: {  	_ =	shalt  }
0x57: {  	_ =	shalt  }
0x58: {  	_ =	shalt  }
0x59: {  	_ =	shalt  }
0x5a: {  	_ =	shalt  }
0x5b: {  	_ =	shalt  }
0x5c: {  	_ =	shalt  }
0x5d: {  	_ =	shalt  }
0x5e: {  	_ =	shalt  }
0x5f: {  	_ =	shalt  }
0x60: {  	_ =	shalt  }
0x61: {  	_ =	shalt  }
0x62: {  	_ =	shalt  }
0x63: {  	_ =	shalt  }
0x64: {  	_ =	shalt  }
0x65: {  	_ =	shalt  }
0x66: {  	_ =	shalt  }
0x67: {  	_ =	shalt  }
0x68: {  	_ =	shalt  }
0x69: {  	_ =	shalt  }
0x6a: {  	_ =	shalt  }
0x6b: {  	_ =	shalt  }
0x6c: {  	_ =	shalt  }
0x6d: {  	_ =	shalt  }
0x6e: {  	_ =	shalt  }
0x6f: {  	_ =	shalt  }
0x70: {  	_ =	shalt  }
0x71: {  	_ =	shalt  }
0x72: {  	_ =	shalt  }
0x73: {  	_ =	shalt  }
0x74: {  	_ =	shalt  }
0x75: {  	_ =	shalt  }
0x76: {  	_ =	shalt  }
0x77: {  	_ =	shalt  }
0x78: {  	_ =	shalt  }
0x79: {  	_ =	shalt  }
0x7a: {  	_ =	shalt  }
0x7b: {  	_ =	shalt  }
0x7c: {  	_ =	shalt  }
0x7d: {  	_ =	shalt  }
0x7e: {  	_ =	shalt  }
0x7f: {  	_ =	shalt  }
0x80: {  	_ =	shalt  }
0x81: {  	_ =	shalt  }
0x82: {  	_ =	shalt  }
0x83: {  	_ =	shalt  }
0x84: {  	_ =	shalt  }
0x85: {  	_ =	shalt  }
0x86: {  	_ =	shalt  }
0x87: {  	_ =	shalt  }
.Lfunc_end0:
.L_simem_size_0:
called_computation.1_lowered:
.L_overlay_start_0:
0x88: {  	s2 =	sld [smem:$0x3FD9]  }
0x89: {  	s3 =	sld [smem:$0x3FFE];
	_ =	sdelay $0x1  }
0x8a: {  	s1 =	srdreg.scid  }
0x8b: {  	s0 =	sand.u32 $0x1, s1  }
0x8c: {  	s17 =	sshll.u32 s0, $0xA;
	s2 =	sadd.s32 s3, s2  }
0x8d: {  	s2 =	sadd.s32 s2, s17  }
0x8e: {  	[smem:$0x3FC2] =	sst s2  }
0x8f: {  	_ = 	snop  }
0x90: {  	s2 =	sld [smem:$0x3FD0];
	(tm) =	ssettm $0x1  }
0x91: {  	s18 =	sld [smem:$0x3FFB];
	_ =	sdelay $0x3  }
0x92: {  	_ =	strace s18  }
0x93: {  	s3 =	sld [smem:$0x3FFC];
	_ =	sdelay $0x3  }
0x94: {  	_ =	strace s3  }
0x95: {  	s3 =	sld [smem:$0x3FFD];
	_ =	sdelay $0x3  }
0x96: {  	_ =	strace s3  }
0x97: {  	_ =	strace $0x8FFFFFFF  }
0x98: {  	s19 =	sld [smem:$0x3FDB];
	_ =	sdelay $0x1  }
0x99: {  	s4 =	simm.s32 $_scs_section_size  }
0x9a: {  	s5 =	simm.s32 $_size__tile_overlayer_lowered;
	s6 =	simm.s32 $_tile_overlayer_lowered  }
0x9b: {  	s22 =	simm.s32 $0x1BFF;
	s21 =	sshll.u32 s6, $0x1;
	s3 =	sadd.s32 s4, s19  }
0x9c: {  	s7 =	simm.s32 $0x0;
	s20 =	sshll.u32 s5, $0x1;
	s5 =	sadd.s32 s21, s3  }
0x9d: {  	[timem:s7], [sflag:s22] =	dma.local [hbm:s5], s20  }
0x9e: {  	_ =	swait.ge [sflag:s22], s20  }
0x9f: {  	s4 =	ssub.s32 $0x0, s20;
	[sflag:s22] =	ssyncset.done $0x0  }
0xa0: {  	[sflag:s22] =	ssyncadd.s32 s4;
	_ =	sdelay $0x1  }
0xa1: {  	s23 =	simm.s32 $0x1B8B  }
0xa2: {  	_ =	swait.ge [sflag:s23], $0x1  }
0xa3: {  	[sflag:s23] =	ssyncset.done $0x0  }
0xa4: {  	s25 =	simm.s32 $0x1B8E;
	s24 =	sld [smem:$0x3FFE];
	[sflag:s23] =	ssyncadd.s32 $0xFFFFFFFF  }
0xa5: {  	s26 =	simm.s32 $execute0_lowered;
	[smem:$0x3FD2] =	sst s25  }
0xa6: {  	s5 =	sshll.u32 s26, $0x1;
	_ =	strace $0x80000049;
	[dreg:$0x1] =	wrdreg $0xFFFFFFFF  }
0xa7: {  	s28 =	simm.s32 $_size_execute0_lowered;
	s3 =	sadd.s32 s3, s5;
	[dreg:$0x0] =	wrdreg $0x0  }
0xa8: {  	s5 =	sshll.u32 s28, $0x1;
	[dreg:$0x2] =	wrdreg s3  }
0xa9: {  	[dreg:$0x3] =	wrdreg s5  }
0xaa: {  	[dreg:$0x4] =	wrdreg $0xC0  }
0xab: {  	_ =	task [dreg:s7], $0x5FFFF  }
0xac: {  	[dreg:$0x1] =	wrdreg $0xFFFFFFFF  }
0xad: {  	[dreg:$0x0] =	wrdreg $0x60  }
0xae: {  	[dreg:$0x2] =	wrdreg s24  }
0xaf: {  	[dreg:$0x3] =	wrdreg s2  }
0xb0: {  	[dreg:$0x4] =	wrdreg $0x14F000  }
0xb1: {  	[dreg:$0x5] =	wrdreg $0x9  }
0xb2: {  	_ =	task.clear_ibuf [dreg:s7], $0x6FFFF;
	_ =	strace $0x90000049  }
0xb3: {  	s29 =	simm.s32 $0x9;
	_ =	strace $0x8000004B  }
0xb4: {  	_ =	swait.ge [sflag:s29], $0x1  }
0xb5: {  	[sflag:s29] =	ssyncadd.s32 $0xFFFFFFFF  }
0xb6: {  	_ =	strace $0x9000004B  }
0xb7: {  	_ =	sfence  }
0xb8: {  	s30 =	sld [smem:$0x0];
	_ =	sdelay $0x2  }
0xb9: {  	s31 =	sshll.u32 s1, $0xD;
	s1 =	sshrl.u32 s1, $0x2  }
0xba: {  	s3 =	sand.u32 $0x4000, s31;
	s1 =	sadd.s32 s1, s30  }
0xbb: {  	s0 =	sor.u32 s3, s0;
	s1 =	sshll.u32 s1, $0x11  }
0xbc: {  	s0 =	sor.u32 s1, s0  }
0xbd: {  	s0 =	sadd.s32 $0x8F2B, s0  }
0xbe: {  	[sflag:s0] =	ssyncadd.remote.s32 $0x1  }
0xbf: {  	_ =	sfence.sel $0xFFFF  }
0xc0: {  	[dreg:$0x0] =	wrdreg $0xFFFFFFFF;
	(pc) =	sbr.abs _section_cstart, $3  }
0xc1: {  	[dreg:$0x1] =	wrdreg $0xFFFFFFFF  }
0xc2: {  	_ =	task.clear_ibuf [dreg:s7], $0x2FFFF;
	_ =	strace $0x9FFFFFFF  }
0xc3: {  	(tm) =	ssettm $0x7FFFFFFF  }
tec
execute0_lowered:
.L_overlay_start_1:
0x0: {  	(tag) =	ssettag $0x1  }
0x1: {  	s0 =	rddreg [dreg:$0x0]  }
0x2: {  	s1 =	rddreg [dreg:$0x1]  }
0x3: {  	s2 =	rddreg [dreg:$0x2]  }
0x4: {  	s3 =	simm.s32 $0x0;
	s14 =	stileid.u32;
	s19 =	srdreg.scid  }
0x5: {  	s30 =	simm.s32 $0x9;
	s31 =	simm.s32 $0x5000;
	s6 =	smul.u32 $0xA00, s14  }
0x6: {  	[smem:$0x7FF] =	sst s3;
	s3 =	sand.u32 $0x1, s19;
	s8 =	smul.u32 $0xFA00, s14  }
0x7: {  	s4 =	sadd.s32 $0x28E00, s0;
	s5 =	sadd.s32 $0x15400, s0;
	s26 =	smul.u32 $0x3E8, s14  }
0x8: {  	s16 =	smul.u32 $0x3E800, s14;
	p1 =	sgt.u32 s14, $0x9;
	s14 =	simm.s32 $0x7  }
0x9: {  	_ =	strace $0x8000004A;
	s7 =	ssub.s32 $0x2, s3;
	s13 =	smul.u32 $0x2710, s3  }
0xa: {  	p0 =	seq.s32 s3, $0x1;
	s3 =	simm.s32 $0xBF40;
	s6 =	sadd.s32 s6, s0  }
0xb: {  	s9 =	sshrl.u32 s7, $0x1;
	s0 =	sadd.s32 $0x3C800, s0;
	s20 =	sshrl.u32 s8, $0x3  }
0xc: {  	s21 =	sadd.s32 $0x3200, s8;
	s10 =	sadd.s32 $0x6400, s8;
	s11 =	sadd.s32 s8, s2  }
0xd: {  	s25 =	sadd.s32 $0x9600, s8;
	s8 =	sadd.s32 $0xC800, s8;
	s19 =	sshrl.u32 s16, $0x2  }
0xe: {  	s16 =	simm.s32 $0x0;
	s7 =	ssub.s32 s7, s9;
	s9 =	sadd.s32 s0, s20  }
0xf: {  	[dreg:$0x5] =	wrdreg s11;
	s22 =	sshrl.u32 s21, $0x3;
	s12 =	sshrl.u32 s10, $0x3  }
0x10: {  	s24 =	sadd.s32 s10, s2;
	s15 =	sshrl.u32 s25, $0x3;
	s17 =	sshrl.u32 s8, $0x3  }
0x11: {  	s18 =	sadd.s32 s8, s2;
	s20 =	sadd.s32 s26, s13;
	[dreg:$0x4] =	wrdreg s9  }
0x12: {  	s8 =	simm.s32 $0xFDC0;
	s10 =	simm.s32 $0x5;
	[dreg:$0x9] =	wrdreg s24  }
0x13: {  	s13 =	simm.s32 $0x4;
	s11 =	sadd.s32 s0, s22;
	[dreg:$0xd] =	wrdreg s18  }
0x14: {  	s9 =	sadd.s32 s21, s2;
	s23 =	sadd.s32 s0, s12;
	[dreg:$0x6] =	wrdreg s11  }
0x15: {  	s21 =	sadd.s32 $0x1400, s6;
	s22 =	sshll.u32 s20, $0x3;
	[dreg:$0x7] =	wrdreg s9  }
0x16: {  	s12 =	simm.s32 $0x6;
	[dreg:$0x8] =	wrdreg s23;
	s11 =	sadd.s32 s0, s15  }
0x17: {  	s9 =	sadd.s32 s25, s2;
	s0 =	sadd.s32 s0, s17;
	[dreg:$0xe] =	wrdreg s21  }
0x18: {  	s17 =	sadd.s32 s19, s2;
	s23 =	sadd.s32 $0xB400, s6;
	[dreg:$0xa] =	wrdreg s11  }
0x19: {  	s19 =	sadd.s32 s1, s22;
	s1 =	simm.s32 $0xA000;
	[dreg:$0xb] =	wrdreg s9  }
0x1a: {  	s6 =	simm.s32 $0xDE80;
	s15 =	simm.s32 $0x8;
	[dreg:$0xc] =	wrdreg s0  }
0x1b: {  	[dreg:$0xf] =	wrdreg s23;
	s24 =	sadd.s32 $0x3200, s17;
	s25 =	sadd.s32 $0x640, s19  }
.Ltmp0:
0x1c: {  	s26 =	sadd.s32 $0x6400, s17;
	s23 =	sadd.s32 $0xC80, s19;
	(pc) =	sbr.rel .LBB2_1-.Ltmp0, $4  }
0x1d: {  	s28 =	sadd.s32 $0xC800, s17;
	s29 =	sadd.s32 $0x1900, s19;
	[dreg:$0x10] =	wrdreg s24  }
0x1e: {  	s0 =	simm.s32 $0x7D;
	s9 =	simm.s32 $0x2;
	[dreg:$0x11] =	wrdreg s25  }
0x1f: {  	s11 =	simm.s32 $0x3;
	[dreg:$0x12] =	wrdreg s26;
	s24 =	sadd.s32 $0x9600, s17  }
0x20: {  	s25 =	smax.u32 s7, $0x1;
	s26 =	sadd.s32 $0x12C0, s19;
	s7 =	simm.s32 $0x1  }
.LBB2_7:
0x21: {  	[spmem:s2] =	stream.indirect.scatter.add.f32 [tilespmem:s8], [sflag:$0x8], $0x40, s20, s0, $0xb8;
	[tilespmem:$0x1EB40] =	vst v63  }
0x22: {  	_ =	swait.ge [sflag:s14], $0x1F40  }
0x23: {  	[sflag:s14] =	ssyncset.done $0x0  }
0x24: {  	s18 =	simm.s32 $0x4F00;
	[sflag:s14] =	ssyncadd.s32 $0xFFFFE0C0  }
0x25: {  	[tilespmem:s6], [sflag:$0x3] =	stream.indirect.gather [hbm4b:s5+s0], $0x40, s18, s0, $0xb8;
	[tilespmem:$0x1EB40] =	vst v63  }
0x26: {  	_ =	swait.ge [sflag:s7], $0x1F40  }
0x27: {  	[sflag:s7] =	ssyncset.done $0x0  }
0x28: {  	s21 =	simm.s32 $0x9E00;
	[sflag:s7] =	ssyncadd.s32 $0xFFFFE0C0  }
0x29: {  	[spmem:s2] =	stream.indirect.scatter.add.f32 [tilespmem:s1], [sflag:$0x5], $0x40, s21, s0, $0xb8;
	[tilespmem:$0x1EB40] =	vst v63  }
0x2a: {  	_ =	swait.ge [sflag:s15], $0x1F40  }
0x2b: {  	[sflag:s15] =	ssyncset.done $0x0  }
0x2c: {  	s22 =	simm.s32 $0x4F80;
	[sflag:s15] =	ssyncadd.s32 $0xFFFFE0C0  }
0x2d: {  	[tilespmem:s8], [sflag:$0x4] =	stream.indirect.gather [hbm4b:s5+s0], $0x40, s22, s0, $0xb8;
	[tilespmem:$0x1EB40] =	vst v63  }
0x2e: {  	_ =	swait.ge [sflag:s9], $0x1F40  }
0x2f: {  	[sflag:s9] =	ssyncset.done $0x0  }
0x30: {  	s20 =	simm.s32 $0x9E80;
	[sflag:s9] =	ssyncadd.s32 $0xFFFFE0C0  }
0x31: {  	[spmem:s2] =	stream.indirect.scatter.add.f32 [tilespmem:s3], [sflag:$0x6], $0x40, s20, s0, $0xb8;
	[tilespmem:$0x1EB40] =	vst v63  }
0x32: {  	_ =	swait.ge [sflag:s11], $0x1F40  }
0x33: {  	[sflag:s11] =	ssyncset.done $0x0  }
0x34: {  	s21 =	simm.s32 $0x9F00;
	[sflag:s11] =	ssyncadd.s32 $0xFFFFE0C0  }
0x35: {  	[spmem:s2] =	stream.indirect.scatter.add.f32 [tilespmem:s6], [sflag:$0x7], $0x40, s21, s0, $0xb8;
	[tilespmem:$0x1EB40] =	vst v63  }
0x36: {  	_ =	swait.ge [sflag:s13], $0x1F40  }
0x37: {  	[sflag:s13] =	ssyncset.done $0x0  }
0x38: {  	s22 =	simm.s32 $0x9F80;
	[sflag:s13] =	ssyncadd.s32 $0xFFFFE0C0  }
0x39: {  	[spmem:s2] =	stream.indirect.scatter.add.f32 [tilespmem:s8], [sflag:$0x8], $0x40, s22, s0, $0xb8;
	[tilespmem:$0x1EB40] =	vst v63  }
.LBB2_8:
0x3a: {  	_ =	swait.ge [sflag:s10], $0x1F40  }
0x3b: {  	[sflag:s10] =	ssyncset.done $0x0  }
0x3c: {  	[sflag:s10] =	ssyncadd.s32 $0xFFFFE0C0  }
0x3d: {  	_ =	swait.ge [sflag:s12], $0x1F40  }
0x3e: {  	[sflag:s12] =	ssyncset.done $0x0  }
0x3f: {  	[sflag:s12] =	ssyncadd.s32 $0xFFFFE0C0  }
0x40: {  	_ =	swait.ge [sflag:s14], $0x1F40  }
0x41: {  	[sflag:s14] =	ssyncset.done $0x0  }
0x42: {  	[sflag:s14] =	ssyncadd.s32 $0xFFFFE0C0  }
0x43: {  	_ =	swait.ge [sflag:s15], $0x1F40  }
0x44: {  	[sflag:s15] =	ssyncset.done $0x0  }
0x45: {  	[sflag:s15] =	ssyncadd.s32 $0xFFFFE0C0  }
0x46: {  	s18 =	simm.s32 @!p1 $0x11D00;
	s20 =	simm.s32 @!p1 $0x9;
	[bflag:$0x0] =	sbarrier.arrive $0xFFFF  }
0x47: {  	[tilespmem:s18], [sflag:$0x9] =	stream.linear.gather @!p1 [spmem:s17], $0x3200, $0x38;
	[tilespmem:$0x1EB40] =	vst v63  }
0x48: {  	_ =	swait.ge @!p1 [sflag:s20], $0x3200  }
0x49: {  	[sflag:s20] =	ssyncset.done @!p1 $0x0  }
0x4a: {  	s21 =	simm.s32 @!p1 $0x0;
	[sflag:s20] =	ssyncadd.s32 @!p1 $0xFFFFCE00  }
0x4b: {  	[hbm4b:s19+s21] =	stream.linear.scatter @!p1 [tilespmem:s18], [sflag:$0x9], $0x3200, $0x38;
	[tilespmem:$0x1EB40] =	vst v63  }
0x4c: {  	_ =	swait.ge @!p1 [sflag:s20], $0x3200  }
0x4d: {  	[sflag:s20] =	ssyncset.done @!p1 $0x0  }
0x4e: {  	s22 =	rddreg [dreg:$0x10];
	[sflag:s20] =	ssyncadd.s32 @!p1 $0xFFFFCE00  }
0x4f: {  	[tilespmem:s18], [sflag:$0x9] =	stream.linear.gather @!p1 [spmem:s22], $0x3200, $0x38;
	[tilespmem:$0x1EB40] =	vst v63  }
0x50: {  	_ =	swait.ge @!p1 [sflag:s20], $0x3200  }
0x51: {  	[sflag:s20] =	ssyncset.done @!p1 $0x0  }
0x52: {  	s22 =	rddreg [dreg:$0x11];
	[sflag:s20] =	ssyncadd.s32 @!p1 $0xFFFFCE00  }
0x53: {  	[hbm4b:s22+s21] =	stream.linear.scatter @!p1 [tilespmem:s18], [sflag:$0x9], $0x3200, $0x38;
	[tilespmem:$0x1EB40] =	vst v63  }
0x54: {  	_ =	swait.ge @!p1 [sflag:s20], $0x3200  }
0x55: {  	[sflag:s20] =	ssyncset.done @!p1 $0x0  }
0x56: {  	s22 =	rddreg [dreg:$0x12];
	[sflag:s20] =	ssyncadd.s32 @!p1 $0xFFFFCE00  }
0x57: {  	[tilespmem:s18], [sflag:$0x9] =	stream.linear.gather @!p1 [spmem:s22], $0x3200, $0x38;
	[tilespmem:$0x1EB40] =	vst v63  }
0x58: {  	_ =	swait.ge @!p1 [sflag:s20], $0x3200  }
0x59: {  	[sflag:s20] =	ssyncset.done @!p1 $0x0  }
0x5a: {  	[sflag:s20] =	ssyncadd.s32 @!p1 $0xFFFFCE00  }
0x5b: {  	[hbm4b:s23+s21] =	stream.linear.scatter @!p1 [tilespmem:s18], [sflag:$0x9], $0x3200, $0x38;
	[tilespmem:$0x1EB40] =	vst v63  }
0x5c: {  	_ =	swait.ge @!p1 [sflag:s20], $0x3200  }
0x5d: {  	[sflag:s20] =	ssyncset.done @!p1 $0x0  }
0x5e: {  	[sflag:s20] =	ssyncadd.s32 @!p1 $0xFFFFCE00  }
0x5f: {  	[tilespmem:s18], [sflag:$0x9] =	stream.linear.gather @!p1 [spmem:s24], $0x3200, $0x38;
	[tilespmem:$0x1EB40] =	vst v63  }
0x60: {  	_ =	swait.ge @!p1 [sflag:s20], $0x3200  }
0x61: {  	[sflag:s20] =	ssyncset.done @!p1 $0x0  }
0x62: {  	[sflag:s20] =	ssyncadd.s32 @!p1 $0xFFFFCE00  }
0x63: {  	[hbm4b:s26+s21] =	stream.linear.scatter @!p1 [tilespmem:s18], [sflag:$0x9], $0x3200, $0x38;
	[tilespmem:$0x1EB40] =	vst v63  }
0x64: {  	_ =	swait.ge @!p1 [sflag:s20], $0x3200  }
0x65: {  	[sflag:s20] =	ssyncset.done @!p1 $0x0  }
0x66: {  	[sflag:s20] =	ssyncadd.s32 @!p1 $0xFFFFCE00  }
0x67: {  	[tilespmem:s18], [sflag:$0x9] =	stream.linear.gather @!p1 [spmem:s28], $0x3200, $0x38;
	[tilespmem:$0x1EB40] =	vst v63  }
0x68: {  	s16 =	sadd.s32 $0x1, s16;
	_ =	swait.ge @!p1 [sflag:s20], $0x3200  }
0x69: {  	p2 =	sne.s32 s16, s25;
	[sflag:s20] =	ssyncset.done @!p1 $0x0  }
.Ltmp1:
0x6a: {  	[sflag:s20] =	ssyncadd.s32 @!p1 $0xFFFFCE00;
	(pc) =	sbr.rel @!p2 .LBB2_9-.Ltmp1, $4  }
0x6b: {  	[hbm4b:s29+s21] =	stream.linear.scatter @!p1 [tilespmem:s18], [sflag:$0x9], $0x3200, $0x38;
	[tilespmem:$0x1EB40] =	vst v63  }
0x6c: {  	_ =	swait.ge @!p1 [sflag:s20], $0x3200  }
0x6d: {  	[sflag:s20] =	ssyncset.done @!p1 $0x0  }
0x6e: {  	[sflag:s20] =	ssyncadd.s32 @!p1 $0xFFFFCE00  }
.LBB2_1:
0x6f: {  	s18 =	simm.s32 @!p1 $0x0;
	s20 =	simm.s32 @!p1 $0x11D00;
	s21 =	rddreg [dreg:$0x4]  }
0x70: {  	[tilespmem:s20], [sflag:$0x9] =	stream.linear.gather @!p1 [hbm4b:s21+s18], $0x3200, $0x38;
	[tilespmem:$0x1EB40] =	vst v63  }
0x71: {  	s21 =	simm.s32 @!p1 $0x9  }
0x72: {  	_ =	swait.ge @!p1 [sflag:s21], $0x3200  }
0x73: {  	[sflag:s21] =	ssyncset.done @!p1 $0x0  }
0x74: {  	s22 =	rddreg [dreg:$0x5];
	[sflag:s21] =	ssyncadd.s32 @!p1 $0xFFFFCE00  }
0x75: {  	[spmem:s22] =	stream.linear.scatter @!p1 [tilespmem:s20], [sflag:$0x9], $0x3200, $0x38;
	[tilespmem:$0x1EB40] =	vst v63  }
0x76: {  	_ =	swait.ge @!p1 [sflag:s21], $0x3200  }
0x77: {  	[sflag:s21] =	ssyncset.done @!p1 $0x0  }
0x78: {  	s22 =	rddreg [dreg:$0x6];
	[sflag:s21] =	ssyncadd.s32 @!p1 $0xFFFFCE00  }
0x79: {  	[tilespmem:s20], [sflag:$0x9] =	stream.linear.gather @!p1 [hbm4b:s22+s18], $0x3200, $0x38;
	[tilespmem:$0x1EB40] =	vst v63  }
0x7a: {  	_ =	swait.ge @!p1 [sflag:s21], $0x3200  }
0x7b: {  	[sflag:s21] =	ssyncset.done @!p1 $0x0  }
0x7c: {  	s22 =	rddreg [dreg:$0x7];
	[sflag:s21] =	ssyncadd.s32 @!p1 $0xFFFFCE00  }
0x7d: {  	[spmem:s22] =	stream.linear.scatter @!p1 [tilespmem:s20], [sflag:$0x9], $0x3200, $0x38;
	[tilespmem:$0x1EB40] =	vst v63  }
0x7e: {  	_ =	swait.ge @!p1 [sflag:s21], $0x3200  }
0x7f: {  	[sflag:s21] =	ssyncset.done @!p1 $0x0  }
0x80: {  	s22 =	rddreg [dreg:$0x8];
	[sflag:s21] =	ssyncadd.s32 @!p1 $0xFFFFCE00  }
0x81: {  	[tilespmem:s20], [sflag:$0x9] =	stream.linear.gather @!p1 [hbm4b:s22+s18], $0x3200, $0x38;
	[tilespmem:$0x1EB40] =	vst v63  }
0x82: {  	_ =	swait.ge @!p1 [sflag:s21], $0x3200  }
0x83: {  	[sflag:s21] =	ssyncset.done @!p1 $0x0  }
0x84: {  	s22 =	rddreg [dreg:$0x9];
	[sflag:s21] =	ssyncadd.s32 @!p1 $0xFFFFCE00  }
0x85: {  	[spmem:s22] =	stream.linear.scatter @!p1 [tilespmem:s20], [sflag:$0x9], $0x3200, $0x38;
	[tilespmem:$0x1EB40] =	vst v63  }
0x86: {  	_ =	swait.ge @!p1 [sflag:s21], $0x3200  }
0x87: {  	[sflag:s21] =	ssyncset.done @!p1 $0x0  }
0x88: {  	s22 =	rddreg [dreg:$0xa];
	[sflag:s21] =	ssyncadd.s32 @!p1 $0xFFFFCE00  }
0x89: {  	[tilespmem:s20], [sflag:$0x9] =	stream.linear.gather @!p1 [hbm4b:s22+s18], $0x3200, $0x38;
	[tilespmem:$0x1EB40] =	vst v63  }
0x8a: {  	_ =	swait.ge @!p1 [sflag:s21], $0x3200  }
0x8b: {  	[sflag:s21] =	ssyncset.done @!p1 $0x0  }
0x8c: {  	s22 =	rddreg [dreg:$0xb];
	[sflag:s21] =	ssyncadd.s32 @!p1 $0xFFFFCE00  }
0x8d: {  	[spmem:s22] =	stream.linear.scatter @!p1 [tilespmem:s20], [sflag:$0x9], $0x3200, $0x38;
	[tilespmem:$0x1EB40] =	vst v63  }
0x8e: {  	_ =	swait.ge @!p1 [sflag:s21], $0x3200  }
0x8f: {  	[sflag:s21] =	ssyncset.done @!p1 $0x0  }
0x90: {  	s22 =	rddreg [dreg:$0xc];
	[sflag:s21] =	ssyncadd.s32 @!p1 $0xFFFFCE00  }
0x91: {  	[tilespmem:s20], [sflag:$0x9] =	stream.linear.gather @!p1 [hbm4b:s22+s18], $0x3200, $0x38;
	[tilespmem:$0x1EB40] =	vst v63  }
0x92: {  	_ =	swait.ge @!p1 [sflag:s21], $0x3200  }
0x93: {  	[sflag:s21] =	ssyncset.done @!p1 $0x0  }
0x94: {  	s18 =	rddreg [dreg:$0xd];
	[sflag:s21] =	ssyncadd.s32 @!p1 $0xFFFFCE00  }
0x95: {  	[spmem:s18] =	stream.linear.scatter @!p1 [tilespmem:s20], [sflag:$0x9], $0x3200, $0x38;
	[tilespmem:$0x1EB40] =	vst v63  }
0x96: {  	_ =	swait.ge @!p1 [sflag:s21], $0x3200  }
0x97: {  	[sflag:s21] =	ssyncset.done @!p1 $0x0  }
0x98: {  	[sflag:s21] =	ssyncadd.s32 @!p1 $0xFFFFCE00  }
0x99: {  	[bflag:$0x0] =	sbarrier.arrive $0xFFFF  }
0x9a: {  	s18 =	simm.s32 $0x0;
	s21 =	rddreg [dreg:$0xe]  }
0x9b: {  	[tilespmem:s18], [sflag:$0x9] =	stream.linear.gather [hbm4b:s21+s18], $0x5000, $0x38;
	[tilespmem:$0x1EB40] =	vst v63  }
0x9c: {  	_ =	swait.ge [sflag:s30], $0x5000  }
0x9d: {  	[sflag:s30] =	ssyncset.done $0x0  }
.Ltmp2:
0x9e: {  	s22 =	rddreg [dreg:$0xf];
	[sflag:s30] =	ssyncadd.s32 $0xFFFFB000;
	(pc) =	sbr.rel @!p0 .LBB2_2-.Ltmp2, $4  }
0x9f: {  	[tilespmem:s31], [sflag:$0x9] =	stream.linear.gather [hbm4b:s22+s18], $0x5000, $0x38;
	[tilespmem:$0x1EB40] =	vst v63  }
0xa0: {  	_ =	swait.ge [sflag:s30], $0x5000  }
0xa1: {  	[sflag:s30] =	ssyncset.done $0x0  }
0xa2: {  	s18 =	simm.s32 $0x0;
	[sflag:s30] =	ssyncadd.s32 $0xFFFFB000  }
0xa3: {  	[tilespmem:s1], [sflag:$0x1] =	stream.indirect.gather [hbm4b:s5+s0], $0x40, s18, s0, $0xb8;
	[tilespmem:$0x1EB40] =	vst v63  }
0xa4: {  	s20 =	simm.s32 $0x80  }
0xa5: {  	[tilespmem:s3], [sflag:$0x2] =	stream.indirect.gather [hbm4b:s5+s0], $0x40, s20, s0, $0xb8;
	[tilespmem:$0x1EB40] =	vst v63  }
0xa6: {  	s21 =	simm.s32 $0x100  }
0xa7: {  	[tilespmem:s6], [sflag:$0x3] =	stream.indirect.gather [hbm4b:s5+s0], $0x40, s21, s0, $0xb8;
	[tilespmem:$0x1EB40] =	vst v63  }
0xa8: {  	_ =	swait.ge [sflag:s7], $0x1F40  }
0xa9: {  	[sflag:s7] =	ssyncset.done $0x0  }
0xaa: {  	[sflag:s7] =	ssyncadd.s32 $0xFFFFE0C0  }
0xab: {  	[spmem:s2] =	stream.indirect.scatter.add.f32 [tilespmem:s1], [sflag:$0x5], $0x40, s31, s0, $0xb8;
	[tilespmem:$0x1EB40] =	vst v63  }
0xac: {  	s22 =	simm.s32 $0x180  }
0xad: {  	[tilespmem:s8], [sflag:$0x4] =	stream.indirect.gather [hbm4b:s5+s0], $0x40, s22, s0, $0xb8;
	[tilespmem:$0x1EB40] =	vst v63  }
0xae: {  	_ =	swait.ge [sflag:s9], $0x1F40  }
0xaf: {  	[sflag:s9] =	ssyncset.done $0x0  }
0xb0: {  	s20 =	simm.s32 $0x5080;
	[sflag:s9] =	ssyncadd.s32 $0xFFFFE0C0  }
0xb1: {  	[spmem:s2] =	stream.indirect.scatter.add.f32 [tilespmem:s3], [sflag:$0x6], $0x40, s20, s0, $0xb8;
	[tilespmem:$0x1EB40] =	vst v63  }
0xb2: {  	_ =	swait.ge [sflag:s10], $0x1F40  }
0xb3: {  	[sflag:s10] =	ssyncset.done $0x0  }
0xb4: {  	s21 =	simm.s32 $0x200;
	[sflag:s10] =	ssyncadd.s32 $0xFFFFE0C0  }
0xb5: {  	[tilespmem:s1], [sflag:$0x1] =	stream.indirect.gather [hbm4b:s5+s0], $0x40, s21, s0, $0xb8;
	[tilespmem:$0x1EB40] =	vst v63  }
0xb6: {  	_ =	swait.ge [sflag:s11], $0x1F40  }
0xb7: {  	[sflag:s11] =	ssyncset.done $0x0  }
0xb8: {  	s22 =	simm.s32 $0x5100;
	[sflag:s11] =	ssyncadd.s32 $0xFFFFE0C0  }
0xb9: {  	[spmem:s2] =	stream.indirect.scatter.add.f32 [tilespmem:s6], [sflag:$0x7], $0x40, s22, s0, $0xb8;
	[tilespmem:$0x1EB40] =	vst v63  }
0xba: {  	_ =	swait.ge [sflag:s12], $0x1F40  }
0xbb: {  	[sflag:s12] =	ssyncset.done $0x0  }
0xbc: {  	s20 =	simm.s32 $0x280;
	[sflag:s12] =	ssyncadd.s32 $0xFFFFE0C0  }
0xbd: {  	[tilespmem:s3], [sflag:$0x2] =	stream.indirect.gather [hbm4b:s5+s0], $0x40, s20, s0, $0xb8;
	[tilespmem:$0x1EB40] =	vst v63  }
0xbe: {  	_ =	swait.ge [sflag:s13], $0x1F40  }
0xbf: {  	[sflag:s13] =	ssyncset.done $0x0  }
0xc0: {  	s21 =	simm.s32 $0x5180;
	[sflag:s13] =	ssyncadd.s32 $0xFFFFE0C0  }
0xc1: {  	[spmem:s2] =	stream.indirect.scatter.add.f32 [tilespmem:s8], [sflag:$0x8], $0x40, s21, s0, $0xb8;
	[tilespmem:$0x1EB40] =	vst v63  }
0xc2: {  	_ =	swait.ge [sflag:s14], $0x1F40  }
0xc3: {  	[sflag:s14] =	ssyncset.done $0x0  }
0xc4: {  	s22 =	simm.s32 $0x300;
	[sflag:s14] =	ssyncadd.s32 $0xFFFFE0C0  }
0xc5: {  	[tilespmem:s6], [sflag:$0x3] =	stream.indirect.gather [hbm4b:s5+s0], $0x40, s22, s0, $0xb8;
	[tilespmem:$0x1EB40] =	vst v63  }
0xc6: {  	_ =	swait.ge [sflag:s7], $0x1F40  }
0xc7: {  	[sflag:s7] =	ssyncset.done $0x0  }
0xc8: {  	s20 =	simm.s32 $0x5200;
	[sflag:s7] =	ssyncadd.s32 $0xFFFFE0C0  }
0xc9: {  	[spmem:s2] =	stream.indirect.scatter.add.f32 [tilespmem:s1], [sflag:$0x5], $0x40, s20, s0, $0xb8;
	[tilespmem:$0x1EB40] =	vst v63  }
0xca: {  	_ =	swait.ge [sflag:s15], $0x1F40  }
0xcb: {  	[sflag:s15] =	ssyncset.done $0x0  }
0xcc: {  	s21 =	simm.s32 $0x380;
	[sflag:s15] =	ssyncadd.s32 $0xFFFFE0C0  }
0xcd: {  	[tilespmem:s8], [sflag:$0x4] =	stream.indirect.gather [hbm4b:s5+s0], $0x40, s21, s0, $0xb8;
	[tilespmem:$0x1EB40] =	vst v63  }
0xce: {  	_ =	swait.ge [sflag:s9], $0x1F40  }
0xcf: {  	[sflag:s9] =	ssyncset.done $0x0  }
0xd0: {  	s22 =	simm.s32 $0x5280;
	[sflag:s9] =	ssyncadd.s32 $0xFFFFE0C0  }
0xd1: {  	[spmem:s2] =	stream.indirect.scatter.add.f32 [tilespmem:s3], [sflag:$0x6], $0x40, s22, s0, $0xb8;
	[tilespmem:$0x1EB40] =	vst v63  }
0xd2: {  	_ =	swait.ge [sflag:s10], $0x1F40  }
0xd3: {  	[sflag:s10] =	ssyncset.done $0x0  }
0xd4: {  	s20 =	simm.s32 $0x400;
	[sflag:s10] =	ssyncadd.s32 $0xFFFFE0C0  }
0xd5: {  	[tilespmem:s1], [sflag:$0x1] =	stream.indirect.gather [hbm4b:s5+s0], $0x40, s20, s0, $0xb8;
	[tilespmem:$0x1EB40] =	vst v63  }
0xd6: {  	_ =	swait.ge [sflag:s11], $0x1F40  }
0xd7: {  	[sflag:s11] =	ssyncset.done $0x0  }
0xd8: {  	s21 =	simm.s32 $0x5300;
	[sflag:s11] =	ssyncadd.s32 $0xFFFFE0C0  }
0xd9: {  	[spmem:s2] =	stream.indirect.scatter.add.f32 [tilespmem:s6], [sflag:$0x7], $0x40, s21, s0, $0xb8;
	[tilespmem:$0x1EB40] =	vst v63  }
0xda: {  	_ =	swait.ge [sflag:s12], $0x1F40  }
0xdb: {  	[sflag:s12] =	ssyncset.done $0x0  }
0xdc: {  	s22 =	simm.s32 $0x480;
	[sflag:s12] =	ssyncadd.s32 $0xFFFFE0C0  }
0xdd: {  	[tilespmem:s3], [sflag:$0x2] =	stream.indirect.gather [hbm4b:s5+s0], $0x40, s22, s0, $0xb8;
	[tilespmem:$0x1EB40] =	vst v63  }
0xde: {  	_ =	swait.ge [sflag:s13], $0x1F40  }
0xdf: {  	[sflag:s13] =	ssyncset.done $0x0  }
0xe0: {  	s18 =	simm.s32 $0x800;
	s20 =	simm.s32 $0x5380;
	[sflag:s13] =	ssyncadd.s32 $0xFFFFE0C0  }
.LBB2_6:
0xe1: {  	[spmem:s2] =	stream.indirect.scatter.add.f32 [tilespmem:s8], [sflag:$0x8], $0x40, s20, s0, $0xb8;
	[tilespmem:$0x1EB40] =	vst v63  }
0xe2: {  	s20 =	smov.u32 s18  }
0xe3: {  	p2 =	sne.s32 s18, $0x12800;
	s18 =	sadd.s32 $0x800, s18;
	_ =	swait.ge [sflag:s14], $0x1F40  }
0xe4: {  	s20 =	sshra.s32 s20, $0x2;
	[sflag:s14] =	ssyncset.done $0x0  }
0xe5: {  	s21 =	sadd.s32 $0x300, s20;
	[sflag:s14] =	ssyncadd.s32 $0xFFFFE0C0  }
0xe6: {  	[tilespmem:s6], [sflag:$0x3] =	stream.indirect.gather [hbm4b:s5+s0], $0x40, s21, s0, $0xb8;
	[tilespmem:$0x1EB40] =	vst v63  }
0xe7: {  	_ =	swait.ge [sflag:s7], $0x1F40  }
0xe8: {  	[sflag:s7] =	ssyncset.done $0x0  }
0xe9: {  	s21 =	sadd.s32 $0x5200, s20;
	[sflag:s7] =	ssyncadd.s32 $0xFFFFE0C0  }
0xea: {  	[spmem:s2] =	stream.indirect.scatter.add.f32 [tilespmem:s1], [sflag:$0x5], $0x40, s21, s0, $0xb8;
	[tilespmem:$0x1EB40] =	vst v63  }
0xeb: {  	_ =	swait.ge [sflag:s15], $0x1F40  }
0xec: {  	[sflag:s15] =	ssyncset.done $0x0  }
0xed: {  	s21 =	sadd.s32 $0x380, s20;
	[sflag:s15] =	ssyncadd.s32 $0xFFFFE0C0  }
0xee: {  	[tilespmem:s8], [sflag:$0x4] =	stream.indirect.gather [hbm4b:s5+s0], $0x40, s21, s0, $0xb8;
	[tilespmem:$0x1EB40] =	vst v63  }
0xef: {  	_ =	swait.ge [sflag:s9], $0x1F40  }
0xf0: {  	[sflag:s9] =	ssyncset.done $0x0  }
0xf1: {  	s21 =	sadd.s32 $0x5280, s20;
	[sflag:s9] =	ssyncadd.s32 $0xFFFFE0C0  }
0xf2: {  	[spmem:s2] =	stream.indirect.scatter.add.f32 [tilespmem:s3], [sflag:$0x6], $0x40, s21, s0, $0xb8;
	[tilespmem:$0x1EB40] =	vst v63  }
0xf3: {  	_ =	swait.ge [sflag:s10], $0x1F40  }
0xf4: {  	[sflag:s10] =	ssyncset.done $0x0  }
0xf5: {  	s21 =	sadd.s32 $0x400, s20;
	[sflag:s10] =	ssyncadd.s32 $0xFFFFE0C0  }
0xf6: {  	[tilespmem:s1], [sflag:$0x1] =	stream.indirect.gather [hbm4b:s5+s0], $0x40, s21, s0, $0xb8;
	[tilespmem:$0x1EB40] =	vst v63  }
0xf7: {  	_ =	swait.ge [sflag:s11], $0x1F40  }
0xf8: {  	[sflag:s11] =	ssyncset.done $0x0  }
0xf9: {  	s21 =	sadd.s32 $0x5300, s20;
	[sflag:s11] =	ssyncadd.s32 $0xFFFFE0C0  }
0xfa: {  	[spmem:s2] =	stream.indirect.scatter.add.f32 [tilespmem:s6], [sflag:$0x7], $0x40, s21, s0, $0xb8;
	[tilespmem:$0x1EB40] =	vst v63  }
0xfb: {  	_ =	swait.ge [sflag:s12], $0x1F40  }
0xfc: {  	[sflag:s12] =	ssyncset.done $0x0  }
.Ltmp3:
0xfd: {  	s21 =	sadd.s32 $0x480, s20;
	[sflag:s12] =	ssyncadd.s32 $0xFFFFE0C0;
	(pc) =	sbr.rel @p2 .LBB2_6-.Ltmp3, $4  }
0xfe: {  	[tilespmem:s3], [sflag:$0x2] =	stream.indirect.gather [hbm4b:s5+s0], $0x40, s21, s0, $0xb8;
	[tilespmem:$0x1EB40] =	vst v63  }
0xff: {  	_ =	swait.ge [sflag:s13], $0x1F40  }
0x100: {  	[sflag:s13] =	ssyncset.done $0x0  }
0x101: {  	s20 =	sadd.s32 $0x5380, s20;
	[sflag:s13] =	ssyncadd.s32 $0xFFFFE0C0  }
.Ltmp4:
0x102: {  	_ = 	snop;
	(pc) =	sbr.rel .LBB2_7-.Ltmp4, $1  }
0x103: {  	_ =	sdelay $0x3  }
.LBB2_2:
0x104: {  	[tilespmem:s1], [sflag:$0x1] =	stream.indirect.gather [hbm4b:s4+s0], $0x40, s18, s0, $0xb8;
	[tilespmem:$0x1EB40] =	vst v63  }
0x105: {  	s20 =	simm.s32 $0x80  }
0x106: {  	[tilespmem:s3], [sflag:$0x2] =	stream.indirect.gather [hbm4b:s4+s0], $0x40, s20, s0, $0xb8;
	[tilespmem:$0x1EB40] =	vst v63  }
0x107: {  	s21 =	simm.s32 $0x100  }
0x108: {  	[tilespmem:s6], [sflag:$0x3] =	stream.indirect.gather [hbm4b:s4+s0], $0x40, s21, s0, $0xb8;
	[tilespmem:$0x1EB40] =	vst v63  }
0x109: {  	_ =	swait.ge [sflag:s7], $0x1F40  }
0x10a: {  	[sflag:s7] =	ssyncset.done $0x0  }
0x10b: {  	[sflag:s7] =	ssyncadd.s32 $0xFFFFE0C0  }
0x10c: {  	[spmem:s2] =	stream.indirect.scatter.add.f32 [tilespmem:s1], [sflag:$0x5], $0x40, s31, s0, $0xb8;
	[tilespmem:$0x1EB40] =	vst v63  }
0x10d: {  	s22 =	simm.s32 $0x180  }
0x10e: {  	[tilespmem:s8], [sflag:$0x4] =	stream.indirect.gather [hbm4b:s4+s0], $0x40, s22, s0, $0xb8;
	[tilespmem:$0x1EB40] =	vst v63  }
0x10f: {  	_ =	swait.ge [sflag:s9], $0x1F40  }
0x110: {  	[sflag:s9] =	ssyncset.done $0x0  }
0x111: {  	s20 =	simm.s32 $0x5080;
	[sflag:s9] =	ssyncadd.s32 $0xFFFFE0C0  }
0x112: {  	[spmem:s2] =	stream.indirect.scatter.add.f32 [tilespmem:s3], [sflag:$0x6], $0x40, s20, s0, $0xb8;
	[tilespmem:$0x1EB40] =	vst v63  }
0x113: {  	_ =	swait.ge [sflag:s10], $0x1F40  }
0x114: {  	[sflag:s10] =	ssyncset.done $0x0  }
0x115: {  	s21 =	simm.s32 $0x200;
	[sflag:s10] =	ssyncadd.s32 $0xFFFFE0C0  }
0x116: {  	[tilespmem:s1], [sflag:$0x1] =	stream.indirect.gather [hbm4b:s4+s0], $0x40, s21, s0, $0xb8;
	[tilespmem:$0x1EB40] =	vst v63  }
0x117: {  	_ =	swait.ge [sflag:s11], $0x1F40  }
0x118: {  	[sflag:s11] =	ssyncset.done $0x0  }
0x119: {  	s22 =	simm.s32 $0x5100;
	[sflag:s11] =	ssyncadd.s32 $0xFFFFE0C0  }
0x11a: {  	[spmem:s2] =	stream.indirect.scatter.add.f32 [tilespmem:s6], [sflag:$0x7], $0x40, s22, s0, $0xb8;
	[tilespmem:$0x1EB40] =	vst v63  }
0x11b: {  	_ =	swait.ge [sflag:s12], $0x1F40  }
0x11c: {  	[sflag:s12] =	ssyncset.done $0x0  }
0x11d: {  	s20 =	simm.s32 $0x280;
	[sflag:s12] =	ssyncadd.s32 $0xFFFFE0C0  }
0x11e: {  	[tilespmem:s3], [sflag:$0x2] =	stream.indirect.gather [hbm4b:s4+s0], $0x40, s20, s0, $0xb8;
	[tilespmem:$0x1EB40] =	vst v63  }
0x11f: {  	_ =	swait.ge [sflag:s13], $0x1F40  }
0x120: {  	[sflag:s13] =	ssyncset.done $0x0  }
0x121: {  	s21 =	simm.s32 $0x5180;
	[sflag:s13] =	ssyncadd.s32 $0xFFFFE0C0  }
0x122: {  	[spmem:s2] =	stream.indirect.scatter.add.f32 [tilespmem:s8], [sflag:$0x8], $0x40, s21, s0, $0xb8;
	[tilespmem:$0x1EB40] =	vst v63  }
0x123: {  	_ =	swait.ge [sflag:s14], $0x1F40  }
0x124: {  	[sflag:s14] =	ssyncset.done $0x0  }
0x125: {  	s22 =	simm.s32 $0x300;
	[sflag:s14] =	ssyncadd.s32 $0xFFFFE0C0  }
0x126: {  	[tilespmem:s6], [sflag:$0x3] =	stream.indirect.gather [hbm4b:s4+s0], $0x40, s22, s0, $0xb8;
	[tilespmem:$0x1EB40] =	vst v63  }
0x127: {  	_ =	swait.ge [sflag:s7], $0x1F40  }
0x128: {  	[sflag:s7] =	ssyncset.done $0x0  }
0x129: {  	s20 =	simm.s32 $0x5200;
	[sflag:s7] =	ssyncadd.s32 $0xFFFFE0C0  }
0x12a: {  	[spmem:s2] =	stream.indirect.scatter.add.f32 [tilespmem:s1], [sflag:$0x5], $0x40, s20, s0, $0xb8;
	[tilespmem:$0x1EB40] =	vst v63  }
0x12b: {  	_ =	swait.ge [sflag:s15], $0x1F40  }
0x12c: {  	[sflag:s15] =	ssyncset.done $0x0  }
0x12d: {  	s21 =	simm.s32 $0x380;
	[sflag:s15] =	ssyncadd.s32 $0xFFFFE0C0  }
0x12e: {  	[tilespmem:s8], [sflag:$0x4] =	stream.indirect.gather [hbm4b:s4+s0], $0x40, s21, s0, $0xb8;
	[tilespmem:$0x1EB40] =	vst v63  }
0x12f: {  	_ =	swait.ge [sflag:s9], $0x1F40  }
0x130: {  	[sflag:s9] =	ssyncset.done $0x0  }
0x131: {  	s22 =	simm.s32 $0x5280;
	[sflag:s9] =	ssyncadd.s32 $0xFFFFE0C0  }
0x132: {  	[spmem:s2] =	stream.indirect.scatter.add.f32 [tilespmem:s3], [sflag:$0x6], $0x40, s22, s0, $0xb8;
	[tilespmem:$0x1EB40] =	vst v63  }
0x133: {  	_ =	swait.ge [sflag:s10], $0x1F40  }
0x134: {  	[sflag:s10] =	ssyncset.done $0x0  }
0x135: {  	s20 =	simm.s32 $0x400;
	[sflag:s10] =	ssyncadd.s32 $0xFFFFE0C0  }
0x136: {  	[tilespmem:s1], [sflag:$0x1] =	stream.indirect.gather [hbm4b:s4+s0], $0x40, s20, s0, $0xb8;
	[tilespmem:$0x1EB40] =	vst v63  }
0x137: {  	_ =	swait.ge [sflag:s11], $0x1F40  }
0x138: {  	[sflag:s11] =	ssyncset.done $0x0  }
0x139: {  	s21 =	simm.s32 $0x5300;
	[sflag:s11] =	ssyncadd.s32 $0xFFFFE0C0  }
0x13a: {  	[spmem:s2] =	stream.indirect.scatter.add.f32 [tilespmem:s6], [sflag:$0x7], $0x40, s21, s0, $0xb8;
	[tilespmem:$0x1EB40] =	vst v63  }
0x13b: {  	_ =	swait.ge [sflag:s12], $0x1F40  }
0x13c: {  	[sflag:s12] =	ssyncset.done $0x0  }
0x13d: {  	s22 =	simm.s32 $0x480;
	[sflag:s12] =	ssyncadd.s32 $0xFFFFE0C0  }
0x13e: {  	[tilespmem:s3], [sflag:$0x2] =	stream.indirect.gather [hbm4b:s4+s0], $0x40, s22, s0, $0xb8;
	[tilespmem:$0x1EB40] =	vst v63  }
0x13f: {  	_ =	swait.ge [sflag:s13], $0x1F40  }
0x140: {  	[sflag:s13] =	ssyncset.done $0x0  }
0x141: {  	s18 =	simm.s32 $0x800;
	s20 =	simm.s32 $0x5380;
	[sflag:s13] =	ssyncadd.s32 $0xFFFFE0C0  }
.LBB2_3:
0x142: {  	[spmem:s2] =	stream.indirect.scatter.add.f32 [tilespmem:s8], [sflag:$0x8], $0x40, s20, s0, $0xb8;
	[tilespmem:$0x1EB40] =	vst v63  }
0x143: {  	s20 =	smov.u32 s18  }
0x144: {  	p2 =	seq.s32 s18, $0x12800;
	s18 =	sadd.s32 $0x800, s18;
	_ =	swait.ge [sflag:s14], $0x1F40  }
0x145: {  	s20 =	sshra.s32 s20, $0x2;
	[sflag:s14] =	ssyncset.done $0x0  }
0x146: {  	s21 =	sadd.s32 $0x300, s20;
	[sflag:s14] =	ssyncadd.s32 $0xFFFFE0C0  }
0x147: {  	[tilespmem:s6], [sflag:$0x3] =	stream.indirect.gather [hbm4b:s4+s0], $0x40, s21, s0, $0xb8;
	[tilespmem:$0x1EB40] =	vst v63  }
0x148: {  	_ =	swait.ge [sflag:s7], $0x1F40  }
0x149: {  	[sflag:s7] =	ssyncset.done $0x0  }
0x14a: {  	s21 =	sadd.s32 $0x5200, s20;
	[sflag:s7] =	ssyncadd.s32 $0xFFFFE0C0  }
0x14b: {  	[spmem:s2] =	stream.indirect.scatter.add.f32 [tilespmem:s1], [sflag:$0x5], $0x40, s21, s0, $0xb8;
	[tilespmem:$0x1EB40] =	vst v63  }
0x14c: {  	_ =	swait.ge [sflag:s15], $0x1F40  }
0x14d: {  	[sflag:s15] =	ssyncset.done $0x0  }
0x14e: {  	s21 =	sadd.s32 $0x380, s20;
	[sflag:s15] =	ssyncadd.s32 $0xFFFFE0C0  }
0x14f: {  	[tilespmem:s8], [sflag:$0x4] =	stream.indirect.gather [hbm4b:s4+s0], $0x40, s21, s0, $0xb8;
	[tilespmem:$0x1EB40] =	vst v63  }
0x150: {  	_ =	swait.ge [sflag:s9], $0x1F40  }
0x151: {  	[sflag:s9] =	ssyncset.done $0x0  }
0x152: {  	s21 =	sadd.s32 $0x5280, s20;
	[sflag:s9] =	ssyncadd.s32 $0xFFFFE0C0  }
0x153: {  	[spmem:s2] =	stream.indirect.scatter.add.f32 [tilespmem:s3], [sflag:$0x6], $0x40, s21, s0, $0xb8;
	[tilespmem:$0x1EB40] =	vst v63  }
0x154: {  	_ =	swait.ge [sflag:s10], $0x1F40  }
0x155: {  	[sflag:s10] =	ssyncset.done $0x0  }
0x156: {  	s21 =	sadd.s32 $0x400, s20;
	[sflag:s10] =	ssyncadd.s32 $0xFFFFE0C0  }
0x157: {  	[tilespmem:s1], [sflag:$0x1] =	stream.indirect.gather [hbm4b:s4+s0], $0x40, s21, s0, $0xb8;
	[tilespmem:$0x1EB40] =	vst v63  }
0x158: {  	_ =	swait.ge [sflag:s11], $0x1F40  }
0x159: {  	[sflag:s11] =	ssyncset.done $0x0  }
0x15a: {  	s21 =	sadd.s32 $0x5300, s20;
	[sflag:s11] =	ssyncadd.s32 $0xFFFFE0C0  }
0x15b: {  	[spmem:s2] =	stream.indirect.scatter.add.f32 [tilespmem:s6], [sflag:$0x7], $0x40, s21, s0, $0xb8;
	[tilespmem:$0x1EB40] =	vst v63  }
0x15c: {  	_ =	swait.ge [sflag:s12], $0x1F40  }
0x15d: {  	[sflag:s12] =	ssyncset.done $0x0  }
.Ltmp5:
0x15e: {  	s21 =	sadd.s32 $0x480, s20;
	[sflag:s12] =	ssyncadd.s32 $0xFFFFE0C0;
	(pc) =	sbr.rel @!p2 .LBB2_3-.Ltmp5, $4  }
0x15f: {  	[tilespmem:s3], [sflag:$0x2] =	stream.indirect.gather [hbm4b:s4+s0], $0x40, s21, s0, $0xb8;
	[tilespmem:$0x1EB40] =	vst v63  }
0x160: {  	_ =	swait.ge [sflag:s13], $0x1F40  }
0x161: {  	[sflag:s13] =	ssyncset.done $0x0  }
0x162: {  	s20 =	sadd.s32 $0x5380, s20;
	[sflag:s13] =	ssyncadd.s32 $0xFFFFE0C0  }
0x163: {  	[spmem:s2] =	stream.indirect.scatter.add.f32 [tilespmem:s8], [sflag:$0x8], $0x40, s20, s0, $0xb8;
	[tilespmem:$0x1EB40] =	vst v63  }
0x164: {  	_ =	swait.ge [sflag:s14], $0x1F40  }
0x165: {  	[sflag:s14] =	ssyncset.done $0x0  }
0x166: {  	s18 =	simm.s32 $0x4F00;
	[sflag:s14] =	ssyncadd.s32 $0xFFFFE0C0  }
0x167: {  	[tilespmem:s6], [sflag:$0x3] =	stream.indirect.gather [hbm4b:s4+s0], $0x40, s18, s0, $0xb8;
	[tilespmem:$0x1EB40] =	vst v63  }
0x168: {  	_ =	swait.ge [sflag:s7], $0x1F40  }
0x169: {  	[sflag:s7] =	ssyncset.done $0x0  }
0x16a: {  	s21 =	simm.s32 $0x9E00;
	[sflag:s7] =	ssyncadd.s32 $0xFFFFE0C0  }
0x16b: {  	[spmem:s2] =	stream.indirect.scatter.add.f32 [tilespmem:s1], [sflag:$0x5], $0x40, s21, s0, $0xb8;
	[tilespmem:$0x1EB40] =	vst v63  }
0x16c: {  	_ =	swait.ge [sflag:s15], $0x1F40  }
0x16d: {  	[sflag:s15] =	ssyncset.done $0x0  }
0x16e: {  	s22 =	simm.s32 $0x4F80;
	[sflag:s15] =	ssyncadd.s32 $0xFFFFE0C0  }
0x16f: {  	[tilespmem:s8], [sflag:$0x4] =	stream.indirect.gather [hbm4b:s4+s0], $0x40, s22, s0, $0xb8;
	[tilespmem:$0x1EB40] =	vst v63  }
0x170: {  	_ =	swait.ge [sflag:s9], $0x1F40  }
0x171: {  	[sflag:s9] =	ssyncset.done $0x0  }
0x172: {  	s20 =	simm.s32 $0x9E80;
	[sflag:s9] =	ssyncadd.s32 $0xFFFFE0C0  }
0x173: {  	[spmem:s2] =	stream.indirect.scatter.add.f32 [tilespmem:s3], [sflag:$0x6], $0x40, s20, s0, $0xb8;
	[tilespmem:$0x1EB40] =	vst v63  }
0x174: {  	_ =	swait.ge [sflag:s11], $0x1F40  }
0x175: {  	[sflag:s11] =	ssyncset.done $0x0  }
0x176: {  	s21 =	simm.s32 $0x9F00;
	[sflag:s11] =	ssyncadd.s32 $0xFFFFE0C0  }
0x177: {  	[spmem:s2] =	stream.indirect.scatter.add.f32 [tilespmem:s6], [sflag:$0x7], $0x40, s21, s0, $0xb8;
	[tilespmem:$0x1EB40] =	vst v63  }
.Ltmp6:
0x178: {  	_ = 	snop;
	(pc) =	sbr.rel .LBB2_8-.Ltmp6, $4  }
0x179: {  	_ =	swait.ge [sflag:s13], $0x1F40  }
0x17a: {  	[sflag:s13] =	ssyncset.done $0x0  }
0x17b: {  	s22 =	simm.s32 $0x9F80;
	[sflag:s13] =	ssyncadd.s32 $0xFFFFE0C0  }
0x17c: {  	[spmem:s2] =	stream.indirect.scatter.add.f32 [tilespmem:s8], [sflag:$0x8], $0x40, s22, s0, $0xb8;
	[tilespmem:$0x1EB40] =	vst v63  }
.LBB2_9:
0x17d: {  	_ =	sfence.sel $0x180000  }
0x17e: {  	[bflag:$0x0] =	sbarrier.arrive $0xFFFF  }
0x17f: {  	_ =	strace $0x9000004A  }
0x180: {  	s0 =	stileid.u32;
	[bflag:$0x2] =	sbarrier.arrive $0xFFFF  }
0x181: {  	p0 =	sne.s32 s0, $0x0;
	s0 =	rddreg [dreg:$0x3]  }
0x182: {  	s0 =	sadd.s32 @!p0 $0x100000, s0  }
0x183: {  	[sflag:s0] =	ssyncadd.tile.s32 @!p0 $0x1;
	_ =	shalt  }
.Lfunc_end2:
_tile_overlayer_lowered:
.L_overlay_start_2:
0x184: {  	(tag) =	ssettag $0x2  }
0x185: {  	s0 =	rddreg [dreg:$0x0];
	s2 =	stileid.u32  }
0x186: {  	s1 =	rddreg [dreg:$0x1];
	p0 =	sne.s32 s2, $0x0  }
0x187: {  	s3 =	rddreg [dreg:$0x2];
	[bflag:$0x3] =	sbarrier.arrive $0xFFFF;
	s2 =	simm.s32 @!p0 $0x1C09  }
0x188: {  	[timem:s3], [sflag:s2] =	dma.local @!p0 [hbm:s0], s1  }
0x189: {  	s0 =	simm.s32 @!p0 $0x9  }
0x18a: {  	_ =	swait.ge @!p0 [sflag:s0], s1  }
0x18b: {  	s1 =	ssub.s32 @!p0 $0x0, s1;
	[sflag:s0] =	ssyncset.done @!p0 $0x0  }
0x18c: {  	[sflag:s0] =	ssyncadd.s32 @!p0 s1  }
0x18d: {  	[bflag:$0x3] =	sbarrier.arrive $0xFFFF  }
0x18e: {  	_ =	shalt  }

</sc_bundles>
